<compile_context>
chip_gen: v7x
topology: tpu7x:2x2x1
jax: 0.10.2.dev20260603
libtpu: 0.0.44.dev20260713+nightly
codegen_flags: <defaults>
</compile_context>

<pallas_src>
import functools

import jax
import jax.numpy as jnp
from jax import lax
from jax.experimental import pallas as pl
from jax.experimental.pallas import tpu as pltpu
from jax.experimental.pallas import tpu_sc as plsc

MAX_V = 1000
VPAD = 1024
D = 128
NB = 1024
L = 50
NW = 32
RPW = NB // NW


def _table_body(w_ref, b_ref, o_ref):
    iota_v = lax.broadcasted_iota(jnp.int32, (VPAD, MAX_V), 0)
    iota_c = lax.broadcasted_iota(jnp.int32, (VPAD, MAX_V), 1)
    onehot = (iota_v == iota_c).astype(jnp.float32)
    o_ref[...] = (
        lax.dot_general(
            onehot,
            w_ref[...],
            dimension_numbers=(((1,), (1,)), ((), ())),
            preferred_element_type=jnp.float32,
        )
        + b_ref[...]
    )


def _build_table(W, b_row):
    return pl.pallas_call(
        _table_body,
        out_shape=jax.ShapeDtypeStruct((VPAD, D), jnp.float32),
    )(W, b_row)


_mesh = plsc.VectorSubcoreMesh(core_axis_name="c", subcore_axis_name="s")


@functools.partial(
    pl.kernel,
    mesh=_mesh,
    out_type=jax.ShapeDtypeStruct((NB, L, D), jnp.float32),
    scratch_types=[
        pltpu.VMEM((RPW, L), jnp.int32),
        pltpu.VMEM((3, 2, L, D), jnp.float32),
        pltpu.SemaphoreType.DMA,
        pltpu.SemaphoreType.DMA,
    ],
)
def _sc_emb(table_hbm, x_hbm, out_hbm, idx_v, buf, gsem, ssem):
    c = lax.axis_index("c")
    s = lax.axis_index("s")
    wid = s * 2 + c
    r0 = wid * RPW
    pltpu.sync_copy(x_hbm.at[pl.ds(r0, RPW)], idx_v)

    npairs = RPW // 2
    gath = [None] * npairs
    writ = [None] * npairs

    def issue_gather(p):
        k = p % 3
        return (
            pltpu.async_copy(
                table_hbm.at[idx_v.at[2 * p]], buf.at[k, 0], gsem
            ),
            pltpu.async_copy(
                table_hbm.at[idx_v.at[2 * p + 1]], buf.at[k, 1], gsem
            ),
        )

    gath[0] = issue_gather(0)
    gath[1] = issue_gather(1)
    gath[2] = issue_gather(2)
    for p in range(npairs):
        k = p % 3
        if p >= 3:
            writ[p - 3].wait()
        gath[p][0].wait()
        gath[p][1].wait()
        writ[p] = pltpu.async_copy(
            buf.at[k], out_hbm.at[pl.ds(r0 + 2 * p, 2)], ssem
        )
        if p + 3 < npairs:
            gath[p + 3] = issue_gather(p + 3)
    writ[npairs - 3].wait()
    writ[npairs - 2].wait()
    writ[npairs - 1].wait()


def kernel(x, W, b):
    table = _build_table(W, b.reshape(1, D))
    return _sc_emb(table, x.astype(jnp.int32))

# --- scband reference (transcript-rebuilt; emitter-appended) ---
"""Pipeline reference for scband-index2input-17317308137668 (READ-ONLY COPY).

The authoritative reference and input builder live on the scoring server;
editing this copy changes nothing except your own understanding.
"""

import jax, jax.numpy as jnp
import numpy as np

MAX_WORDS = 1000
INPUT_SIZE = 128

def setup_inputs(seed: int = 0) -> dict:
    key = jax.random.key(seed)
    k1, k2, k3 = jax.random.split(key, 3)
    x = jax.random.randint(k1, (1024, 50), 0, MAX_WORDS, dtype=jnp.int64) if jax.config.jax_enable_x64 else jax.random.randint(k1, (1024, 50), 0, MAX_WORDS)
    # nn.Linear(max_words, input_size): weight [input_size, max_words], bias [input_size]
    bound = 1.0 / np.sqrt(MAX_WORDS)
    W = jax.random.uniform(k2, (INPUT_SIZE, MAX_WORDS), dtype=jnp.float32, minval=-bound, maxval=bound)
    b = jax.random.uniform(k3, (INPUT_SIZE,), dtype=jnp.float32, minval=-bound, maxval=bound)
    return {"x": x, "W": W, "b": b}

def reference(x, W, b):
    # Faithful translation: one_hot -> float -> Linear
    oh = jax.nn.one_hot(x, MAX_WORDS, dtype=jnp.float32)  # [B, L, V]
    out = jnp.matmul(oh, W.T) + b  # [B, L, input_size]
    return out

if __name__ == "__main__":
    import jax
    _d = setup_inputs()
    print(jax.jit(kernel)(*tuple(_d.values())))

</pallas_src>

<mosaic_0001>
#map = affine_map<(d0, d1) -> (0, 0)>
#map1 = affine_map<(d0, d1) -> (0, 0, 0)>
module attributes {stable_mosaic.version = 14 : i64} {
  func.func @_sc_emb(%arg0: i32, %arg1: i32, %arg2: memref<1024x128xf32, #tpu.memory_space<hbm>>, %arg3: memref<1024x50xi32, #tpu.memory_space<hbm>>, %arg4: memref<1024x50x128xf32, #tpu.memory_space<hbm>>, %arg5: memref<32x50xi32, #tpu.memory_space<vmem>>, %arg6: memref<3x2x50x128xf32, #tpu.memory_space<vmem>>, %arg7: memref<!tpu.dma_semaphore, #tpu.memory_space<semaphore_mem>>, %arg8: memref<!tpu.dma_semaphore, #tpu.memory_space<semaphore_mem>>) attributes {dimension_semantics = [#tpu.dimension_semantics<core_parallel>, #tpu.dimension_semantics<subcore_parallel>], iteration_bounds = array<i64: 2, 16>, scalar_prefetch = 0 : i64, scratch_operands = 4 : i64, tpu.core_type = #tpu.core_type<sc_vector_subcore>, window_params = [{transform_indices = #map}, {transform_indices = #map}, {transform_indices = #map1}]} {
    %mul3A = arith.constant 2 : i32
    %mul3A_0 = arith.muli %arg1, %mul3A : i32
    %add3A = arith.addi %mul3A_0, %arg0 : i32
    %mul3A_1 = arith.constant 32 : i32
    %mul3A_2 = arith.muli %add3A, %mul3A_1 : i32
    "tpu.region"() ({
      %run_scoped3A = tpu.sem_alloc : memref<!tpu.dma_semaphore, #tpu.memory_space<semaphore_mem>>
      %dma_start3A_1409 = arith.constant 0 : i32
      %dma_start3A_1410 = tpu.memref_slice %arg3[%mul3A_2, %dma_start3A_1409] : memref<1024x50xi32, #tpu.memory_space<hbm>> -> memref<32x50xi32, #tpu.memory_space<hbm>>
      %dma_start3A_1411 = arith.constant 0 : i32
      %dma_start3A_1412 = tpu.memref_slice %arg3[%mul3A_2, %dma_start3A_1411] : memref<1024x50xi32, #tpu.memory_space<hbm>> -> memref<32x50xi32, #tpu.memory_space<hbm>>
      tpu.enqueue_dma source(%dma_start3A_1412 : memref<32x50xi32, #tpu.memory_space<hbm>>) target(%arg5 : memref<32x50xi32, #tpu.memory_space<vmem>>) target_semaphore(%run_scoped3A : memref<!tpu.dma_semaphore, #tpu.memory_space<semaphore_mem>>)
      %dma_wait3A_1413 = arith.constant 0 : i32
      %dma_wait3A_1414 = tpu.memref_slice %arg3[%mul3A_2, %dma_wait3A_1413] : memref<1024x50xi32, #tpu.memory_space<hbm>> -> memref<32x50xi32, #tpu.memory_space<hbm>>
      %dma_wait3A_1415 = arith.constant 0 : i32
      %dma_wait3A_1416 = tpu.memref_slice %arg3[%mul3A_2, %dma_wait3A_1415] : memref<1024x50xi32, #tpu.memory_space<hbm>> -> memref<32x50xi32, #tpu.memory_space<hbm>>
      tpu.wait_dma2 semaphore(%run_scoped3A : memref<!tpu.dma_semaphore, #tpu.memory_space<semaphore_mem>>) src(%dma_wait3A_1416 : memref<32x50xi32, #tpu.memory_space<hbm>>) dst(%arg5 : memref<32x50xi32, #tpu.memory_space<vmem>>)
      tpu.yield
    }) : () -> ()
    %dma_start3A = arith.constant 0 : i32
    %dma_start3A_3 = arith.constant 0 : i32
    %dma_start3A_4 = arith.constant 0 : i32
    %dma_start3A_5 = arith.constant 0 : i32
    %dma_start3A_6 = arith.constant 0 : i32
    %dma_start3A_7 = tpu.memref_slice %arg6[%dma_start3A_3, %dma_start3A_4, %dma_start3A_5, %dma_start3A_6] : memref<3x2x50x128xf32, #tpu.memory_space<vmem>> -> memref<1x1x50x128xf32, #tpu.memory_space<vmem>>
    %dma_start3A_8 = tpu.memref_squeeze %dma_start3A_7 : memref<1x1x50x128xf32, #tpu.memory_space<vmem>> -> memref<50x128xf32, #tpu.memory_space<vmem>>
    %dma_start3A_9 = arith.constant 0 : i32
    %dma_start3A_10 = tpu.memref_slice %arg5[%dma_start3A, %dma_start3A_9] : memref<32x50xi32, #tpu.memory_space<vmem>> -> memref<1x50xi32, #tpu.memory_space<vmem>>
    %dma_start3A_11 = tpu.memref_squeeze %dma_start3A_10 : memref<1x50xi32, #tpu.memory_space<vmem>> -> memref<50xi32, #tpu.memory_space<vmem>>
    %dma_start3A_12 = arith.constant 0 : i32
    %dma_start3A_13 = arith.constant 0 : i32
    %dma_start3A_14 = tpu.memref_slice %arg2[%dma_start3A_12, %dma_start3A_13] : memref<1024x128xf32, #tpu.memory_space<hbm>> -> memref<1024x128xf32, #tpu.memory_space<hbm>>
    tpu.enqueue_indirect_dma source(%dma_start3A_14 : memref<1024x128xf32, #tpu.memory_space<hbm>>) target(%dma_start3A_8 : memref<50x128xf32, #tpu.memory_space<vmem>>) offsets(%dma_start3A_11 : memref<50xi32, #tpu.memory_space<vmem>>) semaphore(%arg7 : memref<!tpu.dma_semaphore, #tpu.memory_space<semaphore_mem>>)
    %dma_start3A_15 = arith.constant 1 : i32
    %dma_start3A_16 = arith.constant 0 : i32
    %dma_start3A_17 = arith.constant 1 : i32
    %dma_start3A_18 = arith.constant 0 : i32
    %dma_start3A_19 = arith.constant 0 : i32
    %dma_start3A_20 = tpu.memref_slice %arg6[%dma_start3A_16, %dma_start3A_17, %dma_start3A_18, %dma_start3A_19] : memref<3x2x50x128xf32, #tpu.memory_space<vmem>> -> memref<1x1x50x128xf32, #tpu.memory_space<vmem>>
    %dma_start3A_21 = tpu.memref_squeeze %dma_start3A_20 : memref<1x1x50x128xf32, #tpu.memory_space<vmem>> -> memref<50x128xf32, #tpu.memory_space<vmem>>
    %dma_start3A_22 = arith.constant 0 : i32
    %dma_start3A_23 = tpu.memref_slice %arg5[%dma_start3A_15, %dma_start3A_22] : memref<32x50xi32, #tpu.memory_space<vmem>> -> memref<1x50xi32, #tpu.memory_space<vmem>>
    %dma_start3A_24 = tpu.memref_squeeze %dma_start3A_23 : memref<1x50xi32, #tpu.memory_space<vmem>> -> memref<50xi32, #tpu.memory_space<vmem>>
    %dma_start3A_25 = arith.constant 0 : i32
    %dma_start3A_26 = arith.constant 0 : i32
    %dma_start3A_27 = tpu.memref_slice %arg2[%dma_start3A_25, %dma_start3A_26] : memref<1024x128xf32, #tpu.memory_space<hbm>> -> memref<1024x128xf32, #tpu.memory_space<hbm>>
    tpu.enqueue_indirect_dma source(%dma_start3A_27 : memref<1024x128xf32, #tpu.memory_space<hbm>>) target(%dma_start3A_21 : memref<50x128xf32, #tpu.memory_space<vmem>>) offsets(%dma_start3A_24 : memref<50xi32, #tpu.memory_space<vmem>>) semaphore(%arg7 : memref<!tpu.dma_semaphore, #tpu.memory_space<semaphore_mem>>)
    %dma_start3A_28 = arith.constant 2 : i32
    %dma_start3A_29 = arith.constant 1 : i32
    %dma_start3A_30 = arith.constant 0 : i32
    %dma_start3A_31 = arith.constant 0 : i32
    %dma_start3A_32 = arith.constant 0 : i32
    %dma_start3A_33 = tpu.memref_slice %arg6[%dma_start3A_29, %dma_start3A_30, %dma_start3A_31, %dma_start3A_32] : memref<3x2x50x128xf32, #tpu.memory_space<vmem>> -> memref<1x1x50x128xf32, #tpu.memory_space<vmem>>
    %dma_start3A_34 = tpu.memref_squeeze %dma_start3A_33 : memref<1x1x50x128xf32, #tpu.memory_space<vmem>> -> memref<50x128xf32, #tpu.memory_space<vmem>>
    %dma_start3A_35 = arith.constant 0 : i32
    %dma_start3A_36 = tpu.memref_slice %arg5[%dma_start3A_28, %dma_start3A_35] : memref<32x50xi32, #tpu.memory_space<vmem>> -> memref<1x50xi32, #tpu.memory_space<vmem>>
    %dma_start3A_37 = tpu.memref_squeeze %dma_start3A_36 : memref<1x50xi32, #tpu.memory_space<vmem>> -> memref<50xi32, #tpu.memory_space<vmem>>
    %dma_start3A_38 = arith.constant 0 : i32
    %dma_start3A_39 = arith.constant 0 : i32
    %dma_start3A_40 = tpu.memref_slice %arg2[%dma_start3A_38, %dma_start3A_39] : memref<1024x128xf32, #tpu.memory_space<hbm>> -> memref<1024x128xf32, #tpu.memory_space<hbm>>
    tpu.enqueue_indirect_dma source(%dma_start3A_40 : memref<1024x128xf32, #tpu.memory_space<hbm>>) target(%dma_start3A_34 : memref<50x128xf32, #tpu.memory_space<vmem>>) offsets(%dma_start3A_37 : memref<50xi32, #tpu.memory_space<vmem>>) semaphore(%arg7 : memref<!tpu.dma_semaphore, #tpu.memory_space<semaphore_mem>>)
    %dma_start3A_41 = arith.constant 3 : i32
    %dma_start3A_42 = arith.constant 1 : i32
    %dma_start3A_43 = arith.constant 1 : i32
    %dma_start3A_44 = arith.constant 0 : i32
    %dma_start3A_45 = arith.constant 0 : i32
    %dma_start3A_46 = tpu.memref_slice %arg6[%dma_start3A_42, %dma_start3A_43, %dma_start3A_44, %dma_start3A_45] : memref<3x2x50x128xf32, #tpu.memory_space<vmem>> -> memref<1x1x50x128xf32, #tpu.memory_space<vmem>>
    %dma_start3A_47 = tpu.memref_squeeze %dma_start3A_46 : memref<1x1x50x128xf32, #tpu.memory_space<vmem>> -> memref<50x128xf32, #tpu.memory_space<vmem>>
    %dma_start3A_48 = arith.constant 0 : i32
    %dma_start3A_49 = tpu.memref_slice %arg5[%dma_start3A_41, %dma_start3A_48] : memref<32x50xi32, #tpu.memory_space<vmem>> -> memref<1x50xi32, #tpu.memory_space<vmem>>
    %dma_start3A_50 = tpu.memref_squeeze %dma_start3A_49 : memref<1x50xi32, #tpu.memory_space<vmem>> -> memref<50xi32, #tpu.memory_space<vmem>>
    %dma_start3A_51 = arith.constant 0 : i32
    %dma_start3A_52 = arith.constant 0 : i32
    %dma_start3A_53 = tpu.memref_slice %arg2[%dma_start3A_51, %dma_start3A_52] : memref<1024x128xf32, #tpu.memory_space<hbm>> -> memref<1024x128xf32, #tpu.memory_space<hbm>>
    tpu.enqueue_indirect_dma source(%dma_start3A_53 : memref<1024x128xf32, #tpu.memory_space<hbm>>) target(%dma_start3A_47 : memref<50x128xf32, #tpu.memory_space<vmem>>) offsets(%dma_start3A_50 : memref<50xi32, #tpu.memory_space<vmem>>) semaphore(%arg7 : memref<!tpu.dma_semaphore, #tpu.memory_space<semaphore_mem>>)
    %dma_start3A_54 = arith.constant 4 : i32
    %dma_start3A_55 = arith.constant 2 : i32
    %dma_start3A_56 = arith.constant 0 : i32
    %dma_start3A_57 = arith.constant 0 : i32
    %dma_start3A_58 = arith.constant 0 : i32
    %dma_start3A_59 = tpu.memref_slice %arg6[%dma_start3A_55, %dma_start3A_56, %dma_start3A_57, %dma_start3A_58] : memref<3x2x50x128xf32, #tpu.memory_space<vmem>> -> memref<1x1x50x128xf32, #tpu.memory_space<vmem>>
    %dma_start3A_60 = tpu.memref_squeeze %dma_start3A_59 : memref<1x1x50x128xf32, #tpu.memory_space<vmem>> -> memref<50x128xf32, #tpu.memory_space<vmem>>
    %dma_start3A_61 = arith.constant 0 : i32
    %dma_start3A_62 = tpu.memref_slice %arg5[%dma_start3A_54, %dma_start3A_61] : memref<32x50xi32, #tpu.memory_space<vmem>> -> memref<1x50xi32, #tpu.memory_space<vmem>>
    %dma_start3A_63 = tpu.memref_squeeze %dma_start3A_62 : memref<1x50xi32, #tpu.memory_space<vmem>> -> memref<50xi32, #tpu.memory_space<vmem>>
    %dma_start3A_64 = arith.constant 0 : i32
    %dma_start3A_65 = arith.constant 0 : i32
    %dma_start3A_66 = tpu.memref_slice %arg2[%dma_start3A_64, %dma_start3A_65] : memref<1024x128xf32, #tpu.memory_space<hbm>> -> memref<1024x128xf32, #tpu.memory_space<hbm>>
    tpu.enqueue_indirect_dma source(%dma_start3A_66 : memref<1024x128xf32, #tpu.memory_space<hbm>>) target(%dma_start3A_60 : memref<50x128xf32, #tpu.memory_space<vmem>>) offsets(%dma_start3A_63 : memref<50xi32, #tpu.memory_space<vmem>>) semaphore(%arg7 : memref<!tpu.dma_semaphore, #tpu.memory_space<semaphore_mem>>)
    %dma_start3A_67 = arith.constant 5 : i32
    %dma_start3A_68 = arith.constant 2 : i32
    %dma_start3A_69 = arith.constant 1 : i32
    %dma_start3A_70 = arith.constant 0 : i32
    %dma_start3A_71 = arith.constant 0 : i32
    %dma_start3A_72 = tpu.memref_slice %arg6[%dma_start3A_68, %dma_start3A_69, %dma_start3A_70, %dma_start3A_71] : memref<3x2x50x128xf32, #tpu.memory_space<vmem>> -> memref<1x1x50x128xf32, #tpu.memory_space<vmem>>
    %dma_start3A_73 = tpu.memref_squeeze %dma_start3A_72 : memref<1x1x50x128xf32, #tpu.memory_space<vmem>> -> memref<50x128xf32, #tpu.memory_space<vmem>>
    %dma_start3A_74 = arith.constant 0 : i32
    %dma_start3A_75 = tpu.memref_slice %arg5[%dma_start3A_67, %dma_start3A_74] : memref<32x50xi32, #tpu.memory_space<vmem>> -> memref<1x50xi32, #tpu.memory_space<vmem>>
    %dma_start3A_76 = tpu.memref_squeeze %dma_start3A_75 : memref<1x50xi32, #tpu.memory_space<vmem>> -> memref<50xi32, #tpu.memory_space<vmem>>
    %dma_start3A_77 = arith.constant 0 : i32
    %dma_start3A_78 = arith.constant 0 : i32
    %dma_start3A_79 = tpu.memref_slice %arg2[%dma_start3A_77, %dma_start3A_78] : memref<1024x128xf32, #tpu.memory_space<hbm>> -> memref<1024x128xf32, #tpu.memory_space<hbm>>
    tpu.enqueue_indirect_dma source(%dma_start3A_79 : memref<1024x128xf32, #tpu.memory_space<hbm>>) target(%dma_start3A_73 : memref<50x128xf32, #tpu.memory_space<vmem>>) offsets(%dma_start3A_76 : memref<50xi32, #tpu.memory_space<vmem>>) semaphore(%arg7 : memref<!tpu.dma_semaphore, #tpu.memory_space<semaphore_mem>>)
    %dma_wait3A = arith.constant 0 : i32
    %dma_wait3A_80 = arith.constant 0 : i32
    %dma_wait3A_81 = arith.constant 0 : i32
    %dma_wait3A_82 = arith.constant 0 : i32
    %dma_wait3A_83 = arith.constant 0 : i32
    %dma_wait3A_84 = tpu.memref_slice %arg6[%dma_wait3A_80, %dma_wait3A_81, %dma_wait3A_82, %dma_wait3A_83] : memref<3x2x50x128xf32, #tpu.memory_space<vmem>> -> memref<1x1x50x128xf32, #tpu.memory_space<vmem>>
    %dma_wait3A_85 = tpu.memref_squeeze %dma_wait3A_84 : memref<1x1x50x128xf32, #tpu.memory_space<vmem>> -> memref<50x128xf32, #tpu.memory_space<vmem>>
    %dma_wait3A_86 = arith.constant 0 : i32
    %dma_wait3A_87 = tpu.memref_slice %arg5[%dma_wait3A, %dma_wait3A_86] : memref<32x50xi32, #tpu.memory_space<vmem>> -> memref<1x50xi32, #tpu.memory_space<vmem>>
    %dma_wait3A_88 = tpu.memref_squeeze %dma_wait3A_87 : memref<1x50xi32, #tpu.memory_space<vmem>> -> memref<50xi32, #tpu.memory_space<vmem>>
    %dma_wait3A_89 = arith.constant 0 : i32
    %dma_wait3A_90 = arith.constant 0 : i32
    %dma_wait3A_91 = tpu.memref_slice %arg2[%dma_wait3A_89, %dma_wait3A_90] : memref<1024x128xf32, #tpu.memory_space<hbm>> -> memref<1024x128xf32, #tpu.memory_space<hbm>>
    tpu.wait_indirect_dma semaphore(%arg7 : memref<!tpu.dma_semaphore, #tpu.memory_space<semaphore_mem>>) src(%dma_wait3A_91 : memref<1024x128xf32, #tpu.memory_space<hbm>>) dst(%dma_wait3A_85 : memref<50x128xf32, #tpu.memory_space<vmem>>)
    %dma_wait3A_92 = arith.constant 1 : i32
    %dma_wait3A_93 = arith.constant 0 : i32
    %dma_wait3A_94 = arith.constant 1 : i32
    %dma_wait3A_95 = arith.constant 0 : i32
    %dma_wait3A_96 = arith.constant 0 : i32
    %dma_wait3A_97 = tpu.memref_slice %arg6[%dma_wait3A_93, %dma_wait3A_94, %dma_wait3A_95, %dma_wait3A_96] : memref<3x2x50x128xf32, #tpu.memory_space<vmem>> -> memref<1x1x50x128xf32, #tpu.memory_space<vmem>>
    %dma_wait3A_98 = tpu.memref_squeeze %dma_wait3A_97 : memref<1x1x50x128xf32, #tpu.memory_space<vmem>> -> memref<50x128xf32, #tpu.memory_space<vmem>>
    %dma_wait3A_99 = arith.constant 0 : i32
    %dma_wait3A_100 = tpu.memref_slice %arg5[%dma_wait3A_92, %dma_wait3A_99] : memref<32x50xi32, #tpu.memory_space<vmem>> -> memref<1x50xi32, #tpu.memory_space<vmem>>
    %dma_wait3A_101 = tpu.memref_squeeze %dma_wait3A_100 : memref<1x50xi32, #tpu.memory_space<vmem>> -> memref<50xi32, #tpu.memory_space<vmem>>
    %dma_wait3A_102 = arith.constant 0 : i32
    %dma_wait3A_103 = arith.constant 0 : i32
    %dma_wait3A_104 = tpu.memref_slice %arg2[%dma_wait3A_102, %dma_wait3A_103] : memref<1024x128xf32, #tpu.memory_space<hbm>> -> memref<1024x128xf32, #tpu.memory_space<hbm>>
    tpu.wait_indirect_dma semaphore(%arg7 : memref<!tpu.dma_semaphore, #tpu.memory_space<semaphore_mem>>) src(%dma_wait3A_104 : memref<1024x128xf32, #tpu.memory_space<hbm>>) dst(%dma_wait3A_98 : memref<50x128xf32, #tpu.memory_space<vmem>>)
    %add3A_105 = arith.constant 0 : i32
    %add3A_106 = arith.addi %mul3A_2, %add3A_105 : i32
    %dma_start3A_107 = arith.constant 0 : i32
    %dma_start3A_108 = arith.constant 0 : i32
    %dma_start3A_109 = arith.constant 0 : i32
    %dma_start3A_110 = arith.constant 0 : i32
    %dma_start3A_111 = tpu.memref_slice %arg6[%dma_start3A_107, %dma_start3A_108, %dma_start3A_109, %dma_start3A_110] : memref<3x2x50x128xf32, #tpu.memory_space<vmem>> -> memref<1x2x50x128xf32, #tpu.memory_space<vmem>>
    %dma_start3A_112 = tpu.memref_squeeze %dma_start3A_111 : memref<1x2x50x128xf32, #tpu.memory_space<vmem>> -> memref<2x50x128xf32, #tpu.memory_space<vmem>>
    %dma_start3A_113 = arith.constant 0 : i32
    %dma_start3A_114 = arith.constant 0 : i32
    %dma_start3A_115 = tpu.memref_slice %arg4[%add3A_106, %dma_start3A_113, %dma_start3A_114] : memref<1024x50x128xf32, #tpu.memory_space<hbm>> -> memref<2x50x128xf32, #tpu.memory_space<hbm>>
    %dma_start3A_116 = arith.constant 0 : i32
    %dma_start3A_117 = arith.constant 0 : i32
    %dma_start3A_118 = tpu.memref_slice %arg4[%add3A_106, %dma_start3A_116, %dma_start3A_117] : memref<1024x50x128xf32, #tpu.memory_space<hbm>> -> memref<2x50x128xf32, #tpu.memory_space<hbm>>
    %dma_start3A_119 = arith.constant 0 : i32
    %dma_start3A_120 = arith.constant 0 : i32
    %dma_start3A_121 = arith.constant 0 : i32
    %dma_start3A_122 = tpu.memref_slice %arg6[%dma_start3A_107, %dma_start3A_119, %dma_start3A_120, %dma_start3A_121] : memref<3x2x50x128xf32, #tpu.memory_space<vmem>> -> memref<1x2x50x128xf32, #tpu.memory_space<vmem>>
    %dma_start3A_123 = tpu.memref_squeeze %dma_start3A_122 : memref<1x2x50x128xf32, #tpu.memory_space<vmem>> -> memref<2x50x128xf32, #tpu.memory_space<vmem>>
    tpu.enqueue_dma source(%dma_start3A_123 : memref<2x50x128xf32, #tpu.memory_space<vmem>>) target(%dma_start3A_118 : memref<2x50x128xf32, #tpu.memory_space<hbm>>) target_semaphore(%arg8 : memref<!tpu.dma_semaphore, #tpu.memory_space<semaphore_mem>>)
    %dma_start3A_124 = arith.constant 6 : i32
    %dma_start3A_125 = arith.constant 0 : i32
    %dma_start3A_126 = arith.constant 0 : i32
    %dma_start3A_127 = arith.constant 0 : i32
    %dma_start3A_128 = arith.constant 0 : i32
    %dma_start3A_129 = tpu.memref_slice %arg6[%dma_start3A_125, %dma_start3A_126, %dma_start3A_127, %dma_start3A_128] : memref<3x2x50x128xf32, #tpu.memory_space<vmem>> -> memref<1x1x50x128xf32, #tpu.memory_space<vmem>>
    %dma_start3A_130 = tpu.memref_squeeze %dma_start3A_129 : memref<1x1x50x128xf32, #tpu.memory_space<vmem>> -> memref<50x128xf32, #tpu.memory_space<vmem>>
    %dma_start3A_131 = arith.constant 0 : i32
    %dma_start3A_132 = tpu.memref_slice %arg5[%dma_start3A_124, %dma_start3A_131] : memref<32x50xi32, #tpu.memory_space<vmem>> -> memref<1x50xi32, #tpu.memory_space<vmem>>
    %dma_start3A_133 = tpu.memref_squeeze %dma_start3A_132 : memref<1x50xi32, #tpu.memory_space<vmem>> -> memref<50xi32, #tpu.memory_space<vmem>>
    %dma_start3A_134 = arith.constant 0 : i32
    %dma_start3A_135 = arith.constant 0 : i32
    %dma_start3A_136 = tpu.memref_slice %arg2[%dma_start3A_134, %dma_start3A_135] : memref<1024x128xf32, #tpu.memory_space<hbm>> -> memref<1024x128xf32, #tpu.memory_space<hbm>>
    tpu.enqueue_indirect_dma source(%dma_start3A_136 : memref<1024x128xf32, #tpu.memory_space<hbm>>) target(%dma_start3A_130 : memref<50x128xf32, #tpu.memory_space<vmem>>) offsets(%dma_start3A_133 : memref<50xi32, #tpu.memory_space<vmem>>) semaphore(%arg7 : memref<!tpu.dma_semaphore, #tpu.memory_space<semaphore_mem>>)
    %dma_start3A_137 = arith.constant 7 : i32
    %dma_start3A_138 = arith.constant 0 : i32
    %dma_start3A_139 = arith.constant 1 : i32
    %dma_start3A_140 = arith.constant 0 : i32
    %dma_start3A_141 = arith.constant 0 : i32
    %dma_start3A_142 = tpu.memref_slice %arg6[%dma_start3A_138, %dma_start3A_139, %dma_start3A_140, %dma_start3A_141] : memref<3x2x50x128xf32, #tpu.memory_space<vmem>> -> memref<1x1x50x128xf32, #tpu.memory_space<vmem>>
    %dma_start3A_143 = tpu.memref_squeeze %dma_start3A_142 : memref<1x1x50x128xf32, #tpu.memory_space<vmem>> -> memref<50x128xf32, #tpu.memory_space<vmem>>
    %dma_start3A_144 = arith.constant 0 : i32
    %dma_start3A_145 = tpu.memref_slice %arg5[%dma_start3A_137, %dma_start3A_144] : memref<32x50xi32, #tpu.memory_space<vmem>> -> memref<1x50xi32, #tpu.memory_space<vmem>>
    %dma_start3A_146 = tpu.memref_squeeze %dma_start3A_145 : memref<1x50xi32, #tpu.memory_space<vmem>> -> memref<50xi32, #tpu.memory_space<vmem>>
    %dma_start3A_147 = arith.constant 0 : i32
    %dma_start3A_148 = arith.constant 0 : i32
    %dma_start3A_149 = tpu.memref_slice %arg2[%dma_start3A_147, %dma_start3A_148] : memref<1024x128xf32, #tpu.memory_space<hbm>> -> memref<1024x128xf32, #tpu.memory_space<hbm>>
    tpu.enqueue_indirect_dma source(%dma_start3A_149 : memref<1024x128xf32, #tpu.memory_space<hbm>>) target(%dma_start3A_143 : memref<50x128xf32, #tpu.memory_space<vmem>>) offsets(%dma_start3A_146 : memref<50xi32, #tpu.memory_space<vmem>>) semaphore(%arg7 : memref<!tpu.dma_semaphore, #tpu.memory_space<semaphore_mem>>)
    %dma_wait3A_150 = arith.constant 2 : i32
    %dma_wait3A_151 = arith.constant 1 : i32
    %dma_wait3A_152 = arith.constant 0 : i32
    %dma_wait3A_153 = arith.constant 0 : i32
    %dma_wait3A_154 = arith.constant 0 : i32
    %dma_wait3A_155 = tpu.memref_slice %arg6[%dma_wait3A_151, %dma_wait3A_152, %dma_wait3A_153, %dma_wait3A_154] : memref<3x2x50x128xf32, #tpu.memory_space<vmem>> -> memref<1x1x50x128xf32, #tpu.memory_space<vmem>>
    %dma_wait3A_156 = tpu.memref_squeeze %dma_wait3A_155 : memref<1x1x50x128xf32, #tpu.memory_space<vmem>> -> memref<50x128xf32, #tpu.memory_space<vmem>>
    %dma_wait3A_157 = arith.constant 0 : i32
    %dma_wait3A_158 = tpu.memref_slice %arg5[%dma_wait3A_150, %dma_wait3A_157] : memref<32x50xi32, #tpu.memory_space<vmem>> -> memref<1x50xi32, #tpu.memory_space<vmem>>
    %dma_wait3A_159 = tpu.memref_squeeze %dma_wait3A_158 : memref<1x50xi32, #tpu.memory_space<vmem>> -> memref<50xi32, #tpu.memory_space<vmem>>
    %dma_wait3A_160 = arith.constant 0 : i32
    %dma_wait3A_161 = arith.constant 0 : i32
    %dma_wait3A_162 = tpu.memref_slice %arg2[%dma_wait3A_160, %dma_wait3A_161] : memref<1024x128xf32, #tpu.memory_space<hbm>> -> memref<1024x128xf32, #tpu.memory_space<hbm>>
    tpu.wait_indirect_dma semaphore(%arg7 : memref<!tpu.dma_semaphore, #tpu.memory_space<semaphore_mem>>) src(%dma_wait3A_162 : memref<1024x128xf32, #tpu.memory_space<hbm>>) dst(%dma_wait3A_156 : memref<50x128xf32, #tpu.memory_space<vmem>>)
    %dma_wait3A_163 = arith.constant 3 : i32
    %dma_wait3A_164 = arith.constant 1 : i32
    %dma_wait3A_165 = arith.constant 1 : i32
    %dma_wait3A_166 = arith.constant 0 : i32
    %dma_wait3A_167 = arith.constant 0 : i32
    %dma_wait3A_168 = tpu.memref_slice %arg6[%dma_wait3A_164, %dma_wait3A_165, %dma_wait3A_166, %dma_wait3A_167] : memref<3x2x50x128xf32, #tpu.memory_space<vmem>> -> memref<1x1x50x128xf32, #tpu.memory_space<vmem>>
    %dma_wait3A_169 = tpu.memref_squeeze %dma_wait3A_168 : memref<1x1x50x128xf32, #tpu.memory_space<vmem>> -> memref<50x128xf32, #tpu.memory_space<vmem>>
    %dma_wait3A_170 = arith.constant 0 : i32
    %dma_wait3A_171 = tpu.memref_slice %arg5[%dma_wait3A_163, %dma_wait3A_170] : memref<32x50xi32, #tpu.memory_space<vmem>> -> memref<1x50xi32, #tpu.memory_space<vmem>>
    %dma_wait3A_172 = tpu.memref_squeeze %dma_wait3A_171 : memref<1x50xi32, #tpu.memory_space<vmem>> -> memref<50xi32, #tpu.memory_space<vmem>>
    %dma_wait3A_173 = arith.constant 0 : i32
    %dma_wait3A_174 = arith.constant 0 : i32
    %dma_wait3A_175 = tpu.memref_slice %arg2[%dma_wait3A_173, %dma_wait3A_174] : memref<1024x128xf32, #tpu.memory_space<hbm>> -> memref<1024x128xf32, #tpu.memory_space<hbm>>
    tpu.wait_indirect_dma semaphore(%arg7 : memref<!tpu.dma_semaphore, #tpu.memory_space<semaphore_mem>>) src(%dma_wait3A_175 : memref<1024x128xf32, #tpu.memory_space<hbm>>) dst(%dma_wait3A_169 : memref<50x128xf32, #tpu.memory_space<vmem>>)
    %add3A_176 = arith.constant 2 : i32
    %add3A_177 = arith.addi %mul3A_2, %add3A_176 : i32
    %dma_start3A_178 = arith.constant 1 : i32
    %dma_start3A_179 = arith.constant 0 : i32
    %dma_start3A_180 = arith.constant 0 : i32
    %dma_start3A_181 = arith.constant 0 : i32
    %dma_start3A_182 = tpu.memref_slice %arg6[%dma_start3A_178, %dma_start3A_179, %dma_start3A_180, %dma_start3A_181] : memref<3x2x50x128xf32, #tpu.memory_space<vmem>> -> memref<1x2x50x128xf32, #tpu.memory_space<vmem>>
    %dma_start3A_183 = tpu.memref_squeeze %dma_start3A_182 : memref<1x2x50x128xf32, #tpu.memory_space<vmem>> -> memref<2x50x128xf32, #tpu.memory_space<vmem>>
    %dma_start3A_184 = arith.constant 0 : i32
    %dma_start3A_185 = arith.constant 0 : i32
    %dma_start3A_186 = tpu.memref_slice %arg4[%add3A_177, %dma_start3A_184, %dma_start3A_185] : memref<1024x50x128xf32, #tpu.memory_space<hbm>> -> memref<2x50x128xf32, #tpu.memory_space<hbm>>
    %dma_start3A_187 = arith.constant 0 : i32
    %dma_start3A_188 = arith.constant 0 : i32
    %dma_start3A_189 = tpu.memref_slice %arg4[%add3A_177, %dma_start3A_187, %dma_start3A_188] : memref<1024x50x128xf32, #tpu.memory_space<hbm>> -> memref<2x50x128xf32, #tpu.memory_space<hbm>>
    %dma_start3A_190 = arith.constant 0 : i32
    %dma_start3A_191 = arith.constant 0 : i32
    %dma_start3A_192 = arith.constant 0 : i32
    %dma_start3A_193 = tpu.memref_slice %arg6[%dma_start3A_178, %dma_start3A_190, %dma_start3A_191, %dma_start3A_192] : memref<3x2x50x128xf32, #tpu.memory_space<vmem>> -> memref<1x2x50x128xf32, #tpu.memory_space<vmem>>
    %dma_start3A_194 = tpu.memref_squeeze %dma_start3A_193 : memref<1x2x50x128xf32, #tpu.memory_space<vmem>> -> memref<2x50x128xf32, #tpu.memory_space<vmem>>
    tpu.enqueue_dma source(%dma_start3A_194 : memref<2x50x128xf32, #tpu.memory_space<vmem>>) target(%dma_start3A_189 : memref<2x50x128xf32, #tpu.memory_space<hbm>>) target_semaphore(%arg8 : memref<!tpu.dma_semaphore, #tpu.memory_space<semaphore_mem>>)
    %dma_start3A_195 = arith.constant 8 : i32
    %dma_start3A_196 = arith.constant 1 : i32
    %dma_start3A_197 = arith.constant 0 : i32
    %dma_start3A_198 = arith.constant 0 : i32
    %dma_start3A_199 = arith.constant 0 : i32
    %dma_start3A_200 = tpu.memref_slice %arg6[%dma_start3A_196, %dma_start3A_197, %dma_start3A_198, %dma_start3A_199] : memref<3x2x50x128xf32, #tpu.memory_space<vmem>> -> memref<1x1x50x128xf32, #tpu.memory_space<vmem>>
    %dma_start3A_201 = tpu.memref_squeeze %dma_start3A_200 : memref<1x1x50x128xf32, #tpu.memory_space<vmem>> -> memref<50x128xf32, #tpu.memory_space<vmem>>
    %dma_start3A_202 = arith.constant 0 : i32
    %dma_start3A_203 = tpu.memref_slice %arg5[%dma_start3A_195, %dma_start3A_202] : memref<32x50xi32, #tpu.memory_space<vmem>> -> memref<1x50xi32, #tpu.memory_space<vmem>>
    %dma_start3A_204 = tpu.memref_squeeze %dma_start3A_203 : memref<1x50xi32, #tpu.memory_space<vmem>> -> memref<50xi32, #tpu.memory_space<vmem>>
    %dma_start3A_205 = arith.constant 0 : i32
    %dma_start3A_206 = arith.constant 0 : i32
    %dma_start3A_207 = tpu.memref_slice %arg2[%dma_start3A_205, %dma_start3A_206] : memref<1024x128xf32, #tpu.memory_space<hbm>> -> memref<1024x128xf32, #tpu.memory_space<hbm>>
    tpu.enqueue_indirect_dma source(%dma_start3A_207 : memref<1024x128xf32, #tpu.memory_space<hbm>>) target(%dma_start3A_201 : memref<50x128xf32, #tpu.memory_space<vmem>>) offsets(%dma_start3A_204 : memref<50xi32, #tpu.memory_space<vmem>>) semaphore(%arg7 : memref<!tpu.dma_semaphore, #tpu.memory_space<semaphore_mem>>)
    %dma_start3A_208 = arith.constant 9 : i32
    %dma_start3A_209 = arith.constant 1 : i32
    %dma_start3A_210 = arith.constant 1 : i32
    %dma_start3A_211 = arith.constant 0 : i32
    %dma_start3A_212 = arith.constant 0 : i32
    %dma_start3A_213 = tpu.memref_slice %arg6[%dma_start3A_209, %dma_start3A_210, %dma_start3A_211, %dma_start3A_212] : memref<3x2x50x128xf32, #tpu.memory_space<vmem>> -> memref<1x1x50x128xf32, #tpu.memory_space<vmem>>
    %dma_start3A_214 = tpu.memref_squeeze %dma_start3A_213 : memref<1x1x50x128xf32, #tpu.memory_space<vmem>> -> memref<50x128xf32, #tpu.memory_space<vmem>>
    %dma_start3A_215 = arith.constant 0 : i32
    %dma_start3A_216 = tpu.memref_slice %arg5[%dma_start3A_208, %dma_start3A_215] : memref<32x50xi32, #tpu.memory_space<vmem>> -> memref<1x50xi32, #tpu.memory_space<vmem>>
    %dma_start3A_217 = tpu.memref_squeeze %dma_start3A_216 : memref<1x50xi32, #tpu.memory_space<vmem>> -> memref<50xi32, #tpu.memory_space<vmem>>
    %dma_start3A_218 = arith.constant 0 : i32
    %dma_start3A_219 = arith.constant 0 : i32
    %dma_start3A_220 = tpu.memref_slice %arg2[%dma_start3A_218, %dma_start3A_219] : memref<1024x128xf32, #tpu.memory_space<hbm>> -> memref<1024x128xf32, #tpu.memory_space<hbm>>
    tpu.enqueue_indirect_dma source(%dma_start3A_220 : memref<1024x128xf32, #tpu.memory_space<hbm>>) target(%dma_start3A_214 : memref<50x128xf32, #tpu.memory_space<vmem>>) offsets(%dma_start3A_217 : memref<50xi32, #tpu.memory_space<vmem>>) semaphore(%arg7 : memref<!tpu.dma_semaphore, #tpu.memory_space<semaphore_mem>>)
    %dma_wait3A_221 = arith.constant 4 : i32
    %dma_wait3A_222 = arith.constant 2 : i32
    %dma_wait3A_223 = arith.constant 0 : i32
    %dma_wait3A_224 = arith.constant 0 : i32
    %dma_wait3A_225 = arith.constant 0 : i32
    %dma_wait3A_226 = tpu.memref_slice %arg6[%dma_wait3A_222, %dma_wait3A_223, %dma_wait3A_224, %dma_wait3A_225] : memref<3x2x50x128xf32, #tpu.memory_space<vmem>> -> memref<1x1x50x128xf32, #tpu.memory_space<vmem>>
    %dma_wait3A_227 = tpu.memref_squeeze %dma_wait3A_226 : memref<1x1x50x128xf32, #tpu.memory_space<vmem>> -> memref<50x128xf32, #tpu.memory_space<vmem>>
    %dma_wait3A_228 = arith.constant 0 : i32
    %dma_wait3A_229 = tpu.memref_slice %arg5[%dma_wait3A_221, %dma_wait3A_228] : memref<32x50xi32, #tpu.memory_space<vmem>> -> memref<1x50xi32, #tpu.memory_space<vmem>>
    %dma_wait3A_230 = tpu.memref_squeeze %dma_wait3A_229 : memref<1x50xi32, #tpu.memory_space<vmem>> -> memref<50xi32, #tpu.memory_space<vmem>>
    %dma_wait3A_231 = arith.constant 0 : i32
    %dma_wait3A_232 = arith.constant 0 : i32
    %dma_wait3A_233 = tpu.memref_slice %arg2[%dma_wait3A_231, %dma_wait3A_232] : memref<1024x128xf32, #tpu.memory_space<hbm>> -> memref<1024x128xf32, #tpu.memory_space<hbm>>
    tpu.wait_indirect_dma semaphore(%arg7 : memref<!tpu.dma_semaphore, #tpu.memory_space<semaphore_mem>>) src(%dma_wait3A_233 : memref<1024x128xf32, #tpu.memory_space<hbm>>) dst(%dma_wait3A_227 : memref<50x128xf32, #tpu.memory_space<vmem>>)
    %dma_wait3A_234 = arith.constant 5 : i32
    %dma_wait3A_235 = arith.constant 2 : i32
    %dma_wait3A_236 = arith.constant 1 : i32
    %dma_wait3A_237 = arith.constant 0 : i32
    %dma_wait3A_238 = arith.constant 0 : i32
    %dma_wait3A_239 = tpu.memref_slice %arg6[%dma_wait3A_235, %dma_wait3A_236, %dma_wait3A_237, %dma_wait3A_238] : memref<3x2x50x128xf32, #tpu.memory_space<vmem>> -> memref<1x1x50x128xf32, #tpu.memory_space<vmem>>
    %dma_wait3A_240 = tpu.memref_squeeze %dma_wait3A_239 : memref<1x1x50x128xf32, #tpu.memory_space<vmem>> -> memref<50x128xf32, #tpu.memory_space<vmem>>
    %dma_wait3A_241 = arith.constant 0 : i32
    %dma_wait3A_242 = tpu.memref_slice %arg5[%dma_wait3A_234, %dma_wait3A_241] : memref<32x50xi32, #tpu.memory_space<vmem>> -> memref<1x50xi32, #tpu.memory_space<vmem>>
    %dma_wait3A_243 = tpu.memref_squeeze %dma_wait3A_242 : memref<1x50xi32, #tpu.memory_space<vmem>> -> memref<50xi32, #tpu.memory_space<vmem>>
    %dma_wait3A_244 = arith.constant 0 : i32
    %dma_wait3A_245 = arith.constant 0 : i32
    %dma_wait3A_246 = tpu.memref_slice %arg2[%dma_wait3A_244, %dma_wait3A_245] : memref<1024x128xf32, #tpu.memory_space<hbm>> -> memref<1024x128xf32, #tpu.memory_space<hbm>>
    tpu.wait_indirect_dma semaphore(%arg7 : memref<!tpu.dma_semaphore, #tpu.memory_space<semaphore_mem>>) src(%dma_wait3A_246 : memref<1024x128xf32, #tpu.memory_space<hbm>>) dst(%dma_wait3A_240 : memref<50x128xf32, #tpu.memory_space<vmem>>)
    %add3A_247 = arith.constant 4 : i32
    %add3A_248 = arith.addi %mul3A_2, %add3A_247 : i32
    %dma_start3A_249 = arith.constant 2 : i32
    %dma_start3A_250 = arith.constant 0 : i32
    %dma_start3A_251 = arith.constant 0 : i32
    %dma_start3A_252 = arith.constant 0 : i32
    %dma_start3A_253 = tpu.memref_slice %arg6[%dma_start3A_249, %dma_start3A_250, %dma_start3A_251, %dma_start3A_252] : memref<3x2x50x128xf32, #tpu.memory_space<vmem>> -> memref<1x2x50x128xf32, #tpu.memory_space<vmem>>
    %dma_start3A_254 = tpu.memref_squeeze %dma_start3A_253 : memref<1x2x50x128xf32, #tpu.memory_space<vmem>> -> memref<2x50x128xf32, #tpu.memory_space<vmem>>
    %dma_start3A_255 = arith.constant 0 : i32
    %dma_start3A_256 = arith.constant 0 : i32
    %dma_start3A_257 = tpu.memref_slice %arg4[%add3A_248, %dma_start3A_255, %dma_start3A_256] : memref<1024x50x128xf32, #tpu.memory_space<hbm>> -> memref<2x50x128xf32, #tpu.memory_space<hbm>>
    %dma_start3A_258 = arith.constant 0 : i32
    %dma_start3A_259 = arith.constant 0 : i32
    %dma_start3A_260 = tpu.memref_slice %arg4[%add3A_248, %dma_start3A_258, %dma_start3A_259] : memref<1024x50x128xf32, #tpu.memory_space<hbm>> -> memref<2x50x128xf32, #tpu.memory_space<hbm>>
    %dma_start3A_261 = arith.constant 0 : i32
    %dma_start3A_262 = arith.constant 0 : i32
    %dma_start3A_263 = arith.constant 0 : i32
    %dma_start3A_264 = tpu.memref_slice %arg6[%dma_start3A_249, %dma_start3A_261, %dma_start3A_262, %dma_start3A_263] : memref<3x2x50x128xf32, #tpu.memory_space<vmem>> -> memref<1x2x50x128xf32, #tpu.memory_space<vmem>>
    %dma_start3A_265 = tpu.memref_squeeze %dma_start3A_264 : memref<1x2x50x128xf32, #tpu.memory_space<vmem>> -> memref<2x50x128xf32, #tpu.memory_space<vmem>>
    tpu.enqueue_dma source(%dma_start3A_265 : memref<2x50x128xf32, #tpu.memory_space<vmem>>) target(%dma_start3A_260 : memref<2x50x128xf32, #tpu.memory_space<hbm>>) target_semaphore(%arg8 : memref<!tpu.dma_semaphore, #tpu.memory_space<semaphore_mem>>)
    %dma_start3A_266 = arith.constant 10 : i32
    %dma_start3A_267 = arith.constant 2 : i32
    %dma_start3A_268 = arith.constant 0 : i32
    %dma_start3A_269 = arith.constant 0 : i32
    %dma_start3A_270 = arith.constant 0 : i32
    %dma_start3A_271 = tpu.memref_slice %arg6[%dma_start3A_267, %dma_start3A_268, %dma_start3A_269, %dma_start3A_270] : memref<3x2x50x128xf32, #tpu.memory_space<vmem>> -> memref<1x1x50x128xf32, #tpu.memory_space<vmem>>
    %dma_start3A_272 = tpu.memref_squeeze %dma_start3A_271 : memref<1x1x50x128xf32, #tpu.memory_space<vmem>> -> memref<50x128xf32, #tpu.memory_space<vmem>>
    %dma_start3A_273 = arith.constant 0 : i32
    %dma_start3A_274 = tpu.memref_slice %arg5[%dma_start3A_266, %dma_start3A_273] : memref<32x50xi32, #tpu.memory_space<vmem>> -> memref<1x50xi32, #tpu.memory_space<vmem>>
    %dma_start3A_275 = tpu.memref_squeeze %dma_start3A_274 : memref<1x50xi32, #tpu.memory_space<vmem>> -> memref<50xi32, #tpu.memory_space<vmem>>
    %dma_start3A_276 = arith.constant 0 : i32
    %dma_start3A_277 = arith.constant 0 : i32
    %dma_start3A_278 = tpu.memref_slice %arg2[%dma_start3A_276, %dma_start3A_277] : memref<1024x128xf32, #tpu.memory_space<hbm>> -> memref<1024x128xf32, #tpu.memory_space<hbm>>
    tpu.enqueue_indirect_dma source(%dma_start3A_278 : memref<1024x128xf32, #tpu.memory_space<hbm>>) target(%dma_start3A_272 : memref<50x128xf32, #tpu.memory_space<vmem>>) offsets(%dma_start3A_275 : memref<50xi32, #tpu.memory_space<vmem>>) semaphore(%arg7 : memref<!tpu.dma_semaphore, #tpu.memory_space<semaphore_mem>>)
    %dma_start3A_279 = arith.constant 11 : i32
    %dma_start3A_280 = arith.constant 2 : i32
    %dma_start3A_281 = arith.constant 1 : i32
    %dma_start3A_282 = arith.constant 0 : i32
    %dma_start3A_283 = arith.constant 0 : i32
    %dma_start3A_284 = tpu.memref_slice %arg6[%dma_start3A_280, %dma_start3A_281, %dma_start3A_282, %dma_start3A_283] : memref<3x2x50x128xf32, #tpu.memory_space<vmem>> -> memref<1x1x50x128xf32, #tpu.memory_space<vmem>>
    %dma_start3A_285 = tpu.memref_squeeze %dma_start3A_284 : memref<1x1x50x128xf32, #tpu.memory_space<vmem>> -> memref<50x128xf32, #tpu.memory_space<vmem>>
    %dma_start3A_286 = arith.constant 0 : i32
    %dma_start3A_287 = tpu.memref_slice %arg5[%dma_start3A_279, %dma_start3A_286] : memref<32x50xi32, #tpu.memory_space<vmem>> -> memref<1x50xi32, #tpu.memory_space<vmem>>
    %dma_start3A_288 = tpu.memref_squeeze %dma_start3A_287 : memref<1x50xi32, #tpu.memory_space<vmem>> -> memref<50xi32, #tpu.memory_space<vmem>>
    %dma_start3A_289 = arith.constant 0 : i32
    %dma_start3A_290 = arith.constant 0 : i32
    %dma_start3A_291 = tpu.memref_slice %arg2[%dma_start3A_289, %dma_start3A_290] : memref<1024x128xf32, #tpu.memory_space<hbm>> -> memref<1024x128xf32, #tpu.memory_space<hbm>>
    tpu.enqueue_indirect_dma source(%dma_start3A_291 : memref<1024x128xf32, #tpu.memory_space<hbm>>) target(%dma_start3A_285 : memref<50x128xf32, #tpu.memory_space<vmem>>) offsets(%dma_start3A_288 : memref<50xi32, #tpu.memory_space<vmem>>) semaphore(%arg7 : memref<!tpu.dma_semaphore, #tpu.memory_space<semaphore_mem>>)
    %dma_wait3A_292 = arith.constant 0 : i32
    %dma_wait3A_293 = arith.constant 0 : i32
    %dma_wait3A_294 = arith.constant 0 : i32
    %dma_wait3A_295 = arith.constant 0 : i32
    %dma_wait3A_296 = tpu.memref_slice %arg6[%dma_wait3A_292, %dma_wait3A_293, %dma_wait3A_294, %dma_wait3A_295] : memref<3x2x50x128xf32, #tpu.memory_space<vmem>> -> memref<1x2x50x128xf32, #tpu.memory_space<vmem>>
    %dma_wait3A_297 = tpu.memref_squeeze %dma_wait3A_296 : memref<1x2x50x128xf32, #tpu.memory_space<vmem>> -> memref<2x50x128xf32, #tpu.memory_space<vmem>>
    %dma_wait3A_298 = arith.constant 0 : i32
    %dma_wait3A_299 = arith.constant 0 : i32
    %dma_wait3A_300 = tpu.memref_slice %arg4[%add3A_106, %dma_wait3A_298, %dma_wait3A_299] : memref<1024x50x128xf32, #tpu.memory_space<hbm>> -> memref<2x50x128xf32, #tpu.memory_space<hbm>>
    %dma_wait3A_301 = arith.constant 0 : i32
    %dma_wait3A_302 = arith.constant 0 : i32
    %dma_wait3A_303 = tpu.memref_slice %arg4[%add3A_106, %dma_wait3A_301, %dma_wait3A_302] : memref<1024x50x128xf32, #tpu.memory_space<hbm>> -> memref<2x50x128xf32, #tpu.memory_space<hbm>>
    %dma_wait3A_304 = arith.constant 0 : i32
    %dma_wait3A_305 = arith.constant 0 : i32
    %dma_wait3A_306 = arith.constant 0 : i32
    %dma_wait3A_307 = tpu.memref_slice %arg6[%dma_wait3A_292, %dma_wait3A_304, %dma_wait3A_305, %dma_wait3A_306] : memref<3x2x50x128xf32, #tpu.memory_space<vmem>> -> memref<1x2x50x128xf32, #tpu.memory_space<vmem>>
    %dma_wait3A_308 = tpu.memref_squeeze %dma_wait3A_307 : memref<1x2x50x128xf32, #tpu.memory_space<vmem>> -> memref<2x50x128xf32, #tpu.memory_space<vmem>>
    tpu.wait_dma2 semaphore(%arg8 : memref<!tpu.dma_semaphore, #tpu.memory_space<semaphore_mem>>) src(%dma_wait3A_308 : memref<2x50x128xf32, #tpu.memory_space<vmem>>) dst(%dma_wait3A_303 : memref<2x50x128xf32, #tpu.memory_space<hbm>>)
    %dma_wait3A_309 = arith.constant 6 : i32
    %dma_wait3A_310 = arith.constant 0 : i32
    %dma_wait3A_311 = arith.constant 0 : i32
    %dma_wait3A_312 = arith.constant 0 : i32
    %dma_wait3A_313 = arith.constant 0 : i32
    %dma_wait3A_314 = tpu.memref_slice %arg6[%dma_wait3A_310, %dma_wait3A_311, %dma_wait3A_312, %dma_wait3A_313] : memref<3x2x50x128xf32, #tpu.memory_space<vmem>> -> memref<1x1x50x128xf32, #tpu.memory_space<vmem>>
    %dma_wait3A_315 = tpu.memref_squeeze %dma_wait3A_314 : memref<1x1x50x128xf32, #tpu.memory_space<vmem>> -> memref<50x128xf32, #tpu.memory_space<vmem>>
    %dma_wait3A_316 = arith.constant 0 : i32
    %dma_wait3A_317 = tpu.memref_slice %arg5[%dma_wait3A_309, %dma_wait3A_316] : memref<32x50xi32, #tpu.memory_space<vmem>> -> memref<1x50xi32, #tpu.memory_space<vmem>>
    %dma_wait3A_318 = tpu.memref_squeeze %dma_wait3A_317 : memref<1x50xi32, #tpu.memory_space<vmem>> -> memref<50xi32, #tpu.memory_space<vmem>>
    %dma_wait3A_319 = arith.constant 0 : i32
    %dma_wait3A_320 = arith.constant 0 : i32
    %dma_wait3A_321 = tpu.memref_slice %arg2[%dma_wait3A_319, %dma_wait3A_320] : memref<1024x128xf32, #tpu.memory_space<hbm>> -> memref<1024x128xf32, #tpu.memory_space<hbm>>
    tpu.wait_indirect_dma semaphore(%arg7 : memref<!tpu.dma_semaphore, #tpu.memory_space<semaphore_mem>>) src(%dma_wait3A_321 : memref<1024x128xf32, #tpu.memory_space<hbm>>) dst(%dma_wait3A_315 : memref<50x128xf32, #tpu.memory_space<vmem>>)
    %dma_wait3A_322 = arith.constant 7 : i32
    %dma_wait3A_323 = arith.constant 0 : i32
    %dma_wait3A_324 = arith.constant 1 : i32
    %dma_wait3A_325 = arith.constant 0 : i32
    %dma_wait3A_326 = arith.constant 0 : i32
    %dma_wait3A_327 = tpu.memref_slice %arg6[%dma_wait3A_323, %dma_wait3A_324, %dma_wait3A_325, %dma_wait3A_326] : memref<3x2x50x128xf32, #tpu.memory_space<vmem>> -> memref<1x1x50x128xf32, #tpu.memory_space<vmem>>
    %dma_wait3A_328 = tpu.memref_squeeze %dma_wait3A_327 : memref<1x1x50x128xf32, #tpu.memory_space<vmem>> -> memref<50x128xf32, #tpu.memory_space<vmem>>
    %dma_wait3A_329 = arith.constant 0 : i32
    %dma_wait3A_330 = tpu.memref_slice %arg5[%dma_wait3A_322, %dma_wait3A_329] : memref<32x50xi32, #tpu.memory_space<vmem>> -> memref<1x50xi32, #tpu.memory_space<vmem>>
    %dma_wait3A_331 = tpu.memref_squeeze %dma_wait3A_330 : memref<1x50xi32, #tpu.memory_space<vmem>> -> memref<50xi32, #tpu.memory_space<vmem>>
    %dma_wait3A_332 = arith.constant 0 : i32
    %dma_wait3A_333 = arith.constant 0 : i32
    %dma_wait3A_334 = tpu.memref_slice %arg2[%dma_wait3A_332, %dma_wait3A_333] : memref<1024x128xf32, #tpu.memory_space<hbm>> -> memref<1024x128xf32, #tpu.memory_space<hbm>>
    tpu.wait_indirect_dma semaphore(%arg7 : memref<!tpu.dma_semaphore, #tpu.memory_space<semaphore_mem>>) src(%dma_wait3A_334 : memref<1024x128xf32, #tpu.memory_space<hbm>>) dst(%dma_wait3A_328 : memref<50x128xf32, #tpu.memory_space<vmem>>)
    %add3A_335 = arith.constant 6 : i32
    %add3A_336 = arith.addi %mul3A_2, %add3A_335 : i32
    %dma_start3A_337 = arith.constant 0 : i32
    %dma_start3A_338 = arith.constant 0 : i32
    %dma_start3A_339 = arith.constant 0 : i32
    %dma_start3A_340 = arith.constant 0 : i32
    %dma_start3A_341 = tpu.memref_slice %arg6[%dma_start3A_337, %dma_start3A_338, %dma_start3A_339, %dma_start3A_340] : memref<3x2x50x128xf32, #tpu.memory_space<vmem>> -> memref<1x2x50x128xf32, #tpu.memory_space<vmem>>
    %dma_start3A_342 = tpu.memref_squeeze %dma_start3A_341 : memref<1x2x50x128xf32, #tpu.memory_space<vmem>> -> memref<2x50x128xf32, #tpu.memory_space<vmem>>
    %dma_start3A_343 = arith.constant 0 : i32
    %dma_start3A_344 = arith.constant 0 : i32
    %dma_start3A_345 = tpu.memref_slice %arg4[%add3A_336, %dma_start3A_343, %dma_start3A_344] : memref<1024x50x128xf32, #tpu.memory_space<hbm>> -> memref<2x50x128xf32, #tpu.memory_space<hbm>>
    %dma_start3A_346 = arith.constant 0 : i32
    %dma_start3A_347 = arith.constant 0 : i32
    %dma_start3A_348 = tpu.memref_slice %arg4[%add3A_336, %dma_start3A_346, %dma_start3A_347] : memref<1024x50x128xf32, #tpu.memory_space<hbm>> -> memref<2x50x128xf32, #tpu.memory_space<hbm>>
    %dma_start3A_349 = arith.constant 0 : i32
    %dma_start3A_350 = arith.constant 0 : i32
    %dma_start3A_351 = arith.constant 0 : i32
    %dma_start3A_352 = tpu.memref_slice %arg6[%dma_start3A_337, %dma_start3A_349, %dma_start3A_350, %dma_start3A_351] : memref<3x2x50x128xf32, #tpu.memory_space<vmem>> -> memref<1x2x50x128xf32, #tpu.memory_space<vmem>>
    %dma_start3A_353 = tpu.memref_squeeze %dma_start3A_352 : memref<1x2x50x128xf32, #tpu.memory_space<vmem>> -> memref<2x50x128xf32, #tpu.memory_space<vmem>>
    tpu.enqueue_dma source(%dma_start3A_353 : memref<2x50x128xf32, #tpu.memory_space<vmem>>) target(%dma_start3A_348 : memref<2x50x128xf32, #tpu.memory_space<hbm>>) target_semaphore(%arg8 : memref<!tpu.dma_semaphore, #tpu.memory_space<semaphore_mem>>)
    %dma_start3A_354 = arith.constant 12 : i32
    %dma_start3A_355 = arith.constant 0 : i32
    %dma_start3A_356 = arith.constant 0 : i32
    %dma_start3A_357 = arith.constant 0 : i32
    %dma_start3A_358 = arith.constant 0 : i32
    %dma_start3A_359 = tpu.memref_slice %arg6[%dma_start3A_355, %dma_start3A_356, %dma_start3A_357, %dma_start3A_358] : memref<3x2x50x128xf32, #tpu.memory_space<vmem>> -> memref<1x1x50x128xf32, #tpu.memory_space<vmem>>
    %dma_start3A_360 = tpu.memref_squeeze %dma_start3A_359 : memref<1x1x50x128xf32, #tpu.memory_space<vmem>> -> memref<50x128xf32, #tpu.memory_space<vmem>>
    %dma_start3A_361 = arith.constant 0 : i32
    %dma_start3A_362 = tpu.memref_slice %arg5[%dma_start3A_354, %dma_start3A_361] : memref<32x50xi32, #tpu.memory_space<vmem>> -> memref<1x50xi32, #tpu.memory_space<vmem>>
    %dma_start3A_363 = tpu.memref_squeeze %dma_start3A_362 : memref<1x50xi32, #tpu.memory_space<vmem>> -> memref<50xi32, #tpu.memory_space<vmem>>
    %dma_start3A_364 = arith.constant 0 : i32
    %dma_start3A_365 = arith.constant 0 : i32
    %dma_start3A_366 = tpu.memref_slice %arg2[%dma_start3A_364, %dma_start3A_365] : memref<1024x128xf32, #tpu.memory_space<hbm>> -> memref<1024x128xf32, #tpu.memory_space<hbm>>
    tpu.enqueue_indirect_dma source(%dma_start3A_366 : memref<1024x128xf32, #tpu.memory_space<hbm>>) target(%dma_start3A_360 : memref<50x128xf32, #tpu.memory_space<vmem>>) offsets(%dma_start3A_363 : memref<50xi32, #tpu.memory_space<vmem>>) semaphore(%arg7 : memref<!tpu.dma_semaphore, #tpu.memory_space<semaphore_mem>>)
    %dma_start3A_367 = arith.constant 13 : i32
    %dma_start3A_368 = arith.constant 0 : i32
    %dma_start3A_369 = arith.constant 1 : i32
    %dma_start3A_370 = arith.constant 0 : i32
    %dma_start3A_371 = arith.constant 0 : i32
    %dma_start3A_372 = tpu.memref_slice %arg6[%dma_start3A_368, %dma_start3A_369, %dma_start3A_370, %dma_start3A_371] : memref<3x2x50x128xf32, #tpu.memory_space<vmem>> -> memref<1x1x50x128xf32, #tpu.memory_space<vmem>>
    %dma_start3A_373 = tpu.memref_squeeze %dma_start3A_372 : memref<1x1x50x128xf32, #tpu.memory_space<vmem>> -> memref<50x128xf32, #tpu.memory_space<vmem>>
    %dma_start3A_374 = arith.constant 0 : i32
    %dma_start3A_375 = tpu.memref_slice %arg5[%dma_start3A_367, %dma_start3A_374] : memref<32x50xi32, #tpu.memory_space<vmem>> -> memref<1x50xi32, #tpu.memory_space<vmem>>
    %dma_start3A_376 = tpu.memref_squeeze %dma_start3A_375 : memref<1x50xi32, #tpu.memory_space<vmem>> -> memref<50xi32, #tpu.memory_space<vmem>>
    %dma_start3A_377 = arith.constant 0 : i32
    %dma_start3A_378 = arith.constant 0 : i32
    %dma_start3A_379 = tpu.memref_slice %arg2[%dma_start3A_377, %dma_start3A_378] : memref<1024x128xf32, #tpu.memory_space<hbm>> -> memref<1024x128xf32, #tpu.memory_space<hbm>>
    tpu.enqueue_indirect_dma source(%dma_start3A_379 : memref<1024x128xf32, #tpu.memory_space<hbm>>) target(%dma_start3A_373 : memref<50x128xf32, #tpu.memory_space<vmem>>) offsets(%dma_start3A_376 : memref<50xi32, #tpu.memory_space<vmem>>) semaphore(%arg7 : memref<!tpu.dma_semaphore, #tpu.memory_space<semaphore_mem>>)
    %dma_wait3A_380 = arith.constant 1 : i32
    %dma_wait3A_381 = arith.constant 0 : i32
    %dma_wait3A_382 = arith.constant 0 : i32
    %dma_wait3A_383 = arith.constant 0 : i32
    %dma_wait3A_384 = tpu.memref_slice %arg6[%dma_wait3A_380, %dma_wait3A_381, %dma_wait3A_382, %dma_wait3A_383] : memref<3x2x50x128xf32, #tpu.memory_space<vmem>> -> memref<1x2x50x128xf32, #tpu.memory_space<vmem>>
    %dma_wait3A_385 = tpu.memref_squeeze %dma_wait3A_384 : memref<1x2x50x128xf32, #tpu.memory_space<vmem>> -> memref<2x50x128xf32, #tpu.memory_space<vmem>>
    %dma_wait3A_386 = arith.constant 0 : i32
    %dma_wait3A_387 = arith.constant 0 : i32
    %dma_wait3A_388 = tpu.memref_slice %arg4[%add3A_177, %dma_wait3A_386, %dma_wait3A_387] : memref<1024x50x128xf32, #tpu.memory_space<hbm>> -> memref<2x50x128xf32, #tpu.memory_space<hbm>>
    %dma_wait3A_389 = arith.constant 0 : i32
    %dma_wait3A_390 = arith.constant 0 : i32
    %dma_wait3A_391 = tpu.memref_slice %arg4[%add3A_177, %dma_wait3A_389, %dma_wait3A_390] : memref<1024x50x128xf32, #tpu.memory_space<hbm>> -> memref<2x50x128xf32, #tpu.memory_space<hbm>>
    %dma_wait3A_392 = arith.constant 0 : i32
    %dma_wait3A_393 = arith.constant 0 : i32
    %dma_wait3A_394 = arith.constant 0 : i32
    %dma_wait3A_395 = tpu.memref_slice %arg6[%dma_wait3A_380, %dma_wait3A_392, %dma_wait3A_393, %dma_wait3A_394] : memref<3x2x50x128xf32, #tpu.memory_space<vmem>> -> memref<1x2x50x128xf32, #tpu.memory_space<vmem>>
    %dma_wait3A_396 = tpu.memref_squeeze %dma_wait3A_395 : memref<1x2x50x128xf32, #tpu.memory_space<vmem>> -> memref<2x50x128xf32, #tpu.memory_space<vmem>>
    tpu.wait_dma2 semaphore(%arg8 : memref<!tpu.dma_semaphore, #tpu.memory_space<semaphore_mem>>) src(%dma_wait3A_396 : memref<2x50x128xf32, #tpu.memory_space<vmem>>) dst(%dma_wait3A_391 : memref<2x50x128xf32, #tpu.memory_space<hbm>>)
    %dma_wait3A_397 = arith.constant 8 : i32
    %dma_wait3A_398 = arith.constant 1 : i32
    %dma_wait3A_399 = arith.constant 0 : i32
    %dma_wait3A_400 = arith.constant 0 : i32
    %dma_wait3A_401 = arith.constant 0 : i32
    %dma_wait3A_402 = tpu.memref_slice %arg6[%dma_wait3A_398, %dma_wait3A_399, %dma_wait3A_400, %dma_wait3A_401] : memref<3x2x50x128xf32, #tpu.memory_space<vmem>> -> memref<1x1x50x128xf32, #tpu.memory_space<vmem>>
    %dma_wait3A_403 = tpu.memref_squeeze %dma_wait3A_402 : memref<1x1x50x128xf32, #tpu.memory_space<vmem>> -> memref<50x128xf32, #tpu.memory_space<vmem>>
    %dma_wait3A_404 = arith.constant 0 : i32
    %dma_wait3A_405 = tpu.memref_slice %arg5[%dma_wait3A_397, %dma_wait3A_404] : memref<32x50xi32, #tpu.memory_space<vmem>> -> memref<1x50xi32, #tpu.memory_space<vmem>>
    %dma_wait3A_406 = tpu.memref_squeeze %dma_wait3A_405 : memref<1x50xi32, #tpu.memory_space<vmem>> -> memref<50xi32, #tpu.memory_space<vmem>>
    %dma_wait3A_407 = arith.constant 0 : i32
    %dma_wait3A_408 = arith.constant 0 : i32
    %dma_wait3A_409 = tpu.memref_slice %arg2[%dma_wait3A_407, %dma_wait3A_408] : memref<1024x128xf32, #tpu.memory_space<hbm>> -> memref<1024x128xf32, #tpu.memory_space<hbm>>
    tpu.wait_indirect_dma semaphore(%arg7 : memref<!tpu.dma_semaphore, #tpu.memory_space<semaphore_mem>>) src(%dma_wait3A_409 : memref<1024x128xf32, #tpu.memory_space<hbm>>) dst(%dma_wait3A_403 : memref<50x128xf32, #tpu.memory_space<vmem>>)
    %dma_wait3A_410 = arith.constant 9 : i32
    %dma_wait3A_411 = arith.constant 1 : i32
    %dma_wait3A_412 = arith.constant 1 : i32
    %dma_wait3A_413 = arith.constant 0 : i32
    %dma_wait3A_414 = arith.constant 0 : i32
    %dma_wait3A_415 = tpu.memref_slice %arg6[%dma_wait3A_411, %dma_wait3A_412, %dma_wait3A_413, %dma_wait3A_414] : memref<3x2x50x128xf32, #tpu.memory_space<vmem>> -> memref<1x1x50x128xf32, #tpu.memory_space<vmem>>
    %dma_wait3A_416 = tpu.memref_squeeze %dma_wait3A_415 : memref<1x1x50x128xf32, #tpu.memory_space<vmem>> -> memref<50x128xf32, #tpu.memory_space<vmem>>
    %dma_wait3A_417 = arith.constant 0 : i32
    %dma_wait3A_418 = tpu.memref_slice %arg5[%dma_wait3A_410, %dma_wait3A_417] : memref<32x50xi32, #tpu.memory_space<vmem>> -> memref<1x50xi32, #tpu.memory_space<vmem>>
    %dma_wait3A_419 = tpu.memref_squeeze %dma_wait3A_418 : memref<1x50xi32, #tpu.memory_space<vmem>> -> memref<50xi32, #tpu.memory_space<vmem>>
    %dma_wait3A_420 = arith.constant 0 : i32
    %dma_wait3A_421 = arith.constant 0 : i32
    %dma_wait3A_422 = tpu.memref_slice %arg2[%dma_wait3A_420, %dma_wait3A_421] : memref<1024x128xf32, #tpu.memory_space<hbm>> -> memref<1024x128xf32, #tpu.memory_space<hbm>>
    tpu.wait_indirect_dma semaphore(%arg7 : memref<!tpu.dma_semaphore, #tpu.memory_space<semaphore_mem>>) src(%dma_wait3A_422 : memref<1024x128xf32, #tpu.memory_space<hbm>>) dst(%dma_wait3A_416 : memref<50x128xf32, #tpu.memory_space<vmem>>)
    %add3A_423 = arith.constant 8 : i32
    %add3A_424 = arith.addi %mul3A_2, %add3A_423 : i32
    %dma_start3A_425 = arith.constant 1 : i32
    %dma_start3A_426 = arith.constant 0 : i32
    %dma_start3A_427 = arith.constant 0 : i32
    %dma_start3A_428 = arith.constant 0 : i32
    %dma_start3A_429 = tpu.memref_slice %arg6[%dma_start3A_425, %dma_start3A_426, %dma_start3A_427, %dma_start3A_428] : memref<3x2x50x128xf32, #tpu.memory_space<vmem>> -> memref<1x2x50x128xf32, #tpu.memory_space<vmem>>
    %dma_start3A_430 = tpu.memref_squeeze %dma_start3A_429 : memref<1x2x50x128xf32, #tpu.memory_space<vmem>> -> memref<2x50x128xf32, #tpu.memory_space<vmem>>
    %dma_start3A_431 = arith.constant 0 : i32
    %dma_start3A_432 = arith.constant 0 : i32
    %dma_start3A_433 = tpu.memref_slice %arg4[%add3A_424, %dma_start3A_431, %dma_start3A_432] : memref<1024x50x128xf32, #tpu.memory_space<hbm>> -> memref<2x50x128xf32, #tpu.memory_space<hbm>>
    %dma_start3A_434 = arith.constant 0 : i32
    %dma_start3A_435 = arith.constant 0 : i32
    %dma_start3A_436 = tpu.memref_slice %arg4[%add3A_424, %dma_start3A_434, %dma_start3A_435] : memref<1024x50x128xf32, #tpu.memory_space<hbm>> -> memref<2x50x128xf32, #tpu.memory_space<hbm>>
    %dma_start3A_437 = arith.constant 0 : i32
    %dma_start3A_438 = arith.constant 0 : i32
    %dma_start3A_439 = arith.constant 0 : i32
    %dma_start3A_440 = tpu.memref_slice %arg6[%dma_start3A_425, %dma_start3A_437, %dma_start3A_438, %dma_start3A_439] : memref<3x2x50x128xf32, #tpu.memory_space<vmem>> -> memref<1x2x50x128xf32, #tpu.memory_space<vmem>>
    %dma_start3A_441 = tpu.memref_squeeze %dma_start3A_440 : memref<1x2x50x128xf32, #tpu.memory_space<vmem>> -> memref<2x50x128xf32, #tpu.memory_space<vmem>>
    tpu.enqueue_dma source(%dma_start3A_441 : memref<2x50x128xf32, #tpu.memory_space<vmem>>) target(%dma_start3A_436 : memref<2x50x128xf32, #tpu.memory_space<hbm>>) target_semaphore(%arg8 : memref<!tpu.dma_semaphore, #tpu.memory_space<semaphore_mem>>)
    %dma_start3A_442 = arith.constant 14 : i32
    %dma_start3A_443 = arith.constant 1 : i32
    %dma_start3A_444 = arith.constant 0 : i32
    %dma_start3A_445 = arith.constant 0 : i32
    %dma_start3A_446 = arith.constant 0 : i32
    %dma_start3A_447 = tpu.memref_slice %arg6[%dma_start3A_443, %dma_start3A_444, %dma_start3A_445, %dma_start3A_446] : memref<3x2x50x128xf32, #tpu.memory_space<vmem>> -> memref<1x1x50x128xf32, #tpu.memory_space<vmem>>
    %dma_start3A_448 = tpu.memref_squeeze %dma_start3A_447 : memref<1x1x50x128xf32, #tpu.memory_space<vmem>> -> memref<50x128xf32, #tpu.memory_space<vmem>>
    %dma_start3A_449 = arith.constant 0 : i32
    %dma_start3A_450 = tpu.memref_slice %arg5[%dma_start3A_442, %dma_start3A_449] : memref<32x50xi32, #tpu.memory_space<vmem>> -> memref<1x50xi32, #tpu.memory_space<vmem>>
    %dma_start3A_451 = tpu.memref_squeeze %dma_start3A_450 : memref<1x50xi32, #tpu.memory_space<vmem>> -> memref<50xi32, #tpu.memory_space<vmem>>
    %dma_start3A_452 = arith.constant 0 : i32
    %dma_start3A_453 = arith.constant 0 : i32
    %dma_start3A_454 = tpu.memref_slice %arg2[%dma_start3A_452, %dma_start3A_453] : memref<1024x128xf32, #tpu.memory_space<hbm>> -> memref<1024x128xf32, #tpu.memory_space<hbm>>
    tpu.enqueue_indirect_dma source(%dma_start3A_454 : memref<1024x128xf32, #tpu.memory_space<hbm>>) target(%dma_start3A_448 : memref<50x128xf32, #tpu.memory_space<vmem>>) offsets(%dma_start3A_451 : memref<50xi32, #tpu.memory_space<vmem>>) semaphore(%arg7 : memref<!tpu.dma_semaphore, #tpu.memory_space<semaphore_mem>>)
    %dma_start3A_455 = arith.constant 15 : i32
    %dma_start3A_456 = arith.constant 1 : i32
    %dma_start3A_457 = arith.constant 1 : i32
    %dma_start3A_458 = arith.constant 0 : i32
    %dma_start3A_459 = arith.constant 0 : i32
    %dma_start3A_460 = tpu.memref_slice %arg6[%dma_start3A_456, %dma_start3A_457, %dma_start3A_458, %dma_start3A_459] : memref<3x2x50x128xf32, #tpu.memory_space<vmem>> -> memref<1x1x50x128xf32, #tpu.memory_space<vmem>>
    %dma_start3A_461 = tpu.memref_squeeze %dma_start3A_460 : memref<1x1x50x128xf32, #tpu.memory_space<vmem>> -> memref<50x128xf32, #tpu.memory_space<vmem>>
    %dma_start3A_462 = arith.constant 0 : i32
    %dma_start3A_463 = tpu.memref_slice %arg5[%dma_start3A_455, %dma_start3A_462] : memref<32x50xi32, #tpu.memory_space<vmem>> -> memref<1x50xi32, #tpu.memory_space<vmem>>
    %dma_start3A_464 = tpu.memref_squeeze %dma_start3A_463 : memref<1x50xi32, #tpu.memory_space<vmem>> -> memref<50xi32, #tpu.memory_space<vmem>>
    %dma_start3A_465 = arith.constant 0 : i32
    %dma_start3A_466 = arith.constant 0 : i32
    %dma_start3A_467 = tpu.memref_slice %arg2[%dma_start3A_465, %dma_start3A_466] : memref<1024x128xf32, #tpu.memory_space<hbm>> -> memref<1024x128xf32, #tpu.memory_space<hbm>>
    tpu.enqueue_indirect_dma source(%dma_start3A_467 : memref<1024x128xf32, #tpu.memory_space<hbm>>) target(%dma_start3A_461 : memref<50x128xf32, #tpu.memory_space<vmem>>) offsets(%dma_start3A_464 : memref<50xi32, #tpu.memory_space<vmem>>) semaphore(%arg7 : memref<!tpu.dma_semaphore, #tpu.memory_space<semaphore_mem>>)
    %dma_wait3A_468 = arith.constant 2 : i32
    %dma_wait3A_469 = arith.constant 0 : i32
    %dma_wait3A_470 = arith.constant 0 : i32
    %dma_wait3A_471 = arith.constant 0 : i32
    %dma_wait3A_472 = tpu.memref_slice %arg6[%dma_wait3A_468, %dma_wait3A_469, %dma_wait3A_470, %dma_wait3A_471] : memref<3x2x50x128xf32, #tpu.memory_space<vmem>> -> memref<1x2x50x128xf32, #tpu.memory_space<vmem>>
    %dma_wait3A_473 = tpu.memref_squeeze %dma_wait3A_472 : memref<1x2x50x128xf32, #tpu.memory_space<vmem>> -> memref<2x50x128xf32, #tpu.memory_space<vmem>>
    %dma_wait3A_474 = arith.constant 0 : i32
    %dma_wait3A_475 = arith.constant 0 : i32
    %dma_wait3A_476 = tpu.memref_slice %arg4[%add3A_248, %dma_wait3A_474, %dma_wait3A_475] : memref<1024x50x128xf32, #tpu.memory_space<hbm>> -> memref<2x50x128xf32, #tpu.memory_space<hbm>>
    %dma_wait3A_477 = arith.constant 0 : i32
    %dma_wait3A_478 = arith.constant 0 : i32
    %dma_wait3A_479 = tpu.memref_slice %arg4[%add3A_248, %dma_wait3A_477, %dma_wait3A_478] : memref<1024x50x128xf32, #tpu.memory_space<hbm>> -> memref<2x50x128xf32, #tpu.memory_space<hbm>>
    %dma_wait3A_480 = arith.constant 0 : i32
    %dma_wait3A_481 = arith.constant 0 : i32
    %dma_wait3A_482 = arith.constant 0 : i32
    %dma_wait3A_483 = tpu.memref_slice %arg6[%dma_wait3A_468, %dma_wait3A_480, %dma_wait3A_481, %dma_wait3A_482] : memref<3x2x50x128xf32, #tpu.memory_space<vmem>> -> memref<1x2x50x128xf32, #tpu.memory_space<vmem>>
    %dma_wait3A_484 = tpu.memref_squeeze %dma_wait3A_483 : memref<1x2x50x128xf32, #tpu.memory_space<vmem>> -> memref<2x50x128xf32, #tpu.memory_space<vmem>>
    tpu.wait_dma2 semaphore(%arg8 : memref<!tpu.dma_semaphore, #tpu.memory_space<semaphore_mem>>) src(%dma_wait3A_484 : memref<2x50x128xf32, #tpu.memory_space<vmem>>) dst(%dma_wait3A_479 : memref<2x50x128xf32, #tpu.memory_space<hbm>>)
    %dma_wait3A_485 = arith.constant 10 : i32
    %dma_wait3A_486 = arith.constant 2 : i32
    %dma_wait3A_487 = arith.constant 0 : i32
    %dma_wait3A_488 = arith.constant 0 : i32
    %dma_wait3A_489 = arith.constant 0 : i32
    %dma_wait3A_490 = tpu.memref_slice %arg6[%dma_wait3A_486, %dma_wait3A_487, %dma_wait3A_488, %dma_wait3A_489] : memref<3x2x50x128xf32, #tpu.memory_space<vmem>> -> memref<1x1x50x128xf32, #tpu.memory_space<vmem>>
    %dma_wait3A_491 = tpu.memref_squeeze %dma_wait3A_490 : memref<1x1x50x128xf32, #tpu.memory_space<vmem>> -> memref<50x128xf32, #tpu.memory_space<vmem>>
    %dma_wait3A_492 = arith.constant 0 : i32
    %dma_wait3A_493 = tpu.memref_slice %arg5[%dma_wait3A_485, %dma_wait3A_492] : memref<32x50xi32, #tpu.memory_space<vmem>> -> memref<1x50xi32, #tpu.memory_space<vmem>>
    %dma_wait3A_494 = tpu.memref_squeeze %dma_wait3A_493 : memref<1x50xi32, #tpu.memory_space<vmem>> -> memref<50xi32, #tpu.memory_space<vmem>>
    %dma_wait3A_495 = arith.constant 0 : i32
    %dma_wait3A_496 = arith.constant 0 : i32
    %dma_wait3A_497 = tpu.memref_slice %arg2[%dma_wait3A_495, %dma_wait3A_496] : memref<1024x128xf32, #tpu.memory_space<hbm>> -> memref<1024x128xf32, #tpu.memory_space<hbm>>
    tpu.wait_indirect_dma semaphore(%arg7 : memref<!tpu.dma_semaphore, #tpu.memory_space<semaphore_mem>>) src(%dma_wait3A_497 : memref<1024x128xf32, #tpu.memory_space<hbm>>) dst(%dma_wait3A_491 : memref<50x128xf32, #tpu.memory_space<vmem>>)
    %dma_wait3A_498 = arith.constant 11 : i32
    %dma_wait3A_499 = arith.constant 2 : i32
    %dma_wait3A_500 = arith.constant 1 : i32
    %dma_wait3A_501 = arith.constant 0 : i32
    %dma_wait3A_502 = arith.constant 0 : i32
    %dma_wait3A_503 = tpu.memref_slice %arg6[%dma_wait3A_499, %dma_wait3A_500, %dma_wait3A_501, %dma_wait3A_502] : memref<3x2x50x128xf32, #tpu.memory_space<vmem>> -> memref<1x1x50x128xf32, #tpu.memory_space<vmem>>
    %dma_wait3A_504 = tpu.memref_squeeze %dma_wait3A_503 : memref<1x1x50x128xf32, #tpu.memory_space<vmem>> -> memref<50x128xf32, #tpu.memory_space<vmem>>
    %dma_wait3A_505 = arith.constant 0 : i32
    %dma_wait3A_506 = tpu.memref_slice %arg5[%dma_wait3A_498, %dma_wait3A_505] : memref<32x50xi32, #tpu.memory_space<vmem>> -> memref<1x50xi32, #tpu.memory_space<vmem>>
    %dma_wait3A_507 = tpu.memref_squeeze %dma_wait3A_506 : memref<1x50xi32, #tpu.memory_space<vmem>> -> memref<50xi32, #tpu.memory_space<vmem>>
    %dma_wait3A_508 = arith.constant 0 : i32
    %dma_wait3A_509 = arith.constant 0 : i32
    %dma_wait3A_510 = tpu.memref_slice %arg2[%dma_wait3A_508, %dma_wait3A_509] : memref<1024x128xf32, #tpu.memory_space<hbm>> -> memref<1024x128xf32, #tpu.memory_space<hbm>>
    tpu.wait_indirect_dma semaphore(%arg7 : memref<!tpu.dma_semaphore, #tpu.memory_space<semaphore_mem>>) src(%dma_wait3A_510 : memref<1024x128xf32, #tpu.memory_space<hbm>>) dst(%dma_wait3A_504 : memref<50x128xf32, #tpu.memory_space<vmem>>)
    %add3A_511 = arith.constant 10 : i32
    %add3A_512 = arith.addi %mul3A_2, %add3A_511 : i32
    %dma_start3A_513 = arith.constant 2 : i32
    %dma_start3A_514 = arith.constant 0 : i32
    %dma_start3A_515 = arith.constant 0 : i32
    %dma_start3A_516 = arith.constant 0 : i32
    %dma_start3A_517 = tpu.memref_slice %arg6[%dma_start3A_513, %dma_start3A_514, %dma_start3A_515, %dma_start3A_516] : memref<3x2x50x128xf32, #tpu.memory_space<vmem>> -> memref<1x2x50x128xf32, #tpu.memory_space<vmem>>
    %dma_start3A_518 = tpu.memref_squeeze %dma_start3A_517 : memref<1x2x50x128xf32, #tpu.memory_space<vmem>> -> memref<2x50x128xf32, #tpu.memory_space<vmem>>
    %dma_start3A_519 = arith.constant 0 : i32
    %dma_start3A_520 = arith.constant 0 : i32
    %dma_start3A_521 = tpu.memref_slice %arg4[%add3A_512, %dma_start3A_519, %dma_start3A_520] : memref<1024x50x128xf32, #tpu.memory_space<hbm>> -> memref<2x50x128xf32, #tpu.memory_space<hbm>>
    %dma_start3A_522 = arith.constant 0 : i32
    %dma_start3A_523 = arith.constant 0 : i32
    %dma_start3A_524 = tpu.memref_slice %arg4[%add3A_512, %dma_start3A_522, %dma_start3A_523] : memref<1024x50x128xf32, #tpu.memory_space<hbm>> -> memref<2x50x128xf32, #tpu.memory_space<hbm>>
    %dma_start3A_525 = arith.constant 0 : i32
    %dma_start3A_526 = arith.constant 0 : i32
    %dma_start3A_527 = arith.constant 0 : i32
    %dma_start3A_528 = tpu.memref_slice %arg6[%dma_start3A_513, %dma_start3A_525, %dma_start3A_526, %dma_start3A_527] : memref<3x2x50x128xf32, #tpu.memory_space<vmem>> -> memref<1x2x50x128xf32, #tpu.memory_space<vmem>>
    %dma_start3A_529 = tpu.memref_squeeze %dma_start3A_528 : memref<1x2x50x128xf32, #tpu.memory_space<vmem>> -> memref<2x50x128xf32, #tpu.memory_space<vmem>>
    tpu.enqueue_dma source(%dma_start3A_529 : memref<2x50x128xf32, #tpu.memory_space<vmem>>) target(%dma_start3A_524 : memref<2x50x128xf32, #tpu.memory_space<hbm>>) target_semaphore(%arg8 : memref<!tpu.dma_semaphore, #tpu.memory_space<semaphore_mem>>)
    %dma_start3A_530 = arith.constant 16 : i32
    %dma_start3A_531 = arith.constant 2 : i32
    %dma_start3A_532 = arith.constant 0 : i32
    %dma_start3A_533 = arith.constant 0 : i32
    %dma_start3A_534 = arith.constant 0 : i32
    %dma_start3A_535 = tpu.memref_slice %arg6[%dma_start3A_531, %dma_start3A_532, %dma_start3A_533, %dma_start3A_534] : memref<3x2x50x128xf32, #tpu.memory_space<vmem>> -> memref<1x1x50x128xf32, #tpu.memory_space<vmem>>
    %dma_start3A_536 = tpu.memref_squeeze %dma_start3A_535 : memref<1x1x50x128xf32, #tpu.memory_space<vmem>> -> memref<50x128xf32, #tpu.memory_space<vmem>>
    %dma_start3A_537 = arith.constant 0 : i32
    %dma_start3A_538 = tpu.memref_slice %arg5[%dma_start3A_530, %dma_start3A_537] : memref<32x50xi32, #tpu.memory_space<vmem>> -> memref<1x50xi32, #tpu.memory_space<vmem>>
    %dma_start3A_539 = tpu.memref_squeeze %dma_start3A_538 : memref<1x50xi32, #tpu.memory_space<vmem>> -> memref<50xi32, #tpu.memory_space<vmem>>
    %dma_start3A_540 = arith.constant 0 : i32
    %dma_start3A_541 = arith.constant 0 : i32
    %dma_start3A_542 = tpu.memref_slice %arg2[%dma_start3A_540, %dma_start3A_541] : memref<1024x128xf32, #tpu.memory_space<hbm>> -> memref<1024x128xf32, #tpu.memory_space<hbm>>
    tpu.enqueue_indirect_dma source(%dma_start3A_542 : memref<1024x128xf32, #tpu.memory_space<hbm>>) target(%dma_start3A_536 : memref<50x128xf32, #tpu.memory_space<vmem>>) offsets(%dma_start3A_539 : memref<50xi32, #tpu.memory_space<vmem>>) semaphore(%arg7 : memref<!tpu.dma_semaphore, #tpu.memory_space<semaphore_mem>>)
    %dma_start3A_543 = arith.constant 17 : i32
    %dma_start3A_544 = arith.constant 2 : i32
    %dma_start3A_545 = arith.constant 1 : i32
    %dma_start3A_546 = arith.constant 0 : i32
    %dma_start3A_547 = arith.constant 0 : i32
    %dma_start3A_548 = tpu.memref_slice %arg6[%dma_start3A_544, %dma_start3A_545, %dma_start3A_546, %dma_start3A_547] : memref<3x2x50x128xf32, #tpu.memory_space<vmem>> -> memref<1x1x50x128xf32, #tpu.memory_space<vmem>>
    %dma_start3A_549 = tpu.memref_squeeze %dma_start3A_548 : memref<1x1x50x128xf32, #tpu.memory_space<vmem>> -> memref<50x128xf32, #tpu.memory_space<vmem>>
    %dma_start3A_550 = arith.constant 0 : i32
    %dma_start3A_551 = tpu.memref_slice %arg5[%dma_start3A_543, %dma_start3A_550] : memref<32x50xi32, #tpu.memory_space<vmem>> -> memref<1x50xi32, #tpu.memory_space<vmem>>
    %dma_start3A_552 = tpu.memref_squeeze %dma_start3A_551 : memref<1x50xi32, #tpu.memory_space<vmem>> -> memref<50xi32, #tpu.memory_space<vmem>>
    %dma_start3A_553 = arith.constant 0 : i32
    %dma_start3A_554 = arith.constant 0 : i32
    %dma_start3A_555 = tpu.memref_slice %arg2[%dma_start3A_553, %dma_start3A_554] : memref<1024x128xf32, #tpu.memory_space<hbm>> -> memref<1024x128xf32, #tpu.memory_space<hbm>>
    tpu.enqueue_indirect_dma source(%dma_start3A_555 : memref<1024x128xf32, #tpu.memory_space<hbm>>) target(%dma_start3A_549 : memref<50x128xf32, #tpu.memory_space<vmem>>) offsets(%dma_start3A_552 : memref<50xi32, #tpu.memory_space<vmem>>) semaphore(%arg7 : memref<!tpu.dma_semaphore, #tpu.memory_space<semaphore_mem>>)
    %dma_wait3A_556 = arith.constant 0 : i32
    %dma_wait3A_557 = arith.constant 0 : i32
    %dma_wait3A_558 = arith.constant 0 : i32
    %dma_wait3A_559 = arith.constant 0 : i32
    %dma_wait3A_560 = tpu.memref_slice %arg6[%dma_wait3A_556, %dma_wait3A_557, %dma_wait3A_558, %dma_wait3A_559] : memref<3x2x50x128xf32, #tpu.memory_space<vmem>> -> memref<1x2x50x128xf32, #tpu.memory_space<vmem>>
    %dma_wait3A_561 = tpu.memref_squeeze %dma_wait3A_560 : memref<1x2x50x128xf32, #tpu.memory_space<vmem>> -> memref<2x50x128xf32, #tpu.memory_space<vmem>>
    %dma_wait3A_562 = arith.constant 0 : i32
    %dma_wait3A_563 = arith.constant 0 : i32
    %dma_wait3A_564 = tpu.memref_slice %arg4[%add3A_336, %dma_wait3A_562, %dma_wait3A_563] : memref<1024x50x128xf32, #tpu.memory_space<hbm>> -> memref<2x50x128xf32, #tpu.memory_space<hbm>>
    %dma_wait3A_565 = arith.constant 0 : i32
    %dma_wait3A_566 = arith.constant 0 : i32
    %dma_wait3A_567 = tpu.memref_slice %arg4[%add3A_336, %dma_wait3A_565, %dma_wait3A_566] : memref<1024x50x128xf32, #tpu.memory_space<hbm>> -> memref<2x50x128xf32, #tpu.memory_space<hbm>>
    %dma_wait3A_568 = arith.constant 0 : i32
    %dma_wait3A_569 = arith.constant 0 : i32
    %dma_wait3A_570 = arith.constant 0 : i32
    %dma_wait3A_571 = tpu.memref_slice %arg6[%dma_wait3A_556, %dma_wait3A_568, %dma_wait3A_569, %dma_wait3A_570] : memref<3x2x50x128xf32, #tpu.memory_space<vmem>> -> memref<1x2x50x128xf32, #tpu.memory_space<vmem>>
    %dma_wait3A_572 = tpu.memref_squeeze %dma_wait3A_571 : memref<1x2x50x128xf32, #tpu.memory_space<vmem>> -> memref<2x50x128xf32, #tpu.memory_space<vmem>>
    tpu.wait_dma2 semaphore(%arg8 : memref<!tpu.dma_semaphore, #tpu.memory_space<semaphore_mem>>) src(%dma_wait3A_572 : memref<2x50x128xf32, #tpu.memory_space<vmem>>) dst(%dma_wait3A_567 : memref<2x50x128xf32, #tpu.memory_space<hbm>>)
    %dma_wait3A_573 = arith.constant 12 : i32
    %dma_wait3A_574 = arith.constant 0 : i32
    %dma_wait3A_575 = arith.constant 0 : i32
    %dma_wait3A_576 = arith.constant 0 : i32
    %dma_wait3A_577 = arith.constant 0 : i32
    %dma_wait3A_578 = tpu.memref_slice %arg6[%dma_wait3A_574, %dma_wait3A_575, %dma_wait3A_576, %dma_wait3A_577] : memref<3x2x50x128xf32, #tpu.memory_space<vmem>> -> memref<1x1x50x128xf32, #tpu.memory_space<vmem>>
    %dma_wait3A_579 = tpu.memref_squeeze %dma_wait3A_578 : memref<1x1x50x128xf32, #tpu.memory_space<vmem>> -> memref<50x128xf32, #tpu.memory_space<vmem>>
    %dma_wait3A_580 = arith.constant 0 : i32
    %dma_wait3A_581 = tpu.memref_slice %arg5[%dma_wait3A_573, %dma_wait3A_580] : memref<32x50xi32, #tpu.memory_space<vmem>> -> memref<1x50xi32, #tpu.memory_space<vmem>>
    %dma_wait3A_582 = tpu.memref_squeeze %dma_wait3A_581 : memref<1x50xi32, #tpu.memory_space<vmem>> -> memref<50xi32, #tpu.memory_space<vmem>>
    %dma_wait3A_583 = arith.constant 0 : i32
    %dma_wait3A_584 = arith.constant 0 : i32
    %dma_wait3A_585 = tpu.memref_slice %arg2[%dma_wait3A_583, %dma_wait3A_584] : memref<1024x128xf32, #tpu.memory_space<hbm>> -> memref<1024x128xf32, #tpu.memory_space<hbm>>
    tpu.wait_indirect_dma semaphore(%arg7 : memref<!tpu.dma_semaphore, #tpu.memory_space<semaphore_mem>>) src(%dma_wait3A_585 : memref<1024x128xf32, #tpu.memory_space<hbm>>) dst(%dma_wait3A_579 : memref<50x128xf32, #tpu.memory_space<vmem>>)
    %dma_wait3A_586 = arith.constant 13 : i32
    %dma_wait3A_587 = arith.constant 0 : i32
    %dma_wait3A_588 = arith.constant 1 : i32
    %dma_wait3A_589 = arith.constant 0 : i32
    %dma_wait3A_590 = arith.constant 0 : i32
    %dma_wait3A_591 = tpu.memref_slice %arg6[%dma_wait3A_587, %dma_wait3A_588, %dma_wait3A_589, %dma_wait3A_590] : memref<3x2x50x128xf32, #tpu.memory_space<vmem>> -> memref<1x1x50x128xf32, #tpu.memory_space<vmem>>
    %dma_wait3A_592 = tpu.memref_squeeze %dma_wait3A_591 : memref<1x1x50x128xf32, #tpu.memory_space<vmem>> -> memref<50x128xf32, #tpu.memory_space<vmem>>
    %dma_wait3A_593 = arith.constant 0 : i32
    %dma_wait3A_594 = tpu.memref_slice %arg5[%dma_wait3A_586, %dma_wait3A_593] : memref<32x50xi32, #tpu.memory_space<vmem>> -> memref<1x50xi32, #tpu.memory_space<vmem>>
    %dma_wait3A_595 = tpu.memref_squeeze %dma_wait3A_594 : memref<1x50xi32, #tpu.memory_space<vmem>> -> memref<50xi32, #tpu.memory_space<vmem>>
    %dma_wait3A_596 = arith.constant 0 : i32
    %dma_wait3A_597 = arith.constant 0 : i32
    %dma_wait3A_598 = tpu.memref_slice %arg2[%dma_wait3A_596, %dma_wait3A_597] : memref<1024x128xf32, #tpu.memory_space<hbm>> -> memref<1024x128xf32, #tpu.memory_space<hbm>>
    tpu.wait_indirect_dma semaphore(%arg7 : memref<!tpu.dma_semaphore, #tpu.memory_space<semaphore_mem>>) src(%dma_wait3A_598 : memref<1024x128xf32, #tpu.memory_space<hbm>>) dst(%dma_wait3A_592 : memref<50x128xf32, #tpu.memory_space<vmem>>)
    %add3A_599 = arith.constant 12 : i32
    %add3A_600 = arith.addi %mul3A_2, %add3A_599 : i32
    %dma_start3A_601 = arith.constant 0 : i32
    %dma_start3A_602 = arith.constant 0 : i32
    %dma_start3A_603 = arith.constant 0 : i32
    %dma_start3A_604 = arith.constant 0 : i32
    %dma_start3A_605 = tpu.memref_slice %arg6[%dma_start3A_601, %dma_start3A_602, %dma_start3A_603, %dma_start3A_604] : memref<3x2x50x128xf32, #tpu.memory_space<vmem>> -> memref<1x2x50x128xf32, #tpu.memory_space<vmem>>
    %dma_start3A_606 = tpu.memref_squeeze %dma_start3A_605 : memref<1x2x50x128xf32, #tpu.memory_space<vmem>> -> memref<2x50x128xf32, #tpu.memory_space<vmem>>
    %dma_start3A_607 = arith.constant 0 : i32
    %dma_start3A_608 = arith.constant 0 : i32
    %dma_start3A_609 = tpu.memref_slice %arg4[%add3A_600, %dma_start3A_607, %dma_start3A_608] : memref<1024x50x128xf32, #tpu.memory_space<hbm>> -> memref<2x50x128xf32, #tpu.memory_space<hbm>>
    %dma_start3A_610 = arith.constant 0 : i32
    %dma_start3A_611 = arith.constant 0 : i32
    %dma_start3A_612 = tpu.memref_slice %arg4[%add3A_600, %dma_start3A_610, %dma_start3A_611] : memref<1024x50x128xf32, #tpu.memory_space<hbm>> -> memref<2x50x128xf32, #tpu.memory_space<hbm>>
    %dma_start3A_613 = arith.constant 0 : i32
    %dma_start3A_614 = arith.constant 0 : i32
    %dma_start3A_615 = arith.constant 0 : i32
    %dma_start3A_616 = tpu.memref_slice %arg6[%dma_start3A_601, %dma_start3A_613, %dma_start3A_614, %dma_start3A_615] : memref<3x2x50x128xf32, #tpu.memory_space<vmem>> -> memref<1x2x50x128xf32, #tpu.memory_space<vmem>>
    %dma_start3A_617 = tpu.memref_squeeze %dma_start3A_616 : memref<1x2x50x128xf32, #tpu.memory_space<vmem>> -> memref<2x50x128xf32, #tpu.memory_space<vmem>>
    tpu.enqueue_dma source(%dma_start3A_617 : memref<2x50x128xf32, #tpu.memory_space<vmem>>) target(%dma_start3A_612 : memref<2x50x128xf32, #tpu.memory_space<hbm>>) target_semaphore(%arg8 : memref<!tpu.dma_semaphore, #tpu.memory_space<semaphore_mem>>)
    %dma_start3A_618 = arith.constant 18 : i32
    %dma_start3A_619 = arith.constant 0 : i32
    %dma_start3A_620 = arith.constant 0 : i32
    %dma_start3A_621 = arith.constant 0 : i32
    %dma_start3A_622 = arith.constant 0 : i32
    %dma_start3A_623 = tpu.memref_slice %arg6[%dma_start3A_619, %dma_start3A_620, %dma_start3A_621, %dma_start3A_622] : memref<3x2x50x128xf32, #tpu.memory_space<vmem>> -> memref<1x1x50x128xf32, #tpu.memory_space<vmem>>
    %dma_start3A_624 = tpu.memref_squeeze %dma_start3A_623 : memref<1x1x50x128xf32, #tpu.memory_space<vmem>> -> memref<50x128xf32, #tpu.memory_space<vmem>>
    %dma_start3A_625 = arith.constant 0 : i32
    %dma_start3A_626 = tpu.memref_slice %arg5[%dma_start3A_618, %dma_start3A_625] : memref<32x50xi32, #tpu.memory_space<vmem>> -> memref<1x50xi32, #tpu.memory_space<vmem>>
    %dma_start3A_627 = tpu.memref_squeeze %dma_start3A_626 : memref<1x50xi32, #tpu.memory_space<vmem>> -> memref<50xi32, #tpu.memory_space<vmem>>
    %dma_start3A_628 = arith.constant 0 : i32
    %dma_start3A_629 = arith.constant 0 : i32
    %dma_start3A_630 = tpu.memref_slice %arg2[%dma_start3A_628, %dma_start3A_629] : memref<1024x128xf32, #tpu.memory_space<hbm>> -> memref<1024x128xf32, #tpu.memory_space<hbm>>
    tpu.enqueue_indirect_dma source(%dma_start3A_630 : memref<1024x128xf32, #tpu.memory_space<hbm>>) target(%dma_start3A_624 : memref<50x128xf32, #tpu.memory_space<vmem>>) offsets(%dma_start3A_627 : memref<50xi32, #tpu.memory_space<vmem>>) semaphore(%arg7 : memref<!tpu.dma_semaphore, #tpu.memory_space<semaphore_mem>>)
    %dma_start3A_631 = arith.constant 19 : i32
    %dma_start3A_632 = arith.constant 0 : i32
    %dma_start3A_633 = arith.constant 1 : i32
    %dma_start3A_634 = arith.constant 0 : i32
    %dma_start3A_635 = arith.constant 0 : i32
    %dma_start3A_636 = tpu.memref_slice %arg6[%dma_start3A_632, %dma_start3A_633, %dma_start3A_634, %dma_start3A_635] : memref<3x2x50x128xf32, #tpu.memory_space<vmem>> -> memref<1x1x50x128xf32, #tpu.memory_space<vmem>>
    %dma_start3A_637 = tpu.memref_squeeze %dma_start3A_636 : memref<1x1x50x128xf32, #tpu.memory_space<vmem>> -> memref<50x128xf32, #tpu.memory_space<vmem>>
    %dma_start3A_638 = arith.constant 0 : i32
    %dma_start3A_639 = tpu.memref_slice %arg5[%dma_start3A_631, %dma_start3A_638] : memref<32x50xi32, #tpu.memory_space<vmem>> -> memref<1x50xi32, #tpu.memory_space<vmem>>
    %dma_start3A_640 = tpu.memref_squeeze %dma_start3A_639 : memref<1x50xi32, #tpu.memory_space<vmem>> -> memref<50xi32, #tpu.memory_space<vmem>>
    %dma_start3A_641 = arith.constant 0 : i32
    %dma_start3A_642 = arith.constant 0 : i32
    %dma_start3A_643 = tpu.memref_slice %arg2[%dma_start3A_641, %dma_start3A_642] : memref<1024x128xf32, #tpu.memory_space<hbm>> -> memref<1024x128xf32, #tpu.memory_space<hbm>>
    tpu.enqueue_indirect_dma source(%dma_start3A_643 : memref<1024x128xf32, #tpu.memory_space<hbm>>) target(%dma_start3A_637 : memref<50x128xf32, #tpu.memory_space<vmem>>) offsets(%dma_start3A_640 : memref<50xi32, #tpu.memory_space<vmem>>) semaphore(%arg7 : memref<!tpu.dma_semaphore, #tpu.memory_space<semaphore_mem>>)
    %dma_wait3A_644 = arith.constant 1 : i32
    %dma_wait3A_645 = arith.constant 0 : i32
    %dma_wait3A_646 = arith.constant 0 : i32
    %dma_wait3A_647 = arith.constant 0 : i32
    %dma_wait3A_648 = tpu.memref_slice %arg6[%dma_wait3A_644, %dma_wait3A_645, %dma_wait3A_646, %dma_wait3A_647] : memref<3x2x50x128xf32, #tpu.memory_space<vmem>> -> memref<1x2x50x128xf32, #tpu.memory_space<vmem>>
    %dma_wait3A_649 = tpu.memref_squeeze %dma_wait3A_648 : memref<1x2x50x128xf32, #tpu.memory_space<vmem>> -> memref<2x50x128xf32, #tpu.memory_space<vmem>>
    %dma_wait3A_650 = arith.constant 0 : i32
    %dma_wait3A_651 = arith.constant 0 : i32
    %dma_wait3A_652 = tpu.memref_slice %arg4[%add3A_424, %dma_wait3A_650, %dma_wait3A_651] : memref<1024x50x128xf32, #tpu.memory_space<hbm>> -> memref<2x50x128xf32, #tpu.memory_space<hbm>>
    %dma_wait3A_653 = arith.constant 0 : i32
    %dma_wait3A_654 = arith.constant 0 : i32
    %dma_wait3A_655 = tpu.memref_slice %arg4[%add3A_424, %dma_wait3A_653, %dma_wait3A_654] : memref<1024x50x128xf32, #tpu.memory_space<hbm>> -> memref<2x50x128xf32, #tpu.memory_space<hbm>>
    %dma_wait3A_656 = arith.constant 0 : i32
    %dma_wait3A_657 = arith.constant 0 : i32
    %dma_wait3A_658 = arith.constant 0 : i32
    %dma_wait3A_659 = tpu.memref_slice %arg6[%dma_wait3A_644, %dma_wait3A_656, %dma_wait3A_657, %dma_wait3A_658] : memref<3x2x50x128xf32, #tpu.memory_space<vmem>> -> memref<1x2x50x128xf32, #tpu.memory_space<vmem>>
    %dma_wait3A_660 = tpu.memref_squeeze %dma_wait3A_659 : memref<1x2x50x128xf32, #tpu.memory_space<vmem>> -> memref<2x50x128xf32, #tpu.memory_space<vmem>>
    tpu.wait_dma2 semaphore(%arg8 : memref<!tpu.dma_semaphore, #tpu.memory_space<semaphore_mem>>) src(%dma_wait3A_660 : memref<2x50x128xf32, #tpu.memory_space<vmem>>) dst(%dma_wait3A_655 : memref<2x50x128xf32, #tpu.memory_space<hbm>>)
    %dma_wait3A_661 = arith.constant 14 : i32
    %dma_wait3A_662 = arith.constant 1 : i32
    %dma_wait3A_663 = arith.constant 0 : i32
    %dma_wait3A_664 = arith.constant 0 : i32
    %dma_wait3A_665 = arith.constant 0 : i32
    %dma_wait3A_666 = tpu.memref_slice %arg6[%dma_wait3A_662, %dma_wait3A_663, %dma_wait3A_664, %dma_wait3A_665] : memref<3x2x50x128xf32, #tpu.memory_space<vmem>> -> memref<1x1x50x128xf32, #tpu.memory_space<vmem>>
    %dma_wait3A_667 = tpu.memref_squeeze %dma_wait3A_666 : memref<1x1x50x128xf32, #tpu.memory_space<vmem>> -> memref<50x128xf32, #tpu.memory_space<vmem>>
    %dma_wait3A_668 = arith.constant 0 : i32
    %dma_wait3A_669 = tpu.memref_slice %arg5[%dma_wait3A_661, %dma_wait3A_668] : memref<32x50xi32, #tpu.memory_space<vmem>> -> memref<1x50xi32, #tpu.memory_space<vmem>>
    %dma_wait3A_670 = tpu.memref_squeeze %dma_wait3A_669 : memref<1x50xi32, #tpu.memory_space<vmem>> -> memref<50xi32, #tpu.memory_space<vmem>>
    %dma_wait3A_671 = arith.constant 0 : i32
    %dma_wait3A_672 = arith.constant 0 : i32
    %dma_wait3A_673 = tpu.memref_slice %arg2[%dma_wait3A_671, %dma_wait3A_672] : memref<1024x128xf32, #tpu.memory_space<hbm>> -> memref<1024x128xf32, #tpu.memory_space<hbm>>
    tpu.wait_indirect_dma semaphore(%arg7 : memref<!tpu.dma_semaphore, #tpu.memory_space<semaphore_mem>>) src(%dma_wait3A_673 : memref<1024x128xf32, #tpu.memory_space<hbm>>) dst(%dma_wait3A_667 : memref<50x128xf32, #tpu.memory_space<vmem>>)
    %dma_wait3A_674 = arith.constant 15 : i32
    %dma_wait3A_675 = arith.constant 1 : i32
    %dma_wait3A_676 = arith.constant 1 : i32
    %dma_wait3A_677 = arith.constant 0 : i32
    %dma_wait3A_678 = arith.constant 0 : i32
    %dma_wait3A_679 = tpu.memref_slice %arg6[%dma_wait3A_675, %dma_wait3A_676, %dma_wait3A_677, %dma_wait3A_678] : memref<3x2x50x128xf32, #tpu.memory_space<vmem>> -> memref<1x1x50x128xf32, #tpu.memory_space<vmem>>
    %dma_wait3A_680 = tpu.memref_squeeze %dma_wait3A_679 : memref<1x1x50x128xf32, #tpu.memory_space<vmem>> -> memref<50x128xf32, #tpu.memory_space<vmem>>
    %dma_wait3A_681 = arith.constant 0 : i32
    %dma_wait3A_682 = tpu.memref_slice %arg5[%dma_wait3A_674, %dma_wait3A_681] : memref<32x50xi32, #tpu.memory_space<vmem>> -> memref<1x50xi32, #tpu.memory_space<vmem>>
    %dma_wait3A_683 = tpu.memref_squeeze %dma_wait3A_682 : memref<1x50xi32, #tpu.memory_space<vmem>> -> memref<50xi32, #tpu.memory_space<vmem>>
    %dma_wait3A_684 = arith.constant 0 : i32
    %dma_wait3A_685 = arith.constant 0 : i32
    %dma_wait3A_686 = tpu.memref_slice %arg2[%dma_wait3A_684, %dma_wait3A_685] : memref<1024x128xf32, #tpu.memory_space<hbm>> -> memref<1024x128xf32, #tpu.memory_space<hbm>>
    tpu.wait_indirect_dma semaphore(%arg7 : memref<!tpu.dma_semaphore, #tpu.memory_space<semaphore_mem>>) src(%dma_wait3A_686 : memref<1024x128xf32, #tpu.memory_space<hbm>>) dst(%dma_wait3A_680 : memref<50x128xf32, #tpu.memory_space<vmem>>)
    %add3A_687 = arith.constant 14 : i32
    %add3A_688 = arith.addi %mul3A_2, %add3A_687 : i32
    %dma_start3A_689 = arith.constant 1 : i32
    %dma_start3A_690 = arith.constant 0 : i32
    %dma_start3A_691 = arith.constant 0 : i32
    %dma_start3A_692 = arith.constant 0 : i32
    %dma_start3A_693 = tpu.memref_slice %arg6[%dma_start3A_689, %dma_start3A_690, %dma_start3A_691, %dma_start3A_692] : memref<3x2x50x128xf32, #tpu.memory_space<vmem>> -> memref<1x2x50x128xf32, #tpu.memory_space<vmem>>
    %dma_start3A_694 = tpu.memref_squeeze %dma_start3A_693 : memref<1x2x50x128xf32, #tpu.memory_space<vmem>> -> memref<2x50x128xf32, #tpu.memory_space<vmem>>
    %dma_start3A_695 = arith.constant 0 : i32
    %dma_start3A_696 = arith.constant 0 : i32
    %dma_start3A_697 = tpu.memref_slice %arg4[%add3A_688, %dma_start3A_695, %dma_start3A_696] : memref<1024x50x128xf32, #tpu.memory_space<hbm>> -> memref<2x50x128xf32, #tpu.memory_space<hbm>>
    %dma_start3A_698 = arith.constant 0 : i32
    %dma_start3A_699 = arith.constant 0 : i32
    %dma_start3A_700 = tpu.memref_slice %arg4[%add3A_688, %dma_start3A_698, %dma_start3A_699] : memref<1024x50x128xf32, #tpu.memory_space<hbm>> -> memref<2x50x128xf32, #tpu.memory_space<hbm>>
    %dma_start3A_701 = arith.constant 0 : i32
    %dma_start3A_702 = arith.constant 0 : i32
    %dma_start3A_703 = arith.constant 0 : i32
    %dma_start3A_704 = tpu.memref_slice %arg6[%dma_start3A_689, %dma_start3A_701, %dma_start3A_702, %dma_start3A_703] : memref<3x2x50x128xf32, #tpu.memory_space<vmem>> -> memref<1x2x50x128xf32, #tpu.memory_space<vmem>>
    %dma_start3A_705 = tpu.memref_squeeze %dma_start3A_704 : memref<1x2x50x128xf32, #tpu.memory_space<vmem>> -> memref<2x50x128xf32, #tpu.memory_space<vmem>>
    tpu.enqueue_dma source(%dma_start3A_705 : memref<2x50x128xf32, #tpu.memory_space<vmem>>) target(%dma_start3A_700 : memref<2x50x128xf32, #tpu.memory_space<hbm>>) target_semaphore(%arg8 : memref<!tpu.dma_semaphore, #tpu.memory_space<semaphore_mem>>)
    %dma_start3A_706 = arith.constant 20 : i32
    %dma_start3A_707 = arith.constant 1 : i32
    %dma_start3A_708 = arith.constant 0 : i32
    %dma_start3A_709 = arith.constant 0 : i32
    %dma_start3A_710 = arith.constant 0 : i32
    %dma_start3A_711 = tpu.memref_slice %arg6[%dma_start3A_707, %dma_start3A_708, %dma_start3A_709, %dma_start3A_710] : memref<3x2x50x128xf32, #tpu.memory_space<vmem>> -> memref<1x1x50x128xf32, #tpu.memory_space<vmem>>
    %dma_start3A_712 = tpu.memref_squeeze %dma_start3A_711 : memref<1x1x50x128xf32, #tpu.memory_space<vmem>> -> memref<50x128xf32, #tpu.memory_space<vmem>>
    %dma_start3A_713 = arith.constant 0 : i32
    %dma_start3A_714 = tpu.memref_slice %arg5[%dma_start3A_706, %dma_start3A_713] : memref<32x50xi32, #tpu.memory_space<vmem>> -> memref<1x50xi32, #tpu.memory_space<vmem>>
    %dma_start3A_715 = tpu.memref_squeeze %dma_start3A_714 : memref<1x50xi32, #tpu.memory_space<vmem>> -> memref<50xi32, #tpu.memory_space<vmem>>
    %dma_start3A_716 = arith.constant 0 : i32
    %dma_start3A_717 = arith.constant 0 : i32
    %dma_start3A_718 = tpu.memref_slice %arg2[%dma_start3A_716, %dma_start3A_717] : memref<1024x128xf32, #tpu.memory_space<hbm>> -> memref<1024x128xf32, #tpu.memory_space<hbm>>
    tpu.enqueue_indirect_dma source(%dma_start3A_718 : memref<1024x128xf32, #tpu.memory_space<hbm>>) target(%dma_start3A_712 : memref<50x128xf32, #tpu.memory_space<vmem>>) offsets(%dma_start3A_715 : memref<50xi32, #tpu.memory_space<vmem>>) semaphore(%arg7 : memref<!tpu.dma_semaphore, #tpu.memory_space<semaphore_mem>>)
    %dma_start3A_719 = arith.constant 21 : i32
    %dma_start3A_720 = arith.constant 1 : i32
    %dma_start3A_721 = arith.constant 1 : i32
    %dma_start3A_722 = arith.constant 0 : i32
    %dma_start3A_723 = arith.constant 0 : i32
    %dma_start3A_724 = tpu.memref_slice %arg6[%dma_start3A_720, %dma_start3A_721, %dma_start3A_722, %dma_start3A_723] : memref<3x2x50x128xf32, #tpu.memory_space<vmem>> -> memref<1x1x50x128xf32, #tpu.memory_space<vmem>>
    %dma_start3A_725 = tpu.memref_squeeze %dma_start3A_724 : memref<1x1x50x128xf32, #tpu.memory_space<vmem>> -> memref<50x128xf32, #tpu.memory_space<vmem>>
    %dma_start3A_726 = arith.constant 0 : i32
    %dma_start3A_727 = tpu.memref_slice %arg5[%dma_start3A_719, %dma_start3A_726] : memref<32x50xi32, #tpu.memory_space<vmem>> -> memref<1x50xi32, #tpu.memory_space<vmem>>
    %dma_start3A_728 = tpu.memref_squeeze %dma_start3A_727 : memref<1x50xi32, #tpu.memory_space<vmem>> -> memref<50xi32, #tpu.memory_space<vmem>>
    %dma_start3A_729 = arith.constant 0 : i32
    %dma_start3A_730 = arith.constant 0 : i32
    %dma_start3A_731 = tpu.memref_slice %arg2[%dma_start3A_729, %dma_start3A_730] : memref<1024x128xf32, #tpu.memory_space<hbm>> -> memref<1024x128xf32, #tpu.memory_space<hbm>>
    tpu.enqueue_indirect_dma source(%dma_start3A_731 : memref<1024x128xf32, #tpu.memory_space<hbm>>) target(%dma_start3A_725 : memref<50x128xf32, #tpu.memory_space<vmem>>) offsets(%dma_start3A_728 : memref<50xi32, #tpu.memory_space<vmem>>) semaphore(%arg7 : memref<!tpu.dma_semaphore, #tpu.memory_space<semaphore_mem>>)
    %dma_wait3A_732 = arith.constant 2 : i32
    %dma_wait3A_733 = arith.constant 0 : i32
    %dma_wait3A_734 = arith.constant 0 : i32
    %dma_wait3A_735 = arith.constant 0 : i32
    %dma_wait3A_736 = tpu.memref_slice %arg6[%dma_wait3A_732, %dma_wait3A_733, %dma_wait3A_734, %dma_wait3A_735] : memref<3x2x50x128xf32, #tpu.memory_space<vmem>> -> memref<1x2x50x128xf32, #tpu.memory_space<vmem>>
    %dma_wait3A_737 = tpu.memref_squeeze %dma_wait3A_736 : memref<1x2x50x128xf32, #tpu.memory_space<vmem>> -> memref<2x50x128xf32, #tpu.memory_space<vmem>>
    %dma_wait3A_738 = arith.constant 0 : i32
    %dma_wait3A_739 = arith.constant 0 : i32
    %dma_wait3A_740 = tpu.memref_slice %arg4[%add3A_512, %dma_wait3A_738, %dma_wait3A_739] : memref<1024x50x128xf32, #tpu.memory_space<hbm>> -> memref<2x50x128xf32, #tpu.memory_space<hbm>>
    %dma_wait3A_741 = arith.constant 0 : i32
    %dma_wait3A_742 = arith.constant 0 : i32
    %dma_wait3A_743 = tpu.memref_slice %arg4[%add3A_512, %dma_wait3A_741, %dma_wait3A_742] : memref<1024x50x128xf32, #tpu.memory_space<hbm>> -> memref<2x50x128xf32, #tpu.memory_space<hbm>>
    %dma_wait3A_744 = arith.constant 0 : i32
    %dma_wait3A_745 = arith.constant 0 : i32
    %dma_wait3A_746 = arith.constant 0 : i32
    %dma_wait3A_747 = tpu.memref_slice %arg6[%dma_wait3A_732, %dma_wait3A_744, %dma_wait3A_745, %dma_wait3A_746] : memref<3x2x50x128xf32, #tpu.memory_space<vmem>> -> memref<1x2x50x128xf32, #tpu.memory_space<vmem>>
    %dma_wait3A_748 = tpu.memref_squeeze %dma_wait3A_747 : memref<1x2x50x128xf32, #tpu.memory_space<vmem>> -> memref<2x50x128xf32, #tpu.memory_space<vmem>>
    tpu.wait_dma2 semaphore(%arg8 : memref<!tpu.dma_semaphore, #tpu.memory_space<semaphore_mem>>) src(%dma_wait3A_748 : memref<2x50x128xf32, #tpu.memory_space<vmem>>) dst(%dma_wait3A_743 : memref<2x50x128xf32, #tpu.memory_space<hbm>>)
    %dma_wait3A_749 = arith.constant 16 : i32
    %dma_wait3A_750 = arith.constant 2 : i32
    %dma_wait3A_751 = arith.constant 0 : i32
    %dma_wait3A_752 = arith.constant 0 : i32
    %dma_wait3A_753 = arith.constant 0 : i32
    %dma_wait3A_754 = tpu.memref_slice %arg6[%dma_wait3A_750, %dma_wait3A_751, %dma_wait3A_752, %dma_wait3A_753] : memref<3x2x50x128xf32, #tpu.memory_space<vmem>> -> memref<1x1x50x128xf32, #tpu.memory_space<vmem>>
    %dma_wait3A_755 = tpu.memref_squeeze %dma_wait3A_754 : memref<1x1x50x128xf32, #tpu.memory_space<vmem>> -> memref<50x128xf32, #tpu.memory_space<vmem>>
    %dma_wait3A_756 = arith.constant 0 : i32
    %dma_wait3A_757 = tpu.memref_slice %arg5[%dma_wait3A_749, %dma_wait3A_756] : memref<32x50xi32, #tpu.memory_space<vmem>> -> memref<1x50xi32, #tpu.memory_space<vmem>>
    %dma_wait3A_758 = tpu.memref_squeeze %dma_wait3A_757 : memref<1x50xi32, #tpu.memory_space<vmem>> -> memref<50xi32, #tpu.memory_space<vmem>>
    %dma_wait3A_759 = arith.constant 0 : i32
    %dma_wait3A_760 = arith.constant 0 : i32
    %dma_wait3A_761 = tpu.memref_slice %arg2[%dma_wait3A_759, %dma_wait3A_760] : memref<1024x128xf32, #tpu.memory_space<hbm>> -> memref<1024x128xf32, #tpu.memory_space<hbm>>
    tpu.wait_indirect_dma semaphore(%arg7 : memref<!tpu.dma_semaphore, #tpu.memory_space<semaphore_mem>>) src(%dma_wait3A_761 : memref<1024x128xf32, #tpu.memory_space<hbm>>) dst(%dma_wait3A_755 : memref<50x128xf32, #tpu.memory_space<vmem>>)
    %dma_wait3A_762 = arith.constant 17 : i32
    %dma_wait3A_763 = arith.constant 2 : i32
    %dma_wait3A_764 = arith.constant 1 : i32
    %dma_wait3A_765 = arith.constant 0 : i32
    %dma_wait3A_766 = arith.constant 0 : i32
    %dma_wait3A_767 = tpu.memref_slice %arg6[%dma_wait3A_763, %dma_wait3A_764, %dma_wait3A_765, %dma_wait3A_766] : memref<3x2x50x128xf32, #tpu.memory_space<vmem>> -> memref<1x1x50x128xf32, #tpu.memory_space<vmem>>
    %dma_wait3A_768 = tpu.memref_squeeze %dma_wait3A_767 : memref<1x1x50x128xf32, #tpu.memory_space<vmem>> -> memref<50x128xf32, #tpu.memory_space<vmem>>
    %dma_wait3A_769 = arith.constant 0 : i32
    %dma_wait3A_770 = tpu.memref_slice %arg5[%dma_wait3A_762, %dma_wait3A_769] : memref<32x50xi32, #tpu.memory_space<vmem>> -> memref<1x50xi32, #tpu.memory_space<vmem>>
    %dma_wait3A_771 = tpu.memref_squeeze %dma_wait3A_770 : memref<1x50xi32, #tpu.memory_space<vmem>> -> memref<50xi32, #tpu.memory_space<vmem>>
    %dma_wait3A_772 = arith.constant 0 : i32
    %dma_wait3A_773 = arith.constant 0 : i32
    %dma_wait3A_774 = tpu.memref_slice %arg2[%dma_wait3A_772, %dma_wait3A_773] : memref<1024x128xf32, #tpu.memory_space<hbm>> -> memref<1024x128xf32, #tpu.memory_space<hbm>>
    tpu.wait_indirect_dma semaphore(%arg7 : memref<!tpu.dma_semaphore, #tpu.memory_space<semaphore_mem>>) src(%dma_wait3A_774 : memref<1024x128xf32, #tpu.memory_space<hbm>>) dst(%dma_wait3A_768 : memref<50x128xf32, #tpu.memory_space<vmem>>)
    %add3A_775 = arith.constant 16 : i32
    %add3A_776 = arith.addi %mul3A_2, %add3A_775 : i32
    %dma_start3A_777 = arith.constant 2 : i32
    %dma_start3A_778 = arith.constant 0 : i32
    %dma_start3A_779 = arith.constant 0 : i32
    %dma_start3A_780 = arith.constant 0 : i32
    %dma_start3A_781 = tpu.memref_slice %arg6[%dma_start3A_777, %dma_start3A_778, %dma_start3A_779, %dma_start3A_780] : memref<3x2x50x128xf32, #tpu.memory_space<vmem>> -> memref<1x2x50x128xf32, #tpu.memory_space<vmem>>
    %dma_start3A_782 = tpu.memref_squeeze %dma_start3A_781 : memref<1x2x50x128xf32, #tpu.memory_space<vmem>> -> memref<2x50x128xf32, #tpu.memory_space<vmem>>
    %dma_start3A_783 = arith.constant 0 : i32
    %dma_start3A_784 = arith.constant 0 : i32
    %dma_start3A_785 = tpu.memref_slice %arg4[%add3A_776, %dma_start3A_783, %dma_start3A_784] : memref<1024x50x128xf32, #tpu.memory_space<hbm>> -> memref<2x50x128xf32, #tpu.memory_space<hbm>>
    %dma_start3A_786 = arith.constant 0 : i32
    %dma_start3A_787 = arith.constant 0 : i32
    %dma_start3A_788 = tpu.memref_slice %arg4[%add3A_776, %dma_start3A_786, %dma_start3A_787] : memref<1024x50x128xf32, #tpu.memory_space<hbm>> -> memref<2x50x128xf32, #tpu.memory_space<hbm>>
    %dma_start3A_789 = arith.constant 0 : i32
    %dma_start3A_790 = arith.constant 0 : i32
    %dma_start3A_791 = arith.constant 0 : i32
    %dma_start3A_792 = tpu.memref_slice %arg6[%dma_start3A_777, %dma_start3A_789, %dma_start3A_790, %dma_start3A_791] : memref<3x2x50x128xf32, #tpu.memory_space<vmem>> -> memref<1x2x50x128xf32, #tpu.memory_space<vmem>>
    %dma_start3A_793 = tpu.memref_squeeze %dma_start3A_792 : memref<1x2x50x128xf32, #tpu.memory_space<vmem>> -> memref<2x50x128xf32, #tpu.memory_space<vmem>>
    tpu.enqueue_dma source(%dma_start3A_793 : memref<2x50x128xf32, #tpu.memory_space<vmem>>) target(%dma_start3A_788 : memref<2x50x128xf32, #tpu.memory_space<hbm>>) target_semaphore(%arg8 : memref<!tpu.dma_semaphore, #tpu.memory_space<semaphore_mem>>)
    %dma_start3A_794 = arith.constant 22 : i32
    %dma_start3A_795 = arith.constant 2 : i32
    %dma_start3A_796 = arith.constant 0 : i32
    %dma_start3A_797 = arith.constant 0 : i32
    %dma_start3A_798 = arith.constant 0 : i32
    %dma_start3A_799 = tpu.memref_slice %arg6[%dma_start3A_795, %dma_start3A_796, %dma_start3A_797, %dma_start3A_798] : memref<3x2x50x128xf32, #tpu.memory_space<vmem>> -> memref<1x1x50x128xf32, #tpu.memory_space<vmem>>
    %dma_start3A_800 = tpu.memref_squeeze %dma_start3A_799 : memref<1x1x50x128xf32, #tpu.memory_space<vmem>> -> memref<50x128xf32, #tpu.memory_space<vmem>>
    %dma_start3A_801 = arith.constant 0 : i32
    %dma_start3A_802 = tpu.memref_slice %arg5[%dma_start3A_794, %dma_start3A_801] : memref<32x50xi32, #tpu.memory_space<vmem>> -> memref<1x50xi32, #tpu.memory_space<vmem>>
    %dma_start3A_803 = tpu.memref_squeeze %dma_start3A_802 : memref<1x50xi32, #tpu.memory_space<vmem>> -> memref<50xi32, #tpu.memory_space<vmem>>
    %dma_start3A_804 = arith.constant 0 : i32
    %dma_start3A_805 = arith.constant 0 : i32
    %dma_start3A_806 = tpu.memref_slice %arg2[%dma_start3A_804, %dma_start3A_805] : memref<1024x128xf32, #tpu.memory_space<hbm>> -> memref<1024x128xf32, #tpu.memory_space<hbm>>
    tpu.enqueue_indirect_dma source(%dma_start3A_806 : memref<1024x128xf32, #tpu.memory_space<hbm>>) target(%dma_start3A_800 : memref<50x128xf32, #tpu.memory_space<vmem>>) offsets(%dma_start3A_803 : memref<50xi32, #tpu.memory_space<vmem>>) semaphore(%arg7 : memref<!tpu.dma_semaphore, #tpu.memory_space<semaphore_mem>>)
    %dma_start3A_807 = arith.constant 23 : i32
    %dma_start3A_808 = arith.constant 2 : i32
    %dma_start3A_809 = arith.constant 1 : i32
    %dma_start3A_810 = arith.constant 0 : i32
    %dma_start3A_811 = arith.constant 0 : i32
    %dma_start3A_812 = tpu.memref_slice %arg6[%dma_start3A_808, %dma_start3A_809, %dma_start3A_810, %dma_start3A_811] : memref<3x2x50x128xf32, #tpu.memory_space<vmem>> -> memref<1x1x50x128xf32, #tpu.memory_space<vmem>>
    %dma_start3A_813 = tpu.memref_squeeze %dma_start3A_812 : memref<1x1x50x128xf32, #tpu.memory_space<vmem>> -> memref<50x128xf32, #tpu.memory_space<vmem>>
    %dma_start3A_814 = arith.constant 0 : i32
    %dma_start3A_815 = tpu.memref_slice %arg5[%dma_start3A_807, %dma_start3A_814] : memref<32x50xi32, #tpu.memory_space<vmem>> -> memref<1x50xi32, #tpu.memory_space<vmem>>
    %dma_start3A_816 = tpu.memref_squeeze %dma_start3A_815 : memref<1x50xi32, #tpu.memory_space<vmem>> -> memref<50xi32, #tpu.memory_space<vmem>>
    %dma_start3A_817 = arith.constant 0 : i32
    %dma_start3A_818 = arith.constant 0 : i32
    %dma_start3A_819 = tpu.memref_slice %arg2[%dma_start3A_817, %dma_start3A_818] : memref<1024x128xf32, #tpu.memory_space<hbm>> -> memref<1024x128xf32, #tpu.memory_space<hbm>>
    tpu.enqueue_indirect_dma source(%dma_start3A_819 : memref<1024x128xf32, #tpu.memory_space<hbm>>) target(%dma_start3A_813 : memref<50x128xf32, #tpu.memory_space<vmem>>) offsets(%dma_start3A_816 : memref<50xi32, #tpu.memory_space<vmem>>) semaphore(%arg7 : memref<!tpu.dma_semaphore, #tpu.memory_space<semaphore_mem>>)
    %dma_wait3A_820 = arith.constant 0 : i32
    %dma_wait3A_821 = arith.constant 0 : i32
    %dma_wait3A_822 = arith.constant 0 : i32
    %dma_wait3A_823 = arith.constant 0 : i32
    %dma_wait3A_824 = tpu.memref_slice %arg6[%dma_wait3A_820, %dma_wait3A_821, %dma_wait3A_822, %dma_wait3A_823] : memref<3x2x50x128xf32, #tpu.memory_space<vmem>> -> memref<1x2x50x128xf32, #tpu.memory_space<vmem>>
    %dma_wait3A_825 = tpu.memref_squeeze %dma_wait3A_824 : memref<1x2x50x128xf32, #tpu.memory_space<vmem>> -> memref<2x50x128xf32, #tpu.memory_space<vmem>>
    %dma_wait3A_826 = arith.constant 0 : i32
    %dma_wait3A_827 = arith.constant 0 : i32
    %dma_wait3A_828 = tpu.memref_slice %arg4[%add3A_600, %dma_wait3A_826, %dma_wait3A_827] : memref<1024x50x128xf32, #tpu.memory_space<hbm>> -> memref<2x50x128xf32, #tpu.memory_space<hbm>>
    %dma_wait3A_829 = arith.constant 0 : i32
    %dma_wait3A_830 = arith.constant 0 : i32
    %dma_wait3A_831 = tpu.memref_slice %arg4[%add3A_600, %dma_wait3A_829, %dma_wait3A_830] : memref<1024x50x128xf32, #tpu.memory_space<hbm>> -> memref<2x50x128xf32, #tpu.memory_space<hbm>>
    %dma_wait3A_832 = arith.constant 0 : i32
    %dma_wait3A_833 = arith.constant 0 : i32
    %dma_wait3A_834 = arith.constant 0 : i32
    %dma_wait3A_835 = tpu.memref_slice %arg6[%dma_wait3A_820, %dma_wait3A_832, %dma_wait3A_833, %dma_wait3A_834] : memref<3x2x50x128xf32, #tpu.memory_space<vmem>> -> memref<1x2x50x128xf32, #tpu.memory_space<vmem>>
    %dma_wait3A_836 = tpu.memref_squeeze %dma_wait3A_835 : memref<1x2x50x128xf32, #tpu.memory_space<vmem>> -> memref<2x50x128xf32, #tpu.memory_space<vmem>>
    tpu.wait_dma2 semaphore(%arg8 : memref<!tpu.dma_semaphore, #tpu.memory_space<semaphore_mem>>) src(%dma_wait3A_836 : memref<2x50x128xf32, #tpu.memory_space<vmem>>) dst(%dma_wait3A_831 : memref<2x50x128xf32, #tpu.memory_space<hbm>>)
    %dma_wait3A_837 = arith.constant 18 : i32
    %dma_wait3A_838 = arith.constant 0 : i32
    %dma_wait3A_839 = arith.constant 0 : i32
    %dma_wait3A_840 = arith.constant 0 : i32
    %dma_wait3A_841 = arith.constant 0 : i32
    %dma_wait3A_842 = tpu.memref_slice %arg6[%dma_wait3A_838, %dma_wait3A_839, %dma_wait3A_840, %dma_wait3A_841] : memref<3x2x50x128xf32, #tpu.memory_space<vmem>> -> memref<1x1x50x128xf32, #tpu.memory_space<vmem>>
    %dma_wait3A_843 = tpu.memref_squeeze %dma_wait3A_842 : memref<1x1x50x128xf32, #tpu.memory_space<vmem>> -> memref<50x128xf32, #tpu.memory_space<vmem>>
    %dma_wait3A_844 = arith.constant 0 : i32
    %dma_wait3A_845 = tpu.memref_slice %arg5[%dma_wait3A_837, %dma_wait3A_844] : memref<32x50xi32, #tpu.memory_space<vmem>> -> memref<1x50xi32, #tpu.memory_space<vmem>>
    %dma_wait3A_846 = tpu.memref_squeeze %dma_wait3A_845 : memref<1x50xi32, #tpu.memory_space<vmem>> -> memref<50xi32, #tpu.memory_space<vmem>>
    %dma_wait3A_847 = arith.constant 0 : i32
    %dma_wait3A_848 = arith.constant 0 : i32
    %dma_wait3A_849 = tpu.memref_slice %arg2[%dma_wait3A_847, %dma_wait3A_848] : memref<1024x128xf32, #tpu.memory_space<hbm>> -> memref<1024x128xf32, #tpu.memory_space<hbm>>
    tpu.wait_indirect_dma semaphore(%arg7 : memref<!tpu.dma_semaphore, #tpu.memory_space<semaphore_mem>>) src(%dma_wait3A_849 : memref<1024x128xf32, #tpu.memory_space<hbm>>) dst(%dma_wait3A_843 : memref<50x128xf32, #tpu.memory_space<vmem>>)
    %dma_wait3A_850 = arith.constant 19 : i32
    %dma_wait3A_851 = arith.constant 0 : i32
    %dma_wait3A_852 = arith.constant 1 : i32
    %dma_wait3A_853 = arith.constant 0 : i32
    %dma_wait3A_854 = arith.constant 0 : i32
    %dma_wait3A_855 = tpu.memref_slice %arg6[%dma_wait3A_851, %dma_wait3A_852, %dma_wait3A_853, %dma_wait3A_854] : memref<3x2x50x128xf32, #tpu.memory_space<vmem>> -> memref<1x1x50x128xf32, #tpu.memory_space<vmem>>
    %dma_wait3A_856 = tpu.memref_squeeze %dma_wait3A_855 : memref<1x1x50x128xf32, #tpu.memory_space<vmem>> -> memref<50x128xf32, #tpu.memory_space<vmem>>
    %dma_wait3A_857 = arith.constant 0 : i32
    %dma_wait3A_858 = tpu.memref_slice %arg5[%dma_wait3A_850, %dma_wait3A_857] : memref<32x50xi32, #tpu.memory_space<vmem>> -> memref<1x50xi32, #tpu.memory_space<vmem>>
    %dma_wait3A_859 = tpu.memref_squeeze %dma_wait3A_858 : memref<1x50xi32, #tpu.memory_space<vmem>> -> memref<50xi32, #tpu.memory_space<vmem>>
    %dma_wait3A_860 = arith.constant 0 : i32
    %dma_wait3A_861 = arith.constant 0 : i32
    %dma_wait3A_862 = tpu.memref_slice %arg2[%dma_wait3A_860, %dma_wait3A_861] : memref<1024x128xf32, #tpu.memory_space<hbm>> -> memref<1024x128xf32, #tpu.memory_space<hbm>>
    tpu.wait_indirect_dma semaphore(%arg7 : memref<!tpu.dma_semaphore, #tpu.memory_space<semaphore_mem>>) src(%dma_wait3A_862 : memref<1024x128xf32, #tpu.memory_space<hbm>>) dst(%dma_wait3A_856 : memref<50x128xf32, #tpu.memory_space<vmem>>)
    %add3A_863 = arith.constant 18 : i32
    %add3A_864 = arith.addi %mul3A_2, %add3A_863 : i32
    %dma_start3A_865 = arith.constant 0 : i32
    %dma_start3A_866 = arith.constant 0 : i32
    %dma_start3A_867 = arith.constant 0 : i32
    %dma_start3A_868 = arith.constant 0 : i32
    %dma_start3A_869 = tpu.memref_slice %arg6[%dma_start3A_865, %dma_start3A_866, %dma_start3A_867, %dma_start3A_868] : memref<3x2x50x128xf32, #tpu.memory_space<vmem>> -> memref<1x2x50x128xf32, #tpu.memory_space<vmem>>
    %dma_start3A_870 = tpu.memref_squeeze %dma_start3A_869 : memref<1x2x50x128xf32, #tpu.memory_space<vmem>> -> memref<2x50x128xf32, #tpu.memory_space<vmem>>
    %dma_start3A_871 = arith.constant 0 : i32
    %dma_start3A_872 = arith.constant 0 : i32
    %dma_start3A_873 = tpu.memref_slice %arg4[%add3A_864, %dma_start3A_871, %dma_start3A_872] : memref<1024x50x128xf32, #tpu.memory_space<hbm>> -> memref<2x50x128xf32, #tpu.memory_space<hbm>>
    %dma_start3A_874 = arith.constant 0 : i32
    %dma_start3A_875 = arith.constant 0 : i32
    %dma_start3A_876 = tpu.memref_slice %arg4[%add3A_864, %dma_start3A_874, %dma_start3A_875] : memref<1024x50x128xf32, #tpu.memory_space<hbm>> -> memref<2x50x128xf32, #tpu.memory_space<hbm>>
    %dma_start3A_877 = arith.constant 0 : i32
    %dma_start3A_878 = arith.constant 0 : i32
    %dma_start3A_879 = arith.constant 0 : i32
    %dma_start3A_880 = tpu.memref_slice %arg6[%dma_start3A_865, %dma_start3A_877, %dma_start3A_878, %dma_start3A_879] : memref<3x2x50x128xf32, #tpu.memory_space<vmem>> -> memref<1x2x50x128xf32, #tpu.memory_space<vmem>>
    %dma_start3A_881 = tpu.memref_squeeze %dma_start3A_880 : memref<1x2x50x128xf32, #tpu.memory_space<vmem>> -> memref<2x50x128xf32, #tpu.memory_space<vmem>>
    tpu.enqueue_dma source(%dma_start3A_881 : memref<2x50x128xf32, #tpu.memory_space<vmem>>) target(%dma_start3A_876 : memref<2x50x128xf32, #tpu.memory_space<hbm>>) target_semaphore(%arg8 : memref<!tpu.dma_semaphore, #tpu.memory_space<semaphore_mem>>)
    %dma_start3A_882 = arith.constant 24 : i32
    %dma_start3A_883 = arith.constant 0 : i32
    %dma_start3A_884 = arith.constant 0 : i32
    %dma_start3A_885 = arith.constant 0 : i32
    %dma_start3A_886 = arith.constant 0 : i32
    %dma_start3A_887 = tpu.memref_slice %arg6[%dma_start3A_883, %dma_start3A_884, %dma_start3A_885, %dma_start3A_886] : memref<3x2x50x128xf32, #tpu.memory_space<vmem>> -> memref<1x1x50x128xf32, #tpu.memory_space<vmem>>
    %dma_start3A_888 = tpu.memref_squeeze %dma_start3A_887 : memref<1x1x50x128xf32, #tpu.memory_space<vmem>> -> memref<50x128xf32, #tpu.memory_space<vmem>>
    %dma_start3A_889 = arith.constant 0 : i32
    %dma_start3A_890 = tpu.memref_slice %arg5[%dma_start3A_882, %dma_start3A_889] : memref<32x50xi32, #tpu.memory_space<vmem>> -> memref<1x50xi32, #tpu.memory_space<vmem>>
    %dma_start3A_891 = tpu.memref_squeeze %dma_start3A_890 : memref<1x50xi32, #tpu.memory_space<vmem>> -> memref<50xi32, #tpu.memory_space<vmem>>
    %dma_start3A_892 = arith.constant 0 : i32
    %dma_start3A_893 = arith.constant 0 : i32
    %dma_start3A_894 = tpu.memref_slice %arg2[%dma_start3A_892, %dma_start3A_893] : memref<1024x128xf32, #tpu.memory_space<hbm>> -> memref<1024x128xf32, #tpu.memory_space<hbm>>
    tpu.enqueue_indirect_dma source(%dma_start3A_894 : memref<1024x128xf32, #tpu.memory_space<hbm>>) target(%dma_start3A_888 : memref<50x128xf32, #tpu.memory_space<vmem>>) offsets(%dma_start3A_891 : memref<50xi32, #tpu.memory_space<vmem>>) semaphore(%arg7 : memref<!tpu.dma_semaphore, #tpu.memory_space<semaphore_mem>>)
    %dma_start3A_895 = arith.constant 25 : i32
    %dma_start3A_896 = arith.constant 0 : i32
    %dma_start3A_897 = arith.constant 1 : i32
    %dma_start3A_898 = arith.constant 0 : i32
    %dma_start3A_899 = arith.constant 0 : i32
    %dma_start3A_900 = tpu.memref_slice %arg6[%dma_start3A_896, %dma_start3A_897, %dma_start3A_898, %dma_start3A_899] : memref<3x2x50x128xf32, #tpu.memory_space<vmem>> -> memref<1x1x50x128xf32, #tpu.memory_space<vmem>>
    %dma_start3A_901 = tpu.memref_squeeze %dma_start3A_900 : memref<1x1x50x128xf32, #tpu.memory_space<vmem>> -> memref<50x128xf32, #tpu.memory_space<vmem>>
    %dma_start3A_902 = arith.constant 0 : i32
    %dma_start3A_903 = tpu.memref_slice %arg5[%dma_start3A_895, %dma_start3A_902] : memref<32x50xi32, #tpu.memory_space<vmem>> -> memref<1x50xi32, #tpu.memory_space<vmem>>
    %dma_start3A_904 = tpu.memref_squeeze %dma_start3A_903 : memref<1x50xi32, #tpu.memory_space<vmem>> -> memref<50xi32, #tpu.memory_space<vmem>>
    %dma_start3A_905 = arith.constant 0 : i32
    %dma_start3A_906 = arith.constant 0 : i32
    %dma_start3A_907 = tpu.memref_slice %arg2[%dma_start3A_905, %dma_start3A_906] : memref<1024x128xf32, #tpu.memory_space<hbm>> -> memref<1024x128xf32, #tpu.memory_space<hbm>>
    tpu.enqueue_indirect_dma source(%dma_start3A_907 : memref<1024x128xf32, #tpu.memory_space<hbm>>) target(%dma_start3A_901 : memref<50x128xf32, #tpu.memory_space<vmem>>) offsets(%dma_start3A_904 : memref<50xi32, #tpu.memory_space<vmem>>) semaphore(%arg7 : memref<!tpu.dma_semaphore, #tpu.memory_space<semaphore_mem>>)
    %dma_wait3A_908 = arith.constant 1 : i32
    %dma_wait3A_909 = arith.constant 0 : i32
    %dma_wait3A_910 = arith.constant 0 : i32
    %dma_wait3A_911 = arith.constant 0 : i32
    %dma_wait3A_912 = tpu.memref_slice %arg6[%dma_wait3A_908, %dma_wait3A_909, %dma_wait3A_910, %dma_wait3A_911] : memref<3x2x50x128xf32, #tpu.memory_space<vmem>> -> memref<1x2x50x128xf32, #tpu.memory_space<vmem>>
    %dma_wait3A_913 = tpu.memref_squeeze %dma_wait3A_912 : memref<1x2x50x128xf32, #tpu.memory_space<vmem>> -> memref<2x50x128xf32, #tpu.memory_space<vmem>>
    %dma_wait3A_914 = arith.constant 0 : i32
    %dma_wait3A_915 = arith.constant 0 : i32
    %dma_wait3A_916 = tpu.memref_slice %arg4[%add3A_688, %dma_wait3A_914, %dma_wait3A_915] : memref<1024x50x128xf32, #tpu.memory_space<hbm>> -> memref<2x50x128xf32, #tpu.memory_space<hbm>>
    %dma_wait3A_917 = arith.constant 0 : i32
    %dma_wait3A_918 = arith.constant 0 : i32
    %dma_wait3A_919 = tpu.memref_slice %arg4[%add3A_688, %dma_wait3A_917, %dma_wait3A_918] : memref<1024x50x128xf32, #tpu.memory_space<hbm>> -> memref<2x50x128xf32, #tpu.memory_space<hbm>>
    %dma_wait3A_920 = arith.constant 0 : i32
    %dma_wait3A_921 = arith.constant 0 : i32
    %dma_wait3A_922 = arith.constant 0 : i32
    %dma_wait3A_923 = tpu.memref_slice %arg6[%dma_wait3A_908, %dma_wait3A_920, %dma_wait3A_921, %dma_wait3A_922] : memref<3x2x50x128xf32, #tpu.memory_space<vmem>> -> memref<1x2x50x128xf32, #tpu.memory_space<vmem>>
    %dma_wait3A_924 = tpu.memref_squeeze %dma_wait3A_923 : memref<1x2x50x128xf32, #tpu.memory_space<vmem>> -> memref<2x50x128xf32, #tpu.memory_space<vmem>>
    tpu.wait_dma2 semaphore(%arg8 : memref<!tpu.dma_semaphore, #tpu.memory_space<semaphore_mem>>) src(%dma_wait3A_924 : memref<2x50x128xf32, #tpu.memory_space<vmem>>) dst(%dma_wait3A_919 : memref<2x50x128xf32, #tpu.memory_space<hbm>>)
    %dma_wait3A_925 = arith.constant 20 : i32
    %dma_wait3A_926 = arith.constant 1 : i32
    %dma_wait3A_927 = arith.constant 0 : i32
    %dma_wait3A_928 = arith.constant 0 : i32
    %dma_wait3A_929 = arith.constant 0 : i32
    %dma_wait3A_930 = tpu.memref_slice %arg6[%dma_wait3A_926, %dma_wait3A_927, %dma_wait3A_928, %dma_wait3A_929] : memref<3x2x50x128xf32, #tpu.memory_space<vmem>> -> memref<1x1x50x128xf32, #tpu.memory_space<vmem>>
    %dma_wait3A_931 = tpu.memref_squeeze %dma_wait3A_930 : memref<1x1x50x128xf32, #tpu.memory_space<vmem>> -> memref<50x128xf32, #tpu.memory_space<vmem>>
    %dma_wait3A_932 = arith.constant 0 : i32
    %dma_wait3A_933 = tpu.memref_slice %arg5[%dma_wait3A_925, %dma_wait3A_932] : memref<32x50xi32, #tpu.memory_space<vmem>> -> memref<1x50xi32, #tpu.memory_space<vmem>>
    %dma_wait3A_934 = tpu.memref_squeeze %dma_wait3A_933 : memref<1x50xi32, #tpu.memory_space<vmem>> -> memref<50xi32, #tpu.memory_space<vmem>>
    %dma_wait3A_935 = arith.constant 0 : i32
    %dma_wait3A_936 = arith.constant 0 : i32
    %dma_wait3A_937 = tpu.memref_slice %arg2[%dma_wait3A_935, %dma_wait3A_936] : memref<1024x128xf32, #tpu.memory_space<hbm>> -> memref<1024x128xf32, #tpu.memory_space<hbm>>
    tpu.wait_indirect_dma semaphore(%arg7 : memref<!tpu.dma_semaphore, #tpu.memory_space<semaphore_mem>>) src(%dma_wait3A_937 : memref<1024x128xf32, #tpu.memory_space<hbm>>) dst(%dma_wait3A_931 : memref<50x128xf32, #tpu.memory_space<vmem>>)
    %dma_wait3A_938 = arith.constant 21 : i32
    %dma_wait3A_939 = arith.constant 1 : i32
    %dma_wait3A_940 = arith.constant 1 : i32
    %dma_wait3A_941 = arith.constant 0 : i32
    %dma_wait3A_942 = arith.constant 0 : i32
    %dma_wait3A_943 = tpu.memref_slice %arg6[%dma_wait3A_939, %dma_wait3A_940, %dma_wait3A_941, %dma_wait3A_942] : memref<3x2x50x128xf32, #tpu.memory_space<vmem>> -> memref<1x1x50x128xf32, #tpu.memory_space<vmem>>
    %dma_wait3A_944 = tpu.memref_squeeze %dma_wait3A_943 : memref<1x1x50x128xf32, #tpu.memory_space<vmem>> -> memref<50x128xf32, #tpu.memory_space<vmem>>
    %dma_wait3A_945 = arith.constant 0 : i32
    %dma_wait3A_946 = tpu.memref_slice %arg5[%dma_wait3A_938, %dma_wait3A_945] : memref<32x50xi32, #tpu.memory_space<vmem>> -> memref<1x50xi32, #tpu.memory_space<vmem>>
    %dma_wait3A_947 = tpu.memref_squeeze %dma_wait3A_946 : memref<1x50xi32, #tpu.memory_space<vmem>> -> memref<50xi32, #tpu.memory_space<vmem>>
    %dma_wait3A_948 = arith.constant 0 : i32
    %dma_wait3A_949 = arith.constant 0 : i32
    %dma_wait3A_950 = tpu.memref_slice %arg2[%dma_wait3A_948, %dma_wait3A_949] : memref<1024x128xf32, #tpu.memory_space<hbm>> -> memref<1024x128xf32, #tpu.memory_space<hbm>>
    tpu.wait_indirect_dma semaphore(%arg7 : memref<!tpu.dma_semaphore, #tpu.memory_space<semaphore_mem>>) src(%dma_wait3A_950 : memref<1024x128xf32, #tpu.memory_space<hbm>>) dst(%dma_wait3A_944 : memref<50x128xf32, #tpu.memory_space<vmem>>)
    %add3A_951 = arith.constant 20 : i32
    %add3A_952 = arith.addi %mul3A_2, %add3A_951 : i32
    %dma_start3A_953 = arith.constant 1 : i32
    %dma_start3A_954 = arith.constant 0 : i32
    %dma_start3A_955 = arith.constant 0 : i32
    %dma_start3A_956 = arith.constant 0 : i32
    %dma_start3A_957 = tpu.memref_slice %arg6[%dma_start3A_953, %dma_start3A_954, %dma_start3A_955, %dma_start3A_956] : memref<3x2x50x128xf32, #tpu.memory_space<vmem>> -> memref<1x2x50x128xf32, #tpu.memory_space<vmem>>
    %dma_start3A_958 = tpu.memref_squeeze %dma_start3A_957 : memref<1x2x50x128xf32, #tpu.memory_space<vmem>> -> memref<2x50x128xf32, #tpu.memory_space<vmem>>
    %dma_start3A_959 = arith.constant 0 : i32
    %dma_start3A_960 = arith.constant 0 : i32
    %dma_start3A_961 = tpu.memref_slice %arg4[%add3A_952, %dma_start3A_959, %dma_start3A_960] : memref<1024x50x128xf32, #tpu.memory_space<hbm>> -> memref<2x50x128xf32, #tpu.memory_space<hbm>>
    %dma_start3A_962 = arith.constant 0 : i32
    %dma_start3A_963 = arith.constant 0 : i32
    %dma_start3A_964 = tpu.memref_slice %arg4[%add3A_952, %dma_start3A_962, %dma_start3A_963] : memref<1024x50x128xf32, #tpu.memory_space<hbm>> -> memref<2x50x128xf32, #tpu.memory_space<hbm>>
    %dma_start3A_965 = arith.constant 0 : i32
    %dma_start3A_966 = arith.constant 0 : i32
    %dma_start3A_967 = arith.constant 0 : i32
    %dma_start3A_968 = tpu.memref_slice %arg6[%dma_start3A_953, %dma_start3A_965, %dma_start3A_966, %dma_start3A_967] : memref<3x2x50x128xf32, #tpu.memory_space<vmem>> -> memref<1x2x50x128xf32, #tpu.memory_space<vmem>>
    %dma_start3A_969 = tpu.memref_squeeze %dma_start3A_968 : memref<1x2x50x128xf32, #tpu.memory_space<vmem>> -> memref<2x50x128xf32, #tpu.memory_space<vmem>>
    tpu.enqueue_dma source(%dma_start3A_969 : memref<2x50x128xf32, #tpu.memory_space<vmem>>) target(%dma_start3A_964 : memref<2x50x128xf32, #tpu.memory_space<hbm>>) target_semaphore(%arg8 : memref<!tpu.dma_semaphore, #tpu.memory_space<semaphore_mem>>)
    %dma_start3A_970 = arith.constant 26 : i32
    %dma_start3A_971 = arith.constant 1 : i32
    %dma_start3A_972 = arith.constant 0 : i32
    %dma_start3A_973 = arith.constant 0 : i32
    %dma_start3A_974 = arith.constant 0 : i32
    %dma_start3A_975 = tpu.memref_slice %arg6[%dma_start3A_971, %dma_start3A_972, %dma_start3A_973, %dma_start3A_974] : memref<3x2x50x128xf32, #tpu.memory_space<vmem>> -> memref<1x1x50x128xf32, #tpu.memory_space<vmem>>
    %dma_start3A_976 = tpu.memref_squeeze %dma_start3A_975 : memref<1x1x50x128xf32, #tpu.memory_space<vmem>> -> memref<50x128xf32, #tpu.memory_space<vmem>>
    %dma_start3A_977 = arith.constant 0 : i32
    %dma_start3A_978 = tpu.memref_slice %arg5[%dma_start3A_970, %dma_start3A_977] : memref<32x50xi32, #tpu.memory_space<vmem>> -> memref<1x50xi32, #tpu.memory_space<vmem>>
    %dma_start3A_979 = tpu.memref_squeeze %dma_start3A_978 : memref<1x50xi32, #tpu.memory_space<vmem>> -> memref<50xi32, #tpu.memory_space<vmem>>
    %dma_start3A_980 = arith.constant 0 : i32
    %dma_start3A_981 = arith.constant 0 : i32
    %dma_start3A_982 = tpu.memref_slice %arg2[%dma_start3A_980, %dma_start3A_981] : memref<1024x128xf32, #tpu.memory_space<hbm>> -> memref<1024x128xf32, #tpu.memory_space<hbm>>
    tpu.enqueue_indirect_dma source(%dma_start3A_982 : memref<1024x128xf32, #tpu.memory_space<hbm>>) target(%dma_start3A_976 : memref<50x128xf32, #tpu.memory_space<vmem>>) offsets(%dma_start3A_979 : memref<50xi32, #tpu.memory_space<vmem>>) semaphore(%arg7 : memref<!tpu.dma_semaphore, #tpu.memory_space<semaphore_mem>>)
    %dma_start3A_983 = arith.constant 27 : i32
    %dma_start3A_984 = arith.constant 1 : i32
    %dma_start3A_985 = arith.constant 1 : i32
    %dma_start3A_986 = arith.constant 0 : i32
    %dma_start3A_987 = arith.constant 0 : i32
    %dma_start3A_988 = tpu.memref_slice %arg6[%dma_start3A_984, %dma_start3A_985, %dma_start3A_986, %dma_start3A_987] : memref<3x2x50x128xf32, #tpu.memory_space<vmem>> -> memref<1x1x50x128xf32, #tpu.memory_space<vmem>>
    %dma_start3A_989 = tpu.memref_squeeze %dma_start3A_988 : memref<1x1x50x128xf32, #tpu.memory_space<vmem>> -> memref<50x128xf32, #tpu.memory_space<vmem>>
    %dma_start3A_990 = arith.constant 0 : i32
    %dma_start3A_991 = tpu.memref_slice %arg5[%dma_start3A_983, %dma_start3A_990] : memref<32x50xi32, #tpu.memory_space<vmem>> -> memref<1x50xi32, #tpu.memory_space<vmem>>
    %dma_start3A_992 = tpu.memref_squeeze %dma_start3A_991 : memref<1x50xi32, #tpu.memory_space<vmem>> -> memref<50xi32, #tpu.memory_space<vmem>>
    %dma_start3A_993 = arith.constant 0 : i32
    %dma_start3A_994 = arith.constant 0 : i32
    %dma_start3A_995 = tpu.memref_slice %arg2[%dma_start3A_993, %dma_start3A_994] : memref<1024x128xf32, #tpu.memory_space<hbm>> -> memref<1024x128xf32, #tpu.memory_space<hbm>>
    tpu.enqueue_indirect_dma source(%dma_start3A_995 : memref<1024x128xf32, #tpu.memory_space<hbm>>) target(%dma_start3A_989 : memref<50x128xf32, #tpu.memory_space<vmem>>) offsets(%dma_start3A_992 : memref<50xi32, #tpu.memory_space<vmem>>) semaphore(%arg7 : memref<!tpu.dma_semaphore, #tpu.memory_space<semaphore_mem>>)
    %dma_wait3A_996 = arith.constant 2 : i32
    %dma_wait3A_997 = arith.constant 0 : i32
    %dma_wait3A_998 = arith.constant 0 : i32
    %dma_wait3A_999 = arith.constant 0 : i32
    %dma_wait3A_1000 = tpu.memref_slice %arg6[%dma_wait3A_996, %dma_wait3A_997, %dma_wait3A_998, %dma_wait3A_999] : memref<3x2x50x128xf32, #tpu.memory_space<vmem>> -> memref<1x2x50x128xf32, #tpu.memory_space<vmem>>
    %dma_wait3A_1001 = tpu.memref_squeeze %dma_wait3A_1000 : memref<1x2x50x128xf32, #tpu.memory_space<vmem>> -> memref<2x50x128xf32, #tpu.memory_space<vmem>>
    %dma_wait3A_1002 = arith.constant 0 : i32
    %dma_wait3A_1003 = arith.constant 0 : i32
    %dma_wait3A_1004 = tpu.memref_slice %arg4[%add3A_776, %dma_wait3A_1002, %dma_wait3A_1003] : memref<1024x50x128xf32, #tpu.memory_space<hbm>> -> memref<2x50x128xf32, #tpu.memory_space<hbm>>
    %dma_wait3A_1005 = arith.constant 0 : i32
    %dma_wait3A_1006 = arith.constant 0 : i32
    %dma_wait3A_1007 = tpu.memref_slice %arg4[%add3A_776, %dma_wait3A_1005, %dma_wait3A_1006] : memref<1024x50x128xf32, #tpu.memory_space<hbm>> -> memref<2x50x128xf32, #tpu.memory_space<hbm>>
    %dma_wait3A_1008 = arith.constant 0 : i32
    %dma_wait3A_1009 = arith.constant 0 : i32
    %dma_wait3A_1010 = arith.constant 0 : i32
    %dma_wait3A_1011 = tpu.memref_slice %arg6[%dma_wait3A_996, %dma_wait3A_1008, %dma_wait3A_1009, %dma_wait3A_1010] : memref<3x2x50x128xf32, #tpu.memory_space<vmem>> -> memref<1x2x50x128xf32, #tpu.memory_space<vmem>>
    %dma_wait3A_1012 = tpu.memref_squeeze %dma_wait3A_1011 : memref<1x2x50x128xf32, #tpu.memory_space<vmem>> -> memref<2x50x128xf32, #tpu.memory_space<vmem>>
    tpu.wait_dma2 semaphore(%arg8 : memref<!tpu.dma_semaphore, #tpu.memory_space<semaphore_mem>>) src(%dma_wait3A_1012 : memref<2x50x128xf32, #tpu.memory_space<vmem>>) dst(%dma_wait3A_1007 : memref<2x50x128xf32, #tpu.memory_space<hbm>>)
    %dma_wait3A_1013 = arith.constant 22 : i32
    %dma_wait3A_1014 = arith.constant 2 : i32
    %dma_wait3A_1015 = arith.constant 0 : i32
    %dma_wait3A_1016 = arith.constant 0 : i32
    %dma_wait3A_1017 = arith.constant 0 : i32
    %dma_wait3A_1018 = tpu.memref_slice %arg6[%dma_wait3A_1014, %dma_wait3A_1015, %dma_wait3A_1016, %dma_wait3A_1017] : memref<3x2x50x128xf32, #tpu.memory_space<vmem>> -> memref<1x1x50x128xf32, #tpu.memory_space<vmem>>
    %dma_wait3A_1019 = tpu.memref_squeeze %dma_wait3A_1018 : memref<1x1x50x128xf32, #tpu.memory_space<vmem>> -> memref<50x128xf32, #tpu.memory_space<vmem>>
    %dma_wait3A_1020 = arith.constant 0 : i32
    %dma_wait3A_1021 = tpu.memref_slice %arg5[%dma_wait3A_1013, %dma_wait3A_1020] : memref<32x50xi32, #tpu.memory_space<vmem>> -> memref<1x50xi32, #tpu.memory_space<vmem>>
    %dma_wait3A_1022 = tpu.memref_squeeze %dma_wait3A_1021 : memref<1x50xi32, #tpu.memory_space<vmem>> -> memref<50xi32, #tpu.memory_space<vmem>>
    %dma_wait3A_1023 = arith.constant 0 : i32
    %dma_wait3A_1024 = arith.constant 0 : i32
    %dma_wait3A_1025 = tpu.memref_slice %arg2[%dma_wait3A_1023, %dma_wait3A_1024] : memref<1024x128xf32, #tpu.memory_space<hbm>> -> memref<1024x128xf32, #tpu.memory_space<hbm>>
    tpu.wait_indirect_dma semaphore(%arg7 : memref<!tpu.dma_semaphore, #tpu.memory_space<semaphore_mem>>) src(%dma_wait3A_1025 : memref<1024x128xf32, #tpu.memory_space<hbm>>) dst(%dma_wait3A_1019 : memref<50x128xf32, #tpu.memory_space<vmem>>)
    %dma_wait3A_1026 = arith.constant 23 : i32
    %dma_wait3A_1027 = arith.constant 2 : i32
    %dma_wait3A_1028 = arith.constant 1 : i32
    %dma_wait3A_1029 = arith.constant 0 : i32
    %dma_wait3A_1030 = arith.constant 0 : i32
    %dma_wait3A_1031 = tpu.memref_slice %arg6[%dma_wait3A_1027, %dma_wait3A_1028, %dma_wait3A_1029, %dma_wait3A_1030] : memref<3x2x50x128xf32, #tpu.memory_space<vmem>> -> memref<1x1x50x128xf32, #tpu.memory_space<vmem>>
    %dma_wait3A_1032 = tpu.memref_squeeze %dma_wait3A_1031 : memref<1x1x50x128xf32, #tpu.memory_space<vmem>> -> memref<50x128xf32, #tpu.memory_space<vmem>>
    %dma_wait3A_1033 = arith.constant 0 : i32
    %dma_wait3A_1034 = tpu.memref_slice %arg5[%dma_wait3A_1026, %dma_wait3A_1033] : memref<32x50xi32, #tpu.memory_space<vmem>> -> memref<1x50xi32, #tpu.memory_space<vmem>>
    %dma_wait3A_1035 = tpu.memref_squeeze %dma_wait3A_1034 : memref<1x50xi32, #tpu.memory_space<vmem>> -> memref<50xi32, #tpu.memory_space<vmem>>
    %dma_wait3A_1036 = arith.constant 0 : i32
    %dma_wait3A_1037 = arith.constant 0 : i32
    %dma_wait3A_1038 = tpu.memref_slice %arg2[%dma_wait3A_1036, %dma_wait3A_1037] : memref<1024x128xf32, #tpu.memory_space<hbm>> -> memref<1024x128xf32, #tpu.memory_space<hbm>>
    tpu.wait_indirect_dma semaphore(%arg7 : memref<!tpu.dma_semaphore, #tpu.memory_space<semaphore_mem>>) src(%dma_wait3A_1038 : memref<1024x128xf32, #tpu.memory_space<hbm>>) dst(%dma_wait3A_1032 : memref<50x128xf32, #tpu.memory_space<vmem>>)
    %add3A_1039 = arith.constant 22 : i32
    %add3A_1040 = arith.addi %mul3A_2, %add3A_1039 : i32
    %dma_start3A_1041 = arith.constant 2 : i32
    %dma_start3A_1042 = arith.constant 0 : i32
    %dma_start3A_1043 = arith.constant 0 : i32
    %dma_start3A_1044 = arith.constant 0 : i32
    %dma_start3A_1045 = tpu.memref_slice %arg6[%dma_start3A_1041, %dma_start3A_1042, %dma_start3A_1043, %dma_start3A_1044] : memref<3x2x50x128xf32, #tpu.memory_space<vmem>> -> memref<1x2x50x128xf32, #tpu.memory_space<vmem>>
    %dma_start3A_1046 = tpu.memref_squeeze %dma_start3A_1045 : memref<1x2x50x128xf32, #tpu.memory_space<vmem>> -> memref<2x50x128xf32, #tpu.memory_space<vmem>>
    %dma_start3A_1047 = arith.constant 0 : i32
    %dma_start3A_1048 = arith.constant 0 : i32
    %dma_start3A_1049 = tpu.memref_slice %arg4[%add3A_1040, %dma_start3A_1047, %dma_start3A_1048] : memref<1024x50x128xf32, #tpu.memory_space<hbm>> -> memref<2x50x128xf32, #tpu.memory_space<hbm>>
    %dma_start3A_1050 = arith.constant 0 : i32
    %dma_start3A_1051 = arith.constant 0 : i32
    %dma_start3A_1052 = tpu.memref_slice %arg4[%add3A_1040, %dma_start3A_1050, %dma_start3A_1051] : memref<1024x50x128xf32, #tpu.memory_space<hbm>> -> memref<2x50x128xf32, #tpu.memory_space<hbm>>
    %dma_start3A_1053 = arith.constant 0 : i32
    %dma_start3A_1054 = arith.constant 0 : i32
    %dma_start3A_1055 = arith.constant 0 : i32
    %dma_start3A_1056 = tpu.memref_slice %arg6[%dma_start3A_1041, %dma_start3A_1053, %dma_start3A_1054, %dma_start3A_1055] : memref<3x2x50x128xf32, #tpu.memory_space<vmem>> -> memref<1x2x50x128xf32, #tpu.memory_space<vmem>>
    %dma_start3A_1057 = tpu.memref_squeeze %dma_start3A_1056 : memref<1x2x50x128xf32, #tpu.memory_space<vmem>> -> memref<2x50x128xf32, #tpu.memory_space<vmem>>
    tpu.enqueue_dma source(%dma_start3A_1057 : memref<2x50x128xf32, #tpu.memory_space<vmem>>) target(%dma_start3A_1052 : memref<2x50x128xf32, #tpu.memory_space<hbm>>) target_semaphore(%arg8 : memref<!tpu.dma_semaphore, #tpu.memory_space<semaphore_mem>>)
    %dma_start3A_1058 = arith.constant 28 : i32
    %dma_start3A_1059 = arith.constant 2 : i32
    %dma_start3A_1060 = arith.constant 0 : i32
    %dma_start3A_1061 = arith.constant 0 : i32
    %dma_start3A_1062 = arith.constant 0 : i32
    %dma_start3A_1063 = tpu.memref_slice %arg6[%dma_start3A_1059, %dma_start3A_1060, %dma_start3A_1061, %dma_start3A_1062] : memref<3x2x50x128xf32, #tpu.memory_space<vmem>> -> memref<1x1x50x128xf32, #tpu.memory_space<vmem>>
    %dma_start3A_1064 = tpu.memref_squeeze %dma_start3A_1063 : memref<1x1x50x128xf32, #tpu.memory_space<vmem>> -> memref<50x128xf32, #tpu.memory_space<vmem>>
    %dma_start3A_1065 = arith.constant 0 : i32
    %dma_start3A_1066 = tpu.memref_slice %arg5[%dma_start3A_1058, %dma_start3A_1065] : memref<32x50xi32, #tpu.memory_space<vmem>> -> memref<1x50xi32, #tpu.memory_space<vmem>>
    %dma_start3A_1067 = tpu.memref_squeeze %dma_start3A_1066 : memref<1x50xi32, #tpu.memory_space<vmem>> -> memref<50xi32, #tpu.memory_space<vmem>>
    %dma_start3A_1068 = arith.constant 0 : i32
    %dma_start3A_1069 = arith.constant 0 : i32
    %dma_start3A_1070 = tpu.memref_slice %arg2[%dma_start3A_1068, %dma_start3A_1069] : memref<1024x128xf32, #tpu.memory_space<hbm>> -> memref<1024x128xf32, #tpu.memory_space<hbm>>
    tpu.enqueue_indirect_dma source(%dma_start3A_1070 : memref<1024x128xf32, #tpu.memory_space<hbm>>) target(%dma_start3A_1064 : memref<50x128xf32, #tpu.memory_space<vmem>>) offsets(%dma_start3A_1067 : memref<50xi32, #tpu.memory_space<vmem>>) semaphore(%arg7 : memref<!tpu.dma_semaphore, #tpu.memory_space<semaphore_mem>>)
    %dma_start3A_1071 = arith.constant 29 : i32
    %dma_start3A_1072 = arith.constant 2 : i32
    %dma_start3A_1073 = arith.constant 1 : i32
    %dma_start3A_1074 = arith.constant 0 : i32
    %dma_start3A_1075 = arith.constant 0 : i32
    %dma_start3A_1076 = tpu.memref_slice %arg6[%dma_start3A_1072, %dma_start3A_1073, %dma_start3A_1074, %dma_start3A_1075] : memref<3x2x50x128xf32, #tpu.memory_space<vmem>> -> memref<1x1x50x128xf32, #tpu.memory_space<vmem>>
    %dma_start3A_1077 = tpu.memref_squeeze %dma_start3A_1076 : memref<1x1x50x128xf32, #tpu.memory_space<vmem>> -> memref<50x128xf32, #tpu.memory_space<vmem>>
    %dma_start3A_1078 = arith.constant 0 : i32
    %dma_start3A_1079 = tpu.memref_slice %arg5[%dma_start3A_1071, %dma_start3A_1078] : memref<32x50xi32, #tpu.memory_space<vmem>> -> memref<1x50xi32, #tpu.memory_space<vmem>>
    %dma_start3A_1080 = tpu.memref_squeeze %dma_start3A_1079 : memref<1x50xi32, #tpu.memory_space<vmem>> -> memref<50xi32, #tpu.memory_space<vmem>>
    %dma_start3A_1081 = arith.constant 0 : i32
    %dma_start3A_1082 = arith.constant 0 : i32
    %dma_start3A_1083 = tpu.memref_slice %arg2[%dma_start3A_1081, %dma_start3A_1082] : memref<1024x128xf32, #tpu.memory_space<hbm>> -> memref<1024x128xf32, #tpu.memory_space<hbm>>
    tpu.enqueue_indirect_dma source(%dma_start3A_1083 : memref<1024x128xf32, #tpu.memory_space<hbm>>) target(%dma_start3A_1077 : memref<50x128xf32, #tpu.memory_space<vmem>>) offsets(%dma_start3A_1080 : memref<50xi32, #tpu.memory_space<vmem>>) semaphore(%arg7 : memref<!tpu.dma_semaphore, #tpu.memory_space<semaphore_mem>>)
    %dma_wait3A_1084 = arith.constant 0 : i32
    %dma_wait3A_1085 = arith.constant 0 : i32
    %dma_wait3A_1086 = arith.constant 0 : i32
    %dma_wait3A_1087 = arith.constant 0 : i32
    %dma_wait3A_1088 = tpu.memref_slice %arg6[%dma_wait3A_1084, %dma_wait3A_1085, %dma_wait3A_1086, %dma_wait3A_1087] : memref<3x2x50x128xf32, #tpu.memory_space<vmem>> -> memref<1x2x50x128xf32, #tpu.memory_space<vmem>>
    %dma_wait3A_1089 = tpu.memref_squeeze %dma_wait3A_1088 : memref<1x2x50x128xf32, #tpu.memory_space<vmem>> -> memref<2x50x128xf32, #tpu.memory_space<vmem>>
    %dma_wait3A_1090 = arith.constant 0 : i32
    %dma_wait3A_1091 = arith.constant 0 : i32
    %dma_wait3A_1092 = tpu.memref_slice %arg4[%add3A_864, %dma_wait3A_1090, %dma_wait3A_1091] : memref<1024x50x128xf32, #tpu.memory_space<hbm>> -> memref<2x50x128xf32, #tpu.memory_space<hbm>>
    %dma_wait3A_1093 = arith.constant 0 : i32
    %dma_wait3A_1094 = arith.constant 0 : i32
    %dma_wait3A_1095 = tpu.memref_slice %arg4[%add3A_864, %dma_wait3A_1093, %dma_wait3A_1094] : memref<1024x50x128xf32, #tpu.memory_space<hbm>> -> memref<2x50x128xf32, #tpu.memory_space<hbm>>
    %dma_wait3A_1096 = arith.constant 0 : i32
    %dma_wait3A_1097 = arith.constant 0 : i32
    %dma_wait3A_1098 = arith.constant 0 : i32
    %dma_wait3A_1099 = tpu.memref_slice %arg6[%dma_wait3A_1084, %dma_wait3A_1096, %dma_wait3A_1097, %dma_wait3A_1098] : memref<3x2x50x128xf32, #tpu.memory_space<vmem>> -> memref<1x2x50x128xf32, #tpu.memory_space<vmem>>
    %dma_wait3A_1100 = tpu.memref_squeeze %dma_wait3A_1099 : memref<1x2x50x128xf32, #tpu.memory_space<vmem>> -> memref<2x50x128xf32, #tpu.memory_space<vmem>>
    tpu.wait_dma2 semaphore(%arg8 : memref<!tpu.dma_semaphore, #tpu.memory_space<semaphore_mem>>) src(%dma_wait3A_1100 : memref<2x50x128xf32, #tpu.memory_space<vmem>>) dst(%dma_wait3A_1095 : memref<2x50x128xf32, #tpu.memory_space<hbm>>)
    %dma_wait3A_1101 = arith.constant 24 : i32
    %dma_wait3A_1102 = arith.constant 0 : i32
    %dma_wait3A_1103 = arith.constant 0 : i32
    %dma_wait3A_1104 = arith.constant 0 : i32
    %dma_wait3A_1105 = arith.constant 0 : i32
    %dma_wait3A_1106 = tpu.memref_slice %arg6[%dma_wait3A_1102, %dma_wait3A_1103, %dma_wait3A_1104, %dma_wait3A_1105] : memref<3x2x50x128xf32, #tpu.memory_space<vmem>> -> memref<1x1x50x128xf32, #tpu.memory_space<vmem>>
    %dma_wait3A_1107 = tpu.memref_squeeze %dma_wait3A_1106 : memref<1x1x50x128xf32, #tpu.memory_space<vmem>> -> memref<50x128xf32, #tpu.memory_space<vmem>>
    %dma_wait3A_1108 = arith.constant 0 : i32
    %dma_wait3A_1109 = tpu.memref_slice %arg5[%dma_wait3A_1101, %dma_wait3A_1108] : memref<32x50xi32, #tpu.memory_space<vmem>> -> memref<1x50xi32, #tpu.memory_space<vmem>>
    %dma_wait3A_1110 = tpu.memref_squeeze %dma_wait3A_1109 : memref<1x50xi32, #tpu.memory_space<vmem>> -> memref<50xi32, #tpu.memory_space<vmem>>
    %dma_wait3A_1111 = arith.constant 0 : i32
    %dma_wait3A_1112 = arith.constant 0 : i32
    %dma_wait3A_1113 = tpu.memref_slice %arg2[%dma_wait3A_1111, %dma_wait3A_1112] : memref<1024x128xf32, #tpu.memory_space<hbm>> -> memref<1024x128xf32, #tpu.memory_space<hbm>>
    tpu.wait_indirect_dma semaphore(%arg7 : memref<!tpu.dma_semaphore, #tpu.memory_space<semaphore_mem>>) src(%dma_wait3A_1113 : memref<1024x128xf32, #tpu.memory_space<hbm>>) dst(%dma_wait3A_1107 : memref<50x128xf32, #tpu.memory_space<vmem>>)
    %dma_wait3A_1114 = arith.constant 25 : i32
    %dma_wait3A_1115 = arith.constant 0 : i32
    %dma_wait3A_1116 = arith.constant 1 : i32
    %dma_wait3A_1117 = arith.constant 0 : i32
    %dma_wait3A_1118 = arith.constant 0 : i32
    %dma_wait3A_1119 = tpu.memref_slice %arg6[%dma_wait3A_1115, %dma_wait3A_1116, %dma_wait3A_1117, %dma_wait3A_1118] : memref<3x2x50x128xf32, #tpu.memory_space<vmem>> -> memref<1x1x50x128xf32, #tpu.memory_space<vmem>>
    %dma_wait3A_1120 = tpu.memref_squeeze %dma_wait3A_1119 : memref<1x1x50x128xf32, #tpu.memory_space<vmem>> -> memref<50x128xf32, #tpu.memory_space<vmem>>
    %dma_wait3A_1121 = arith.constant 0 : i32
    %dma_wait3A_1122 = tpu.memref_slice %arg5[%dma_wait3A_1114, %dma_wait3A_1121] : memref<32x50xi32, #tpu.memory_space<vmem>> -> memref<1x50xi32, #tpu.memory_space<vmem>>
    %dma_wait3A_1123 = tpu.memref_squeeze %dma_wait3A_1122 : memref<1x50xi32, #tpu.memory_space<vmem>> -> memref<50xi32, #tpu.memory_space<vmem>>
    %dma_wait3A_1124 = arith.constant 0 : i32
    %dma_wait3A_1125 = arith.constant 0 : i32
    %dma_wait3A_1126 = tpu.memref_slice %arg2[%dma_wait3A_1124, %dma_wait3A_1125] : memref<1024x128xf32, #tpu.memory_space<hbm>> -> memref<1024x128xf32, #tpu.memory_space<hbm>>
    tpu.wait_indirect_dma semaphore(%arg7 : memref<!tpu.dma_semaphore, #tpu.memory_space<semaphore_mem>>) src(%dma_wait3A_1126 : memref<1024x128xf32, #tpu.memory_space<hbm>>) dst(%dma_wait3A_1120 : memref<50x128xf32, #tpu.memory_space<vmem>>)
    %add3A_1127 = arith.constant 24 : i32
    %add3A_1128 = arith.addi %mul3A_2, %add3A_1127 : i32
    %dma_start3A_1129 = arith.constant 0 : i32
    %dma_start3A_1130 = arith.constant 0 : i32
    %dma_start3A_1131 = arith.constant 0 : i32
    %dma_start3A_1132 = arith.constant 0 : i32
    %dma_start3A_1133 = tpu.memref_slice %arg6[%dma_start3A_1129, %dma_start3A_1130, %dma_start3A_1131, %dma_start3A_1132] : memref<3x2x50x128xf32, #tpu.memory_space<vmem>> -> memref<1x2x50x128xf32, #tpu.memory_space<vmem>>
    %dma_start3A_1134 = tpu.memref_squeeze %dma_start3A_1133 : memref<1x2x50x128xf32, #tpu.memory_space<vmem>> -> memref<2x50x128xf32, #tpu.memory_space<vmem>>
    %dma_start3A_1135 = arith.constant 0 : i32
    %dma_start3A_1136 = arith.constant 0 : i32
    %dma_start3A_1137 = tpu.memref_slice %arg4[%add3A_1128, %dma_start3A_1135, %dma_start3A_1136] : memref<1024x50x128xf32, #tpu.memory_space<hbm>> -> memref<2x50x128xf32, #tpu.memory_space<hbm>>
    %dma_start3A_1138 = arith.constant 0 : i32
    %dma_start3A_1139 = arith.constant 0 : i32
    %dma_start3A_1140 = tpu.memref_slice %arg4[%add3A_1128, %dma_start3A_1138, %dma_start3A_1139] : memref<1024x50x128xf32, #tpu.memory_space<hbm>> -> memref<2x50x128xf32, #tpu.memory_space<hbm>>
    %dma_start3A_1141 = arith.constant 0 : i32
    %dma_start3A_1142 = arith.constant 0 : i32
    %dma_start3A_1143 = arith.constant 0 : i32
    %dma_start3A_1144 = tpu.memref_slice %arg6[%dma_start3A_1129, %dma_start3A_1141, %dma_start3A_1142, %dma_start3A_1143] : memref<3x2x50x128xf32, #tpu.memory_space<vmem>> -> memref<1x2x50x128xf32, #tpu.memory_space<vmem>>
    %dma_start3A_1145 = tpu.memref_squeeze %dma_start3A_1144 : memref<1x2x50x128xf32, #tpu.memory_space<vmem>> -> memref<2x50x128xf32, #tpu.memory_space<vmem>>
    tpu.enqueue_dma source(%dma_start3A_1145 : memref<2x50x128xf32, #tpu.memory_space<vmem>>) target(%dma_start3A_1140 : memref<2x50x128xf32, #tpu.memory_space<hbm>>) target_semaphore(%arg8 : memref<!tpu.dma_semaphore, #tpu.memory_space<semaphore_mem>>)
    %dma_start3A_1146 = arith.constant 30 : i32
    %dma_start3A_1147 = arith.constant 0 : i32
    %dma_start3A_1148 = arith.constant 0 : i32
    %dma_start3A_1149 = arith.constant 0 : i32
    %dma_start3A_1150 = arith.constant 0 : i32
    %dma_start3A_1151 = tpu.memref_slice %arg6[%dma_start3A_1147, %dma_start3A_1148, %dma_start3A_1149, %dma_start3A_1150] : memref<3x2x50x128xf32, #tpu.memory_space<vmem>> -> memref<1x1x50x128xf32, #tpu.memory_space<vmem>>
    %dma_start3A_1152 = tpu.memref_squeeze %dma_start3A_1151 : memref<1x1x50x128xf32, #tpu.memory_space<vmem>> -> memref<50x128xf32, #tpu.memory_space<vmem>>
    %dma_start3A_1153 = arith.constant 0 : i32
    %dma_start3A_1154 = tpu.memref_slice %arg5[%dma_start3A_1146, %dma_start3A_1153] : memref<32x50xi32, #tpu.memory_space<vmem>> -> memref<1x50xi32, #tpu.memory_space<vmem>>
    %dma_start3A_1155 = tpu.memref_squeeze %dma_start3A_1154 : memref<1x50xi32, #tpu.memory_space<vmem>> -> memref<50xi32, #tpu.memory_space<vmem>>
    %dma_start3A_1156 = arith.constant 0 : i32
    %dma_start3A_1157 = arith.constant 0 : i32
    %dma_start3A_1158 = tpu.memref_slice %arg2[%dma_start3A_1156, %dma_start3A_1157] : memref<1024x128xf32, #tpu.memory_space<hbm>> -> memref<1024x128xf32, #tpu.memory_space<hbm>>
    tpu.enqueue_indirect_dma source(%dma_start3A_1158 : memref<1024x128xf32, #tpu.memory_space<hbm>>) target(%dma_start3A_1152 : memref<50x128xf32, #tpu.memory_space<vmem>>) offsets(%dma_start3A_1155 : memref<50xi32, #tpu.memory_space<vmem>>) semaphore(%arg7 : memref<!tpu.dma_semaphore, #tpu.memory_space<semaphore_mem>>)
    %dma_start3A_1159 = arith.constant 31 : i32
    %dma_start3A_1160 = arith.constant 0 : i32
    %dma_start3A_1161 = arith.constant 1 : i32
    %dma_start3A_1162 = arith.constant 0 : i32
    %dma_start3A_1163 = arith.constant 0 : i32
    %dma_start3A_1164 = tpu.memref_slice %arg6[%dma_start3A_1160, %dma_start3A_1161, %dma_start3A_1162, %dma_start3A_1163] : memref<3x2x50x128xf32, #tpu.memory_space<vmem>> -> memref<1x1x50x128xf32, #tpu.memory_space<vmem>>
    %dma_start3A_1165 = tpu.memref_squeeze %dma_start3A_1164 : memref<1x1x50x128xf32, #tpu.memory_space<vmem>> -> memref<50x128xf32, #tpu.memory_space<vmem>>
    %dma_start3A_1166 = arith.constant 0 : i32
    %dma_start3A_1167 = tpu.memref_slice %arg5[%dma_start3A_1159, %dma_start3A_1166] : memref<32x50xi32, #tpu.memory_space<vmem>> -> memref<1x50xi32, #tpu.memory_space<vmem>>
    %dma_start3A_1168 = tpu.memref_squeeze %dma_start3A_1167 : memref<1x50xi32, #tpu.memory_space<vmem>> -> memref<50xi32, #tpu.memory_space<vmem>>
    %dma_start3A_1169 = arith.constant 0 : i32
    %dma_start3A_1170 = arith.constant 0 : i32
    %dma_start3A_1171 = tpu.memref_slice %arg2[%dma_start3A_1169, %dma_start3A_1170] : memref<1024x128xf32, #tpu.memory_space<hbm>> -> memref<1024x128xf32, #tpu.memory_space<hbm>>
    tpu.enqueue_indirect_dma source(%dma_start3A_1171 : memref<1024x128xf32, #tpu.memory_space<hbm>>) target(%dma_start3A_1165 : memref<50x128xf32, #tpu.memory_space<vmem>>) offsets(%dma_start3A_1168 : memref<50xi32, #tpu.memory_space<vmem>>) semaphore(%arg7 : memref<!tpu.dma_semaphore, #tpu.memory_space<semaphore_mem>>)
    %dma_wait3A_1172 = arith.constant 1 : i32
    %dma_wait3A_1173 = arith.constant 0 : i32
    %dma_wait3A_1174 = arith.constant 0 : i32
    %dma_wait3A_1175 = arith.constant 0 : i32
    %dma_wait3A_1176 = tpu.memref_slice %arg6[%dma_wait3A_1172, %dma_wait3A_1173, %dma_wait3A_1174, %dma_wait3A_1175] : memref<3x2x50x128xf32, #tpu.memory_space<vmem>> -> memref<1x2x50x128xf32, #tpu.memory_space<vmem>>
    %dma_wait3A_1177 = tpu.memref_squeeze %dma_wait3A_1176 : memref<1x2x50x128xf32, #tpu.memory_space<vmem>> -> memref<2x50x128xf32, #tpu.memory_space<vmem>>
    %dma_wait3A_1178 = arith.constant 0 : i32
    %dma_wait3A_1179 = arith.constant 0 : i32
    %dma_wait3A_1180 = tpu.memref_slice %arg4[%add3A_952, %dma_wait3A_1178, %dma_wait3A_1179] : memref<1024x50x128xf32, #tpu.memory_space<hbm>> -> memref<2x50x128xf32, #tpu.memory_space<hbm>>
    %dma_wait3A_1181 = arith.constant 0 : i32
    %dma_wait3A_1182 = arith.constant 0 : i32
    %dma_wait3A_1183 = tpu.memref_slice %arg4[%add3A_952, %dma_wait3A_1181, %dma_wait3A_1182] : memref<1024x50x128xf32, #tpu.memory_space<hbm>> -> memref<2x50x128xf32, #tpu.memory_space<hbm>>
    %dma_wait3A_1184 = arith.constant 0 : i32
    %dma_wait3A_1185 = arith.constant 0 : i32
    %dma_wait3A_1186 = arith.constant 0 : i32
    %dma_wait3A_1187 = tpu.memref_slice %arg6[%dma_wait3A_1172, %dma_wait3A_1184, %dma_wait3A_1185, %dma_wait3A_1186] : memref<3x2x50x128xf32, #tpu.memory_space<vmem>> -> memref<1x2x50x128xf32, #tpu.memory_space<vmem>>
    %dma_wait3A_1188 = tpu.memref_squeeze %dma_wait3A_1187 : memref<1x2x50x128xf32, #tpu.memory_space<vmem>> -> memref<2x50x128xf32, #tpu.memory_space<vmem>>
    tpu.wait_dma2 semaphore(%arg8 : memref<!tpu.dma_semaphore, #tpu.memory_space<semaphore_mem>>) src(%dma_wait3A_1188 : memref<2x50x128xf32, #tpu.memory_space<vmem>>) dst(%dma_wait3A_1183 : memref<2x50x128xf32, #tpu.memory_space<hbm>>)
    %dma_wait3A_1189 = arith.constant 26 : i32
    %dma_wait3A_1190 = arith.constant 1 : i32
    %dma_wait3A_1191 = arith.constant 0 : i32
    %dma_wait3A_1192 = arith.constant 0 : i32
    %dma_wait3A_1193 = arith.constant 0 : i32
    %dma_wait3A_1194 = tpu.memref_slice %arg6[%dma_wait3A_1190, %dma_wait3A_1191, %dma_wait3A_1192, %dma_wait3A_1193] : memref<3x2x50x128xf32, #tpu.memory_space<vmem>> -> memref<1x1x50x128xf32, #tpu.memory_space<vmem>>
    %dma_wait3A_1195 = tpu.memref_squeeze %dma_wait3A_1194 : memref<1x1x50x128xf32, #tpu.memory_space<vmem>> -> memref<50x128xf32, #tpu.memory_space<vmem>>
    %dma_wait3A_1196 = arith.constant 0 : i32
    %dma_wait3A_1197 = tpu.memref_slice %arg5[%dma_wait3A_1189, %dma_wait3A_1196] : memref<32x50xi32, #tpu.memory_space<vmem>> -> memref<1x50xi32, #tpu.memory_space<vmem>>
    %dma_wait3A_1198 = tpu.memref_squeeze %dma_wait3A_1197 : memref<1x50xi32, #tpu.memory_space<vmem>> -> memref<50xi32, #tpu.memory_space<vmem>>
    %dma_wait3A_1199 = arith.constant 0 : i32
    %dma_wait3A_1200 = arith.constant 0 : i32
    %dma_wait3A_1201 = tpu.memref_slice %arg2[%dma_wait3A_1199, %dma_wait3A_1200] : memref<1024x128xf32, #tpu.memory_space<hbm>> -> memref<1024x128xf32, #tpu.memory_space<hbm>>
    tpu.wait_indirect_dma semaphore(%arg7 : memref<!tpu.dma_semaphore, #tpu.memory_space<semaphore_mem>>) src(%dma_wait3A_1201 : memref<1024x128xf32, #tpu.memory_space<hbm>>) dst(%dma_wait3A_1195 : memref<50x128xf32, #tpu.memory_space<vmem>>)
    %dma_wait3A_1202 = arith.constant 27 : i32
    %dma_wait3A_1203 = arith.constant 1 : i32
    %dma_wait3A_1204 = arith.constant 1 : i32
    %dma_wait3A_1205 = arith.constant 0 : i32
    %dma_wait3A_1206 = arith.constant 0 : i32
    %dma_wait3A_1207 = tpu.memref_slice %arg6[%dma_wait3A_1203, %dma_wait3A_1204, %dma_wait3A_1205, %dma_wait3A_1206] : memref<3x2x50x128xf32, #tpu.memory_space<vmem>> -> memref<1x1x50x128xf32, #tpu.memory_space<vmem>>
    %dma_wait3A_1208 = tpu.memref_squeeze %dma_wait3A_1207 : memref<1x1x50x128xf32, #tpu.memory_space<vmem>> -> memref<50x128xf32, #tpu.memory_space<vmem>>
    %dma_wait3A_1209 = arith.constant 0 : i32
    %dma_wait3A_1210 = tpu.memref_slice %arg5[%dma_wait3A_1202, %dma_wait3A_1209] : memref<32x50xi32, #tpu.memory_space<vmem>> -> memref<1x50xi32, #tpu.memory_space<vmem>>
    %dma_wait3A_1211 = tpu.memref_squeeze %dma_wait3A_1210 : memref<1x50xi32, #tpu.memory_space<vmem>> -> memref<50xi32, #tpu.memory_space<vmem>>
    %dma_wait3A_1212 = arith.constant 0 : i32
    %dma_wait3A_1213 = arith.constant 0 : i32
    %dma_wait3A_1214 = tpu.memref_slice %arg2[%dma_wait3A_1212, %dma_wait3A_1213] : memref<1024x128xf32, #tpu.memory_space<hbm>> -> memref<1024x128xf32, #tpu.memory_space<hbm>>
    tpu.wait_indirect_dma semaphore(%arg7 : memref<!tpu.dma_semaphore, #tpu.memory_space<semaphore_mem>>) src(%dma_wait3A_1214 : memref<1024x128xf32, #tpu.memory_space<hbm>>) dst(%dma_wait3A_1208 : memref<50x128xf32, #tpu.memory_space<vmem>>)
    %add3A_1215 = arith.constant 26 : i32
    %add3A_1216 = arith.addi %mul3A_2, %add3A_1215 : i32
    %dma_start3A_1217 = arith.constant 1 : i32
    %dma_start3A_1218 = arith.constant 0 : i32
    %dma_start3A_1219 = arith.constant 0 : i32
    %dma_start3A_1220 = arith.constant 0 : i32
    %dma_start3A_1221 = tpu.memref_slice %arg6[%dma_start3A_1217, %dma_start3A_1218, %dma_start3A_1219, %dma_start3A_1220] : memref<3x2x50x128xf32, #tpu.memory_space<vmem>> -> memref<1x2x50x128xf32, #tpu.memory_space<vmem>>
    %dma_start3A_1222 = tpu.memref_squeeze %dma_start3A_1221 : memref<1x2x50x128xf32, #tpu.memory_space<vmem>> -> memref<2x50x128xf32, #tpu.memory_space<vmem>>
    %dma_start3A_1223 = arith.constant 0 : i32
    %dma_start3A_1224 = arith.constant 0 : i32
    %dma_start3A_1225 = tpu.memref_slice %arg4[%add3A_1216, %dma_start3A_1223, %dma_start3A_1224] : memref<1024x50x128xf32, #tpu.memory_space<hbm>> -> memref<2x50x128xf32, #tpu.memory_space<hbm>>
    %dma_start3A_1226 = arith.constant 0 : i32
    %dma_start3A_1227 = arith.constant 0 : i32
    %dma_start3A_1228 = tpu.memref_slice %arg4[%add3A_1216, %dma_start3A_1226, %dma_start3A_1227] : memref<1024x50x128xf32, #tpu.memory_space<hbm>> -> memref<2x50x128xf32, #tpu.memory_space<hbm>>
    %dma_start3A_1229 = arith.constant 0 : i32
    %dma_start3A_1230 = arith.constant 0 : i32
    %dma_start3A_1231 = arith.constant 0 : i32
    %dma_start3A_1232 = tpu.memref_slice %arg6[%dma_start3A_1217, %dma_start3A_1229, %dma_start3A_1230, %dma_start3A_1231] : memref<3x2x50x128xf32, #tpu.memory_space<vmem>> -> memref<1x2x50x128xf32, #tpu.memory_space<vmem>>
    %dma_start3A_1233 = tpu.memref_squeeze %dma_start3A_1232 : memref<1x2x50x128xf32, #tpu.memory_space<vmem>> -> memref<2x50x128xf32, #tpu.memory_space<vmem>>
    tpu.enqueue_dma source(%dma_start3A_1233 : memref<2x50x128xf32, #tpu.memory_space<vmem>>) target(%dma_start3A_1228 : memref<2x50x128xf32, #tpu.memory_space<hbm>>) target_semaphore(%arg8 : memref<!tpu.dma_semaphore, #tpu.memory_space<semaphore_mem>>)
    %dma_wait3A_1234 = arith.constant 2 : i32
    %dma_wait3A_1235 = arith.constant 0 : i32
    %dma_wait3A_1236 = arith.constant 0 : i32
    %dma_wait3A_1237 = arith.constant 0 : i32
    %dma_wait3A_1238 = tpu.memref_slice %arg6[%dma_wait3A_1234, %dma_wait3A_1235, %dma_wait3A_1236, %dma_wait3A_1237] : memref<3x2x50x128xf32, #tpu.memory_space<vmem>> -> memref<1x2x50x128xf32, #tpu.memory_space<vmem>>
    %dma_wait3A_1239 = tpu.memref_squeeze %dma_wait3A_1238 : memref<1x2x50x128xf32, #tpu.memory_space<vmem>> -> memref<2x50x128xf32, #tpu.memory_space<vmem>>
    %dma_wait3A_1240 = arith.constant 0 : i32
    %dma_wait3A_1241 = arith.constant 0 : i32
    %dma_wait3A_1242 = tpu.memref_slice %arg4[%add3A_1040, %dma_wait3A_1240, %dma_wait3A_1241] : memref<1024x50x128xf32, #tpu.memory_space<hbm>> -> memref<2x50x128xf32, #tpu.memory_space<hbm>>
    %dma_wait3A_1243 = arith.constant 0 : i32
    %dma_wait3A_1244 = arith.constant 0 : i32
    %dma_wait3A_1245 = tpu.memref_slice %arg4[%add3A_1040, %dma_wait3A_1243, %dma_wait3A_1244] : memref<1024x50x128xf32, #tpu.memory_space<hbm>> -> memref<2x50x128xf32, #tpu.memory_space<hbm>>
    %dma_wait3A_1246 = arith.constant 0 : i32
    %dma_wait3A_1247 = arith.constant 0 : i32
    %dma_wait3A_1248 = arith.constant 0 : i32
    %dma_wait3A_1249 = tpu.memref_slice %arg6[%dma_wait3A_1234, %dma_wait3A_1246, %dma_wait3A_1247, %dma_wait3A_1248] : memref<3x2x50x128xf32, #tpu.memory_space<vmem>> -> memref<1x2x50x128xf32, #tpu.memory_space<vmem>>
    %dma_wait3A_1250 = tpu.memref_squeeze %dma_wait3A_1249 : memref<1x2x50x128xf32, #tpu.memory_space<vmem>> -> memref<2x50x128xf32, #tpu.memory_space<vmem>>
    tpu.wait_dma2 semaphore(%arg8 : memref<!tpu.dma_semaphore, #tpu.memory_space<semaphore_mem>>) src(%dma_wait3A_1250 : memref<2x50x128xf32, #tpu.memory_space<vmem>>) dst(%dma_wait3A_1245 : memref<2x50x128xf32, #tpu.memory_space<hbm>>)
    %dma_wait3A_1251 = arith.constant 28 : i32
    %dma_wait3A_1252 = arith.constant 2 : i32
    %dma_wait3A_1253 = arith.constant 0 : i32
    %dma_wait3A_1254 = arith.constant 0 : i32
    %dma_wait3A_1255 = arith.constant 0 : i32
    %dma_wait3A_1256 = tpu.memref_slice %arg6[%dma_wait3A_1252, %dma_wait3A_1253, %dma_wait3A_1254, %dma_wait3A_1255] : memref<3x2x50x128xf32, #tpu.memory_space<vmem>> -> memref<1x1x50x128xf32, #tpu.memory_space<vmem>>
    %dma_wait3A_1257 = tpu.memref_squeeze %dma_wait3A_1256 : memref<1x1x50x128xf32, #tpu.memory_space<vmem>> -> memref<50x128xf32, #tpu.memory_space<vmem>>
    %dma_wait3A_1258 = arith.constant 0 : i32
    %dma_wait3A_1259 = tpu.memref_slice %arg5[%dma_wait3A_1251, %dma_wait3A_1258] : memref<32x50xi32, #tpu.memory_space<vmem>> -> memref<1x50xi32, #tpu.memory_space<vmem>>
    %dma_wait3A_1260 = tpu.memref_squeeze %dma_wait3A_1259 : memref<1x50xi32, #tpu.memory_space<vmem>> -> memref<50xi32, #tpu.memory_space<vmem>>
    %dma_wait3A_1261 = arith.constant 0 : i32
    %dma_wait3A_1262 = arith.constant 0 : i32
    %dma_wait3A_1263 = tpu.memref_slice %arg2[%dma_wait3A_1261, %dma_wait3A_1262] : memref<1024x128xf32, #tpu.memory_space<hbm>> -> memref<1024x128xf32, #tpu.memory_space<hbm>>
    tpu.wait_indirect_dma semaphore(%arg7 : memref<!tpu.dma_semaphore, #tpu.memory_space<semaphore_mem>>) src(%dma_wait3A_1263 : memref<1024x128xf32, #tpu.memory_space<hbm>>) dst(%dma_wait3A_1257 : memref<50x128xf32, #tpu.memory_space<vmem>>)
    %dma_wait3A_1264 = arith.constant 29 : i32
    %dma_wait3A_1265 = arith.constant 2 : i32
    %dma_wait3A_1266 = arith.constant 1 : i32
    %dma_wait3A_1267 = arith.constant 0 : i32
    %dma_wait3A_1268 = arith.constant 0 : i32
    %dma_wait3A_1269 = tpu.memref_slice %arg6[%dma_wait3A_1265, %dma_wait3A_1266, %dma_wait3A_1267, %dma_wait3A_1268] : memref<3x2x50x128xf32, #tpu.memory_space<vmem>> -> memref<1x1x50x128xf32, #tpu.memory_space<vmem>>
    %dma_wait3A_1270 = tpu.memref_squeeze %dma_wait3A_1269 : memref<1x1x50x128xf32, #tpu.memory_space<vmem>> -> memref<50x128xf32, #tpu.memory_space<vmem>>
    %dma_wait3A_1271 = arith.constant 0 : i32
    %dma_wait3A_1272 = tpu.memref_slice %arg5[%dma_wait3A_1264, %dma_wait3A_1271] : memref<32x50xi32, #tpu.memory_space<vmem>> -> memref<1x50xi32, #tpu.memory_space<vmem>>
    %dma_wait3A_1273 = tpu.memref_squeeze %dma_wait3A_1272 : memref<1x50xi32, #tpu.memory_space<vmem>> -> memref<50xi32, #tpu.memory_space<vmem>>
    %dma_wait3A_1274 = arith.constant 0 : i32
    %dma_wait3A_1275 = arith.constant 0 : i32
    %dma_wait3A_1276 = tpu.memref_slice %arg2[%dma_wait3A_1274, %dma_wait3A_1275] : memref<1024x128xf32, #tpu.memory_space<hbm>> -> memref<1024x128xf32, #tpu.memory_space<hbm>>
    tpu.wait_indirect_dma semaphore(%arg7 : memref<!tpu.dma_semaphore, #tpu.memory_space<semaphore_mem>>) src(%dma_wait3A_1276 : memref<1024x128xf32, #tpu.memory_space<hbm>>) dst(%dma_wait3A_1270 : memref<50x128xf32, #tpu.memory_space<vmem>>)
    %add3A_1277 = arith.constant 28 : i32
    %add3A_1278 = arith.addi %mul3A_2, %add3A_1277 : i32
    %dma_start3A_1279 = arith.constant 2 : i32
    %dma_start3A_1280 = arith.constant 0 : i32
    %dma_start3A_1281 = arith.constant 0 : i32
    %dma_start3A_1282 = arith.constant 0 : i32
    %dma_start3A_1283 = tpu.memref_slice %arg6[%dma_start3A_1279, %dma_start3A_1280, %dma_start3A_1281, %dma_start3A_1282] : memref<3x2x50x128xf32, #tpu.memory_space<vmem>> -> memref<1x2x50x128xf32, #tpu.memory_space<vmem>>
    %dma_start3A_1284 = tpu.memref_squeeze %dma_start3A_1283 : memref<1x2x50x128xf32, #tpu.memory_space<vmem>> -> memref<2x50x128xf32, #tpu.memory_space<vmem>>
    %dma_start3A_1285 = arith.constant 0 : i32
    %dma_start3A_1286 = arith.constant 0 : i32
    %dma_start3A_1287 = tpu.memref_slice %arg4[%add3A_1278, %dma_start3A_1285, %dma_start3A_1286] : memref<1024x50x128xf32, #tpu.memory_space<hbm>> -> memref<2x50x128xf32, #tpu.memory_space<hbm>>
    %dma_start3A_1288 = arith.constant 0 : i32
    %dma_start3A_1289 = arith.constant 0 : i32
    %dma_start3A_1290 = tpu.memref_slice %arg4[%add3A_1278, %dma_start3A_1288, %dma_start3A_1289] : memref<1024x50x128xf32, #tpu.memory_space<hbm>> -> memref<2x50x128xf32, #tpu.memory_space<hbm>>
    %dma_start3A_1291 = arith.constant 0 : i32
    %dma_start3A_1292 = arith.constant 0 : i32
    %dma_start3A_1293 = arith.constant 0 : i32
    %dma_start3A_1294 = tpu.memref_slice %arg6[%dma_start3A_1279, %dma_start3A_1291, %dma_start3A_1292, %dma_start3A_1293] : memref<3x2x50x128xf32, #tpu.memory_space<vmem>> -> memref<1x2x50x128xf32, #tpu.memory_space<vmem>>
    %dma_start3A_1295 = tpu.memref_squeeze %dma_start3A_1294 : memref<1x2x50x128xf32, #tpu.memory_space<vmem>> -> memref<2x50x128xf32, #tpu.memory_space<vmem>>
    tpu.enqueue_dma source(%dma_start3A_1295 : memref<2x50x128xf32, #tpu.memory_space<vmem>>) target(%dma_start3A_1290 : memref<2x50x128xf32, #tpu.memory_space<hbm>>) target_semaphore(%arg8 : memref<!tpu.dma_semaphore, #tpu.memory_space<semaphore_mem>>)
    %dma_wait3A_1296 = arith.constant 0 : i32
    %dma_wait3A_1297 = arith.constant 0 : i32
    %dma_wait3A_1298 = arith.constant 0 : i32
    %dma_wait3A_1299 = arith.constant 0 : i32
    %dma_wait3A_1300 = tpu.memref_slice %arg6[%dma_wait3A_1296, %dma_wait3A_1297, %dma_wait3A_1298, %dma_wait3A_1299] : memref<3x2x50x128xf32, #tpu.memory_space<vmem>> -> memref<1x2x50x128xf32, #tpu.memory_space<vmem>>
    %dma_wait3A_1301 = tpu.memref_squeeze %dma_wait3A_1300 : memref<1x2x50x128xf32, #tpu.memory_space<vmem>> -> memref<2x50x128xf32, #tpu.memory_space<vmem>>
    %dma_wait3A_1302 = arith.constant 0 : i32
    %dma_wait3A_1303 = arith.constant 0 : i32
    %dma_wait3A_1304 = tpu.memref_slice %arg4[%add3A_1128, %dma_wait3A_1302, %dma_wait3A_1303] : memref<1024x50x128xf32, #tpu.memory_space<hbm>> -> memref<2x50x128xf32, #tpu.memory_space<hbm>>
    %dma_wait3A_1305 = arith.constant 0 : i32
    %dma_wait3A_1306 = arith.constant 0 : i32
    %dma_wait3A_1307 = tpu.memref_slice %arg4[%add3A_1128, %dma_wait3A_1305, %dma_wait3A_1306] : memref<1024x50x128xf32, #tpu.memory_space<hbm>> -> memref<2x50x128xf32, #tpu.memory_space<hbm>>
    %dma_wait3A_1308 = arith.constant 0 : i32
    %dma_wait3A_1309 = arith.constant 0 : i32
    %dma_wait3A_1310 = arith.constant 0 : i32
    %dma_wait3A_1311 = tpu.memref_slice %arg6[%dma_wait3A_1296, %dma_wait3A_1308, %dma_wait3A_1309, %dma_wait3A_1310] : memref<3x2x50x128xf32, #tpu.memory_space<vmem>> -> memref<1x2x50x128xf32, #tpu.memory_space<vmem>>
    %dma_wait3A_1312 = tpu.memref_squeeze %dma_wait3A_1311 : memref<1x2x50x128xf32, #tpu.memory_space<vmem>> -> memref<2x50x128xf32, #tpu.memory_space<vmem>>
    tpu.wait_dma2 semaphore(%arg8 : memref<!tpu.dma_semaphore, #tpu.memory_space<semaphore_mem>>) src(%dma_wait3A_1312 : memref<2x50x128xf32, #tpu.memory_space<vmem>>) dst(%dma_wait3A_1307 : memref<2x50x128xf32, #tpu.memory_space<hbm>>)
    %dma_wait3A_1313 = arith.constant 30 : i32
    %dma_wait3A_1314 = arith.constant 0 : i32
    %dma_wait3A_1315 = arith.constant 0 : i32
    %dma_wait3A_1316 = arith.constant 0 : i32
    %dma_wait3A_1317 = arith.constant 0 : i32
    %dma_wait3A_1318 = tpu.memref_slice %arg6[%dma_wait3A_1314, %dma_wait3A_1315, %dma_wait3A_1316, %dma_wait3A_1317] : memref<3x2x50x128xf32, #tpu.memory_space<vmem>> -> memref<1x1x50x128xf32, #tpu.memory_space<vmem>>
    %dma_wait3A_1319 = tpu.memref_squeeze %dma_wait3A_1318 : memref<1x1x50x128xf32, #tpu.memory_space<vmem>> -> memref<50x128xf32, #tpu.memory_space<vmem>>
    %dma_wait3A_1320 = arith.constant 0 : i32
    %dma_wait3A_1321 = tpu.memref_slice %arg5[%dma_wait3A_1313, %dma_wait3A_1320] : memref<32x50xi32, #tpu.memory_space<vmem>> -> memref<1x50xi32, #tpu.memory_space<vmem>>
    %dma_wait3A_1322 = tpu.memref_squeeze %dma_wait3A_1321 : memref<1x50xi32, #tpu.memory_space<vmem>> -> memref<50xi32, #tpu.memory_space<vmem>>
    %dma_wait3A_1323 = arith.constant 0 : i32
    %dma_wait3A_1324 = arith.constant 0 : i32
    %dma_wait3A_1325 = tpu.memref_slice %arg2[%dma_wait3A_1323, %dma_wait3A_1324] : memref<1024x128xf32, #tpu.memory_space<hbm>> -> memref<1024x128xf32, #tpu.memory_space<hbm>>
    tpu.wait_indirect_dma semaphore(%arg7 : memref<!tpu.dma_semaphore, #tpu.memory_space<semaphore_mem>>) src(%dma_wait3A_1325 : memref<1024x128xf32, #tpu.memory_space<hbm>>) dst(%dma_wait3A_1319 : memref<50x128xf32, #tpu.memory_space<vmem>>)
    %dma_wait3A_1326 = arith.constant 31 : i32
    %dma_wait3A_1327 = arith.constant 0 : i32
    %dma_wait3A_1328 = arith.constant 1 : i32
    %dma_wait3A_1329 = arith.constant 0 : i32
    %dma_wait3A_1330 = arith.constant 0 : i32
    %dma_wait3A_1331 = tpu.memref_slice %arg6[%dma_wait3A_1327, %dma_wait3A_1328, %dma_wait3A_1329, %dma_wait3A_1330] : memref<3x2x50x128xf32, #tpu.memory_space<vmem>> -> memref<1x1x50x128xf32, #tpu.memory_space<vmem>>
    %dma_wait3A_1332 = tpu.memref_squeeze %dma_wait3A_1331 : memref<1x1x50x128xf32, #tpu.memory_space<vmem>> -> memref<50x128xf32, #tpu.memory_space<vmem>>
    %dma_wait3A_1333 = arith.constant 0 : i32
    %dma_wait3A_1334 = tpu.memref_slice %arg5[%dma_wait3A_1326, %dma_wait3A_1333] : memref<32x50xi32, #tpu.memory_space<vmem>> -> memref<1x50xi32, #tpu.memory_space<vmem>>
    %dma_wait3A_1335 = tpu.memref_squeeze %dma_wait3A_1334 : memref<1x50xi32, #tpu.memory_space<vmem>> -> memref<50xi32, #tpu.memory_space<vmem>>
    %dma_wait3A_1336 = arith.constant 0 : i32
    %dma_wait3A_1337 = arith.constant 0 : i32
    %dma_wait3A_1338 = tpu.memref_slice %arg2[%dma_wait3A_1336, %dma_wait3A_1337] : memref<1024x128xf32, #tpu.memory_space<hbm>> -> memref<1024x128xf32, #tpu.memory_space<hbm>>
    tpu.wait_indirect_dma semaphore(%arg7 : memref<!tpu.dma_semaphore, #tpu.memory_space<semaphore_mem>>) src(%dma_wait3A_1338 : memref<1024x128xf32, #tpu.memory_space<hbm>>) dst(%dma_wait3A_1332 : memref<50x128xf32, #tpu.memory_space<vmem>>)
    %add3A_1339 = arith.constant 30 : i32
    %add3A_1340 = arith.addi %mul3A_2, %add3A_1339 : i32
    %dma_start3A_1341 = arith.constant 0 : i32
    %dma_start3A_1342 = arith.constant 0 : i32
    %dma_start3A_1343 = arith.constant 0 : i32
    %dma_start3A_1344 = arith.constant 0 : i32
    %dma_start3A_1345 = tpu.memref_slice %arg6[%dma_start3A_1341, %dma_start3A_1342, %dma_start3A_1343, %dma_start3A_1344] : memref<3x2x50x128xf32, #tpu.memory_space<vmem>> -> memref<1x2x50x128xf32, #tpu.memory_space<vmem>>
    %dma_start3A_1346 = tpu.memref_squeeze %dma_start3A_1345 : memref<1x2x50x128xf32, #tpu.memory_space<vmem>> -> memref<2x50x128xf32, #tpu.memory_space<vmem>>
    %dma_start3A_1347 = arith.constant 0 : i32
    %dma_start3A_1348 = arith.constant 0 : i32
    %dma_start3A_1349 = tpu.memref_slice %arg4[%add3A_1340, %dma_start3A_1347, %dma_start3A_1348] : memref<1024x50x128xf32, #tpu.memory_space<hbm>> -> memref<2x50x128xf32, #tpu.memory_space<hbm>>
    %dma_start3A_1350 = arith.constant 0 : i32
    %dma_start3A_1351 = arith.constant 0 : i32
    %dma_start3A_1352 = tpu.memref_slice %arg4[%add3A_1340, %dma_start3A_1350, %dma_start3A_1351] : memref<1024x50x128xf32, #tpu.memory_space<hbm>> -> memref<2x50x128xf32, #tpu.memory_space<hbm>>
    %dma_start3A_1353 = arith.constant 0 : i32
    %dma_start3A_1354 = arith.constant 0 : i32
    %dma_start3A_1355 = arith.constant 0 : i32
    %dma_start3A_1356 = tpu.memref_slice %arg6[%dma_start3A_1341, %dma_start3A_1353, %dma_start3A_1354, %dma_start3A_1355] : memref<3x2x50x128xf32, #tpu.memory_space<vmem>> -> memref<1x2x50x128xf32, #tpu.memory_space<vmem>>
    %dma_start3A_1357 = tpu.memref_squeeze %dma_start3A_1356 : memref<1x2x50x128xf32, #tpu.memory_space<vmem>> -> memref<2x50x128xf32, #tpu.memory_space<vmem>>
    tpu.enqueue_dma source(%dma_start3A_1357 : memref<2x50x128xf32, #tpu.memory_space<vmem>>) target(%dma_start3A_1352 : memref<2x50x128xf32, #tpu.memory_space<hbm>>) target_semaphore(%arg8 : memref<!tpu.dma_semaphore, #tpu.memory_space<semaphore_mem>>)
    %dma_wait3A_1358 = arith.constant 1 : i32
    %dma_wait3A_1359 = arith.constant 0 : i32
    %dma_wait3A_1360 = arith.constant 0 : i32
    %dma_wait3A_1361 = arith.constant 0 : i32
    %dma_wait3A_1362 = tpu.memref_slice %arg6[%dma_wait3A_1358, %dma_wait3A_1359, %dma_wait3A_1360, %dma_wait3A_1361] : memref<3x2x50x128xf32, #tpu.memory_space<vmem>> -> memref<1x2x50x128xf32, #tpu.memory_space<vmem>>
    %dma_wait3A_1363 = tpu.memref_squeeze %dma_wait3A_1362 : memref<1x2x50x128xf32, #tpu.memory_space<vmem>> -> memref<2x50x128xf32, #tpu.memory_space<vmem>>
    %dma_wait3A_1364 = arith.constant 0 : i32
    %dma_wait3A_1365 = arith.constant 0 : i32
    %dma_wait3A_1366 = tpu.memref_slice %arg4[%add3A_1216, %dma_wait3A_1364, %dma_wait3A_1365] : memref<1024x50x128xf32, #tpu.memory_space<hbm>> -> memref<2x50x128xf32, #tpu.memory_space<hbm>>
    %dma_wait3A_1367 = arith.constant 0 : i32
    %dma_wait3A_1368 = arith.constant 0 : i32
    %dma_wait3A_1369 = tpu.memref_slice %arg4[%add3A_1216, %dma_wait3A_1367, %dma_wait3A_1368] : memref<1024x50x128xf32, #tpu.memory_space<hbm>> -> memref<2x50x128xf32, #tpu.memory_space<hbm>>
    %dma_wait3A_1370 = arith.constant 0 : i32
    %dma_wait3A_1371 = arith.constant 0 : i32
    %dma_wait3A_1372 = arith.constant 0 : i32
    %dma_wait3A_1373 = tpu.memref_slice %arg6[%dma_wait3A_1358, %dma_wait3A_1370, %dma_wait3A_1371, %dma_wait3A_1372] : memref<3x2x50x128xf32, #tpu.memory_space<vmem>> -> memref<1x2x50x128xf32, #tpu.memory_space<vmem>>
    %dma_wait3A_1374 = tpu.memref_squeeze %dma_wait3A_1373 : memref<1x2x50x128xf32, #tpu.memory_space<vmem>> -> memref<2x50x128xf32, #tpu.memory_space<vmem>>
    tpu.wait_dma2 semaphore(%arg8 : memref<!tpu.dma_semaphore, #tpu.memory_space<semaphore_mem>>) src(%dma_wait3A_1374 : memref<2x50x128xf32, #tpu.memory_space<vmem>>) dst(%dma_wait3A_1369 : memref<2x50x128xf32, #tpu.memory_space<hbm>>)
    %dma_wait3A_1375 = arith.constant 2 : i32
    %dma_wait3A_1376 = arith.constant 0 : i32
    %dma_wait3A_1377 = arith.constant 0 : i32
    %dma_wait3A_1378 = arith.constant 0 : i32
    %dma_wait3A_1379 = tpu.memref_slice %arg6[%dma_wait3A_1375, %dma_wait3A_1376, %dma_wait3A_1377, %dma_wait3A_1378] : memref<3x2x50x128xf32, #tpu.memory_space<vmem>> -> memref<1x2x50x128xf32, #tpu.memory_space<vmem>>
    %dma_wait3A_1380 = tpu.memref_squeeze %dma_wait3A_1379 : memref<1x2x50x128xf32, #tpu.memory_space<vmem>> -> memref<2x50x128xf32, #tpu.memory_space<vmem>>
    %dma_wait3A_1381 = arith.constant 0 : i32
    %dma_wait3A_1382 = arith.constant 0 : i32
    %dma_wait3A_1383 = tpu.memref_slice %arg4[%add3A_1278, %dma_wait3A_1381, %dma_wait3A_1382] : memref<1024x50x128xf32, #tpu.memory_space<hbm>> -> memref<2x50x128xf32, #tpu.memory_space<hbm>>
    %dma_wait3A_1384 = arith.constant 0 : i32
    %dma_wait3A_1385 = arith.constant 0 : i32
    %dma_wait3A_1386 = tpu.memref_slice %arg4[%add3A_1278, %dma_wait3A_1384, %dma_wait3A_1385] : memref<1024x50x128xf32, #tpu.memory_space<hbm>> -> memref<2x50x128xf32, #tpu.memory_space<hbm>>
    %dma_wait3A_1387 = arith.constant 0 : i32
    %dma_wait3A_1388 = arith.constant 0 : i32
    %dma_wait3A_1389 = arith.constant 0 : i32
    %dma_wait3A_1390 = tpu.memref_slice %arg6[%dma_wait3A_1375, %dma_wait3A_1387, %dma_wait3A_1388, %dma_wait3A_1389] : memref<3x2x50x128xf32, #tpu.memory_space<vmem>> -> memref<1x2x50x128xf32, #tpu.memory_space<vmem>>
    %dma_wait3A_1391 = tpu.memref_squeeze %dma_wait3A_1390 : memref<1x2x50x128xf32, #tpu.memory_space<vmem>> -> memref<2x50x128xf32, #tpu.memory_space<vmem>>
    tpu.wait_dma2 semaphore(%arg8 : memref<!tpu.dma_semaphore, #tpu.memory_space<semaphore_mem>>) src(%dma_wait3A_1391 : memref<2x50x128xf32, #tpu.memory_space<vmem>>) dst(%dma_wait3A_1386 : memref<2x50x128xf32, #tpu.memory_space<hbm>>)
    %dma_wait3A_1392 = arith.constant 0 : i32
    %dma_wait3A_1393 = arith.constant 0 : i32
    %dma_wait3A_1394 = arith.constant 0 : i32
    %dma_wait3A_1395 = arith.constant 0 : i32
    %dma_wait3A_1396 = tpu.memref_slice %arg6[%dma_wait3A_1392, %dma_wait3A_1393, %dma_wait3A_1394, %dma_wait3A_1395] : memref<3x2x50x128xf32, #tpu.memory_space<vmem>> -> memref<1x2x50x128xf32, #tpu.memory_space<vmem>>
    %dma_wait3A_1397 = tpu.memref_squeeze %dma_wait3A_1396 : memref<1x2x50x128xf32, #tpu.memory_space<vmem>> -> memref<2x50x128xf32, #tpu.memory_space<vmem>>
    %dma_wait3A_1398 = arith.constant 0 : i32
    %dma_wait3A_1399 = arith.constant 0 : i32
    %dma_wait3A_1400 = tpu.memref_slice %arg4[%add3A_1340, %dma_wait3A_1398, %dma_wait3A_1399] : memref<1024x50x128xf32, #tpu.memory_space<hbm>> -> memref<2x50x128xf32, #tpu.memory_space<hbm>>
    %dma_wait3A_1401 = arith.constant 0 : i32
    %dma_wait3A_1402 = arith.constant 0 : i32
    %dma_wait3A_1403 = tpu.memref_slice %arg4[%add3A_1340, %dma_wait3A_1401, %dma_wait3A_1402] : memref<1024x50x128xf32, #tpu.memory_space<hbm>> -> memref<2x50x128xf32, #tpu.memory_space<hbm>>
    %dma_wait3A_1404 = arith.constant 0 : i32
    %dma_wait3A_1405 = arith.constant 0 : i32
    %dma_wait3A_1406 = arith.constant 0 : i32
    %dma_wait3A_1407 = tpu.memref_slice %arg6[%dma_wait3A_1392, %dma_wait3A_1404, %dma_wait3A_1405, %dma_wait3A_1406] : memref<3x2x50x128xf32, #tpu.memory_space<vmem>> -> memref<1x2x50x128xf32, #tpu.memory_space<vmem>>
    %dma_wait3A_1408 = tpu.memref_squeeze %dma_wait3A_1407 : memref<1x2x50x128xf32, #tpu.memory_space<vmem>> -> memref<2x50x128xf32, #tpu.memory_space<vmem>>
    tpu.wait_dma2 semaphore(%arg8 : memref<!tpu.dma_semaphore, #tpu.memory_space<semaphore_mem>>) src(%dma_wait3A_1408 : memref<2x50x128xf32, #tpu.memory_space<vmem>>) dst(%dma_wait3A_1403 : memref<2x50x128xf32, #tpu.memory_space<hbm>>)
    return
  }
}

module attributes {stable_mosaic.version = 14 : i64} {
  func.func @_table_body(%arg0: memref<128x1000xf32, #tpu.memory_space<vmem>>, %arg1: memref<1x128xf32, #tpu.memory_space<vmem>>, %arg2: memref<1024x128xf32, #tpu.memory_space<vmem>>) attributes {dimension_semantics = [], scalar_prefetch = 0 : i64, scratch_operands = 0 : i64, tpu.core_type = #tpu.core_type<tc>} {
    %iota3A = tpu.iota {dimensions = array<i32: 0>} : vector<1024x1000xi32>
    %iota3A_0 = tpu.iota {dimensions = array<i32: 1>} : vector<1024x1000xi32>
    %eq3A = arith.cmpi eq, %iota3A, %iota3A_0 : vector<1024x1000xi32>
    %convert_element_type3A = arith.extui %eq3A : vector<1024x1000xi1> to vector<1024x1000xi32>
    %convert_element_type3A_1 = arith.sitofp %convert_element_type3A : vector<1024x1000xi32> to vector<1024x1000xf32>
    %get3A = arith.constant 0 : index
    %get3A_2 = arith.constant 0 : index
    %get3A_3 = vector.load %arg0[%get3A, %get3A_2] : memref<128x1000xf32, #tpu.memory_space<vmem>>, vector<128x1000xf32>
    %dot_general3A = arith.constant dense<0.000000e+00> : vector<1024x128xf32>
    %dot_general3A_4 = tpu.matmul %convert_element_type3A_1, %get3A_3, %dot_general3A {dimension_numbers = #tpu.dot_dimension_numbers<[1], [1], [0], [0], [0, 0, 1, 0], [], []>, transpose_lhs_hint = false} : vector<1024x1000xf32>, vector<128x1000xf32>, vector<1024x128xf32> -> vector<1024x128xf32>
    %get3A_5 = arith.constant 0 : index
    %get3A_6 = arith.constant 0 : index
    %get3A_7 = vector.load %arg1[%get3A_5, %get3A_6] : memref<1x128xf32, #tpu.memory_space<vmem>>, vector<1x128xf32>
    %add3A = vector.broadcast %get3A_7 : vector<1x128xf32> to vector<1024x128xf32>
    %add3A_8 = arith.addf %dot_general3A_4, %add3A : vector<1024x128xf32>
    %swap3A = arith.constant 0 : index
    %swap3A_9 = arith.constant 0 : index
    %swap3A_10 = vector.load %arg2[%swap3A, %swap3A_9] : memref<1024x128xf32, #tpu.memory_space<vmem>>, vector<1024x128xf32>
    tpu.vector_store %arg2[%swap3A, %swap3A_9], %add3A_8 {strides = array<i32>} : memref<1024x128xf32, #tpu.memory_space<vmem>>, vector<1024x128xf32>,
    return
  }
}

</mosaic_0001>

<sc_bundles>
// kernel: kernel.4.cloned.1.call-start
scs
__scs_entry_jumppad:
0x0: {  	(pc) =	sbr.rel $0x88, $3  }
0x1: {  	(tag) =	ssettag $0x0;
	lr =	simm.s32 $0x1  }
0x2: {  	[smem:$0x3F9E] =	sst lr;
	_ =	strace $0xD0000000  }
0x3: {  	_ = 	snop  }
0x4: {  	_ = 	snop  }
0x5: {  	_ = 	snop  }
0x6: {  	_ = 	snop  }
0x7: {  	_ = 	snop  }
__scs_overlays_trampoline_lowered:
0x8: {  	[smem:$0x3FAD] =	sst s0  }
0x9: {  	[smem:$0x3FAE] =	sst s1  }
0xa: {  	[smem:$0x3FAF] =	sst s2  }
0xb: {  	[smem:$0x3FB0] =	sst s3  }
0xc: {  	[smem:$0x3FB1] =	sst s4  }
0xd: {  	[smem:$0x3FB2] =	sst s5  }
0xe: {  	[smem:$0x3FB3] =	sst s6  }
0xf: {  	[smem:$0x3FB4] =	sst s7  }
0x10: {  	[smem:$0x3FB5] =	sst s8  }
0x11: {  	[smem:$0x3FB6] =	sst s9;
	s0 =	simm.s32 @!p0 $0x0  }
0x12: {  	s1 =	sld [smem:$0x3F9C];
	s0 =	simm.s32 @p0 $0x1  }
0x13: {  	[smem:$0x3FB7] =	sst s0;
	s0 =	simm.s32 @!p1 $0x0  }
0x14: {  	s2 =	sld [smem:$0x3F9B];
	s0 =	simm.s32 @p1 $0x1  }
0x15: {  	[smem:$0x3FB8] =	sst s0;
	s0 =	simm.s32 @!p2 $0x0  }
0x16: {  	s3 =	sld [smem:$0x3FDB];
	s0 =	simm.s32 @p2 $0x1  }
0x17: {  	s4 =	simm.s32 $0x1BF5;
	[smem:$0x3FBA] =	sst s0  }
0x18: {  	s0 =	sld [smem:$0x3F9D];
	_ =	swait.ge [sflag:s4], $0x0  }
0x19: {  	s7 =	sld [smem:$0x3F9E]  }
0x1a: {  	s8 =	sadd.s32 $0xFFFFE003, lr  }
0x1b: {  	s9 =	sadd.s32 $0xFFFFFEF7, lr;
	s5 =	simm.s32 $0xFFFFFFFF;
	p2 =	slt.u32 s8, $0xFFFFF086  }
0x1c: {  	p1 =	slt.u32 s9, $0xF7A;
	s5 =	simm.s32 @!p2 $0x0  }
0x1d: {  	s5 =	simm.s32 @p1 $0x1;
	p0 =	seq.s32 s7, s2  }
0x1e: {  	s7 =	smul.u32 @!p0 $0xF7A, s2;
	p2 =	seq.s32 @!p0 s5, $0x0  }
0x1f: {  	s9 =	smul.u32 $0xF7A, s1;
	s8 =	simm.s32 @!p0 $0x1BF5;
	p2 =	por !p2, p0  }
0x20: {  	[sflag:s8] =	ssyncset.s32 @!p0 $0xFFFFF086;
	s6 =	sadd.s32 @!p0 s3, s7;
	s7 =	simm.s32 @!p0 $0x108  }
0x21: {  	s3 =	sadd.s32 s3, s9;
	s6 =	sadd.s32 @!p0 $0x88, s6;
	s7 =	simm.s32 @p2 $0x1082  }
0x22: {  	[simem:s7], [sflag:s8] =	dma.local @!p0 [hbm:s6], $0xF7A  }
0x23: {  	s9 =	sor.u32 $0xD0000000, s2;
	s6 =	simm.s32 $0x108;
	_ =	swait.ge @!p0 [sflag:s8], $0x0  }
0x24: {  	s3 =	sadd.s32 $0x88, s3;
	s6 =	simm.s32 @!p1 $0x1082;
	[sflag:s4] =	ssyncset.s32 $0xFFFFF086  }
0x25: {  	[simem:s6], [sflag:s4] =	dma.local [hbm:s3], $0xF7A  }
0x26: {  	[smem:$0x3F9E] =	sst s1;
	(tag) =	ssettag s2;
	_ =	strace s9  }
0x27: {  	s1 =	sld [smem:$0x3FAE]  }
0x28: {  	s2 =	sld [smem:$0x3FAF]  }
0x29: {  	s4 =	sld [smem:$0x3FB1]  }
0x2a: {  	p0 =	seq.s32 s5, $0x0;
	s5 =	sld [smem:$0x3FB2]  }
0x2b: {  	s6 =	sld [smem:$0x3FB3]  }
0x2c: {  	s7 =	sld [smem:$0x3FB4]  }
0x2d: {  	s3 =	simm.s32 $0x108;
	s8 =	sld [smem:$0x3FB5]  }
0x2e: {  	s3 =	simm.s32 @!p0 $0x1082;
	s9 =	sld [smem:$0x3FB6]  }
0x2f: {  	lr =	sadd.s32 s0, s3;
	s0 =	sld [smem:$0x3FAD]  }
0x30: {  	s3 =	sld [smem:$0x3FB0]  }
0x31: {  	[smem:$0x3FB9] =	sst s10  }
0x32: {  	s10 =	sld [smem:$0x3FB7];
	_ =	sdelay $0x3  }
0x33: {  	p0 =	seq.s32 s10, $0x1;
	s10 =	sld [smem:$0x3FB9];
	_ =	sdelay $0x3  }
0x34: {  	[smem:$0x3FB9] =	sst s10  }
0x35: {  	s10 =	sld [smem:$0x3FB8];
	_ =	sdelay $0x3  }
0x36: {  	p1 =	seq.s32 s10, $0x1;
	s10 =	sld [smem:$0x3FB9];
	_ =	sdelay $0x3  }
0x37: {  	[smem:$0x3FB9] =	sst s10  }
0x38: {  	s10 =	sld [smem:$0x3FBA]  }
0x39: {  	_ = 	snop;
	(pc) =	sbr.ind lr, $3  }
0x3a: {  	_ = 	snop  }
0x3b: {  	_ = 	snop  }
0x3c: {  	p2 =	seq.s32 s10, $0x1;
	s10 =	sld [smem:$0x3FB9]  }
0x3d: {  	_ =	shalt  }
0x3e: {  	_ =	shalt  }
0x3f: {  	_ =	shalt  }
0x40: {  	_ =	shalt  }
0x41: {  	_ =	shalt  }
0x42: {  	_ =	shalt  }
0x43: {  	_ =	shalt  }
0x44: {  	_ =	shalt  }
0x45: {  	_ =	shalt  }
0x46: {  	_ =	shalt  }
0x47: {  	_ =	shalt  }
0x48: {  	_ =	shalt  }
0x49: {  	_ =	shalt  }
0x4a: {  	_ =	shalt  }
0x4b: {  	_ =	shalt  }
0x4c: {  	_ =	shalt  }
0x4d: {  	_ =	shalt  }
0x4e: {  	_ =	shalt  }
0x4f: {  	_ =	shalt  }
0x50: {  	_ =	shalt  }
0x51: {  	_ =	shalt  }
0x52: {  	_ =	shalt  }
0x53: {  	_ =	shalt  }
0x54: {  	_ =	shalt  }
0x55: {  	_ =	shalt  }
0x56: {  	_ =	shalt  }
0x57: {  	_ =	shalt  }
0x58: {  	_ =	shalt  }
0x59: {  	_ =	shalt  }
0x5a: {  	_ =	shalt  }
0x5b: {  	_ =	shalt  }
0x5c: {  	_ =	shalt  }
0x5d: {  	_ =	shalt  }
0x5e: {  	_ =	shalt  }
0x5f: {  	_ =	shalt  }
0x60: {  	_ =	shalt  }
0x61: {  	_ =	shalt  }
0x62: {  	_ =	shalt  }
0x63: {  	_ =	shalt  }
0x64: {  	_ =	shalt  }
0x65: {  	_ =	shalt  }
0x66: {  	_ =	shalt  }
0x67: {  	_ =	shalt  }
0x68: {  	_ =	shalt  }
0x69: {  	_ =	shalt  }
0x6a: {  	_ =	shalt  }
0x6b: {  	_ =	shalt  }
0x6c: {  	_ =	shalt  }
0x6d: {  	_ =	shalt  }
0x6e: {  	_ =	shalt  }
0x6f: {  	_ =	shalt  }
0x70: {  	_ =	shalt  }
0x71: {  	_ =	shalt  }
0x72: {  	_ =	shalt  }
0x73: {  	_ =	shalt  }
0x74: {  	_ =	shalt  }
0x75: {  	_ =	shalt  }
0x76: {  	_ =	shalt  }
0x77: {  	_ =	shalt  }
0x78: {  	_ =	shalt  }
0x79: {  	_ =	shalt  }
0x7a: {  	_ =	shalt  }
0x7b: {  	_ =	shalt  }
0x7c: {  	_ =	shalt  }
0x7d: {  	_ =	shalt  }
0x7e: {  	_ =	shalt  }
0x7f: {  	_ =	shalt  }
0x80: {  	_ =	shalt  }
0x81: {  	_ =	shalt  }
0x82: {  	_ =	shalt  }
0x83: {  	_ =	shalt  }
0x84: {  	_ =	shalt  }
0x85: {  	_ =	shalt  }
0x86: {  	_ =	shalt  }
0x87: {  	_ =	shalt  }
.Lfunc_end0:
.L_simem_size_0:
called_computation_lowered:
.L_overlay_start_0:
0x88: {  	s2 =	sld [smem:$0x3FD9]  }
0x89: {  	s3 =	sld [smem:$0x3FFE];
	_ =	sdelay $0x1  }
0x8a: {  	s1 =	srdreg.scid  }
0x8b: {  	s0 =	sand.u32 $0x1, s1  }
0x8c: {  	s17 =	sshll.u32 s0, $0xA;
	s2 =	sadd.s32 s3, s2  }
0x8d: {  	s2 =	sadd.s32 s2, s17  }
0x8e: {  	[smem:$0x3FC5] =	sst s2  }
0x8f: {  	_ = 	snop  }
0x90: {  	s2 =	sld [smem:$0x3FD0];
	(tm) =	ssettm $0x1  }
0x91: {  	s18 =	sld [smem:$0x3FFB];
	_ =	sdelay $0x3  }
0x92: {  	_ =	strace s18  }
0x93: {  	s3 =	sld [smem:$0x3FFC];
	_ =	sdelay $0x3  }
0x94: {  	_ =	strace s3  }
0x95: {  	s3 =	sld [smem:$0x3FFD];
	_ =	sdelay $0x3  }
0x96: {  	_ =	strace s3  }
0x97: {  	_ =	strace $0x8FFFFFFF  }
0x98: {  	s19 =	sld [smem:$0x3FDB];
	_ =	sdelay $0x1  }
0x99: {  	s4 =	simm.s32 $_scs_section_size  }
0x9a: {  	s5 =	simm.s32 $_size__tile_overlayer_lowered;
	s6 =	simm.s32 $_tile_overlayer_lowered  }
0x9b: {  	s22 =	simm.s32 $0x1BFF;
	s21 =	sshll.u32 s6, $0x1;
	s3 =	sadd.s32 s4, s19  }
0x9c: {  	s7 =	simm.s32 $0x0;
	s20 =	sshll.u32 s5, $0x1;
	s5 =	sadd.s32 s21, s3  }
0x9d: {  	[timem:s7], [sflag:s22] =	dma.local [hbm:s5], s20  }
0x9e: {  	_ =	swait.ge [sflag:s22], s20  }
0x9f: {  	s4 =	ssub.s32 $0x0, s20;
	[sflag:s22] =	ssyncset.done $0x0  }
0xa0: {  	[sflag:s22] =	ssyncadd.s32 s4;
	_ =	sdelay $0x1  }
0xa1: {  	s23 =	simm.s32 $0x1B8B  }
0xa2: {  	_ =	swait.ge [sflag:s23], $0x1  }
0xa3: {  	[sflag:s23] =	ssyncset.done $0x0  }
0xa4: {  	s25 =	simm.s32 $0x1B8E;
	s24 =	sld [smem:$0x3FFE];
	[sflag:s23] =	ssyncadd.s32 $0xFFFFFFFF  }
0xa5: {  	s26 =	simm.s32 $execute0_lowered;
	[smem:$0x3FD2] =	sst s25  }
0xa6: {  	s5 =	sshll.u32 s26, $0x1;
	_ =	strace $0x80000046;
	[dreg:$0x1] =	wrdreg $0xFFFFFFFF  }
0xa7: {  	s28 =	simm.s32 $_size_execute0_lowered;
	s3 =	sadd.s32 s3, s5;
	[dreg:$0x0] =	wrdreg $0x0  }
0xa8: {  	s5 =	sshll.u32 s28, $0x1;
	[dreg:$0x2] =	wrdreg s3  }
0xa9: {  	[dreg:$0x3] =	wrdreg s5  }
0xaa: {  	[dreg:$0x4] =	wrdreg $0xC0  }
0xab: {  	_ =	task [dreg:s7], $0x5FFFF  }
0xac: {  	[dreg:$0x1] =	wrdreg $0xFFFFFFFF  }
0xad: {  	[dreg:$0x0] =	wrdreg $0x60  }
0xae: {  	[dreg:$0x2] =	wrdreg s2  }
0xaf: {  	[dreg:$0x3] =	wrdreg s24  }
0xb0: {  	[dreg:$0x4] =	wrdreg $0x9  }
0xb1: {  	_ =	task.clear_ibuf [dreg:s7], $0x5FFFF;
	_ =	strace $0x90000046  }
0xb2: {  	s29 =	simm.s32 $0x9;
	_ =	strace $0x80000048  }
0xb3: {  	_ =	swait.ge [sflag:s29], $0x1  }
0xb4: {  	[sflag:s29] =	ssyncadd.s32 $0xFFFFFFFF  }
0xb5: {  	_ =	strace $0x90000048  }
0xb6: {  	_ =	sfence  }
0xb7: {  	s30 =	sld [smem:$0x0];
	_ =	sdelay $0x2  }
0xb8: {  	s31 =	sshll.u32 s1, $0xD;
	s1 =	sshrl.u32 s1, $0x2  }
0xb9: {  	s3 =	sand.u32 $0x4000, s31;
	s1 =	sadd.s32 s1, s30  }
0xba: {  	s0 =	sor.u32 s3, s0;
	s1 =	sshll.u32 s1, $0x11  }
0xbb: {  	s0 =	sor.u32 s1, s0  }
0xbc: {  	s0 =	sadd.s32 $0x8F2B, s0  }
0xbd: {  	[sflag:s0] =	ssyncadd.remote.s32 $0x1  }
0xbe: {  	_ =	sfence.sel $0xFFFF  }
0xbf: {  	[dreg:$0x0] =	wrdreg $0xFFFFFFFF;
	(pc) =	sbr.abs _section_cstart, $3  }
0xc0: {  	[dreg:$0x1] =	wrdreg $0xFFFFFFFF  }
0xc1: {  	_ =	task.clear_ibuf [dreg:s7], $0x2FFFF;
	_ =	strace $0x9FFFFFFF  }
0xc2: {  	(tm) =	ssettm $0x7FFFFFFF  }
0xc3: {  	_ =	shalt  }
tec
execute0_lowered:
.L_overlay_start_1:
0x0: {  	(tag) =	ssettag $0x1  }
0x1: {  	s0 =	srdreg.scid  }
0x2: {  	s1 =	stileid.u32;
	s3 =	rddreg [dreg:$0x0];
	s0 =	sand.u32 $0x1, s0  }
0x3: {  	s4 =	rddreg [dreg:$0x1];
	s1 =	sshll.u32 s1, $0x6;
	s2 =	sshll.u32 s0, $0x5  }
0x4: {  	s11 =	rddreg [dreg:$0x2];
	s1 =	sor.u32 s2, s1;
	s2 =	simm.s32 $0x0  }
0x5: {  	s8 =	simm.s32 $0x80;
	[smem:$0x7FF] =	sst s2  }
0x6: {  	s9 =	simm.s32 $0x100;
	_ =	strace $0x80000047;
	[dreg:$0x4] =	wrdreg s8  }
0x7: {  	s10 =	simm.s32 $0x180;
	[dreg:$0x5] =	wrdreg s9  }
0x8: {  	s12 =	simm.s32 $0x200;
	[dreg:$0x6] =	wrdreg s10  }
0x9: {  	s13 =	simm.s32 $0x280;
	[dreg:$0x7] =	wrdreg s12  }
0xa: {  	s14 =	simm.s32 $0x300;
	[dreg:$0x8] =	wrdreg s13  }
0xb: {  	s15 =	simm.s32 $0x380;
	[dreg:$0x9] =	wrdreg s14  }
0xc: {  	s16 =	simm.s32 $0x400;
	[dreg:$0xa] =	wrdreg s15  }
0xd: {  	s17 =	simm.s32 $0x480;
	[dreg:$0xb] =	wrdreg s16  }
0xe: {  	s18 =	simm.s32 $0x500;
	[dreg:$0xc] =	wrdreg s17  }
0xf: {  	s20 =	simm.s32 $0x580;
	[dreg:$0xd] =	wrdreg s18  }
0x10: {  	s22 =	simm.s32 $0x600;
	[dreg:$0xe] =	wrdreg s20  }
0x11: {  	s23 =	simm.s32 $0x680;
	s0 =	ssub.s32 $0x2, s0;
	[dreg:$0xf] =	wrdreg s22  }
0x12: {  	s24 =	simm.s32 $0x700;
	s6 =	sshrl.u32 s0, $0x1;
	[dreg:$0x10] =	wrdreg s23  }
0x13: {  	s0 =	ssub.s32 s0, s6;
	s6 =	simm.s32 $0x780;
	[dreg:$0x11] =	wrdreg s24  }
0x14: {  	[dreg:$0x12] =	wrdreg s6;
	s8 =	simm.s32 $0x880  }
0x15: {  	s30 =	simm.s32 $0x3;
	s10 =	simm.s32 $0x900;
	[dreg:$0x14] =	wrdreg s8  }
0x16: {  	p0 =	por $0x0, $0x0;
	s12 =	simm.s32 $0x980;
	[dreg:$0x15] =	wrdreg s10  }
0x17: {  	s5 =	sshll.u32 s1, $0x4;
	s13 =	simm.s32 $0xA00;
	[dreg:$0x16] =	wrdreg s12  }
0x18: {  	s7 =	smul.u32 $0x380, s1;
	s14 =	simm.s32 $0xA80;
	[dreg:$0x17] =	wrdreg s13  }
0x19: {  	s1 =	smul.u32 $0x1C00, s1;
	s16 =	simm.s32 $0xB00;
	[dreg:$0x18] =	wrdreg s14  }
0x1a: {  	s5 =	sadd.s32 s5, s4;
	s17 =	simm.s32 $0xB80;
	[dreg:$0x19] =	wrdreg s16  }
0x1b: {  	s4 =	sadd.s32 $0x4800, s4;
	s5 =	sadd.s32 $0x800, s5;
	[dreg:$0x1a] =	wrdreg s17  }
0x1c: {  	s25 =	sadd.s32 s4, s7;
	s7 =	simm.s32 $0x800;
	[dreg:$0x3] =	wrdreg s5  }
0x1d: {  	s0 =	smax.u32 s0, $0x1;
	s8 =	simm.s32 $0xC80;
	[dreg:$0x13] =	wrdreg s7  }
0x1e: {  	s6 =	simm.s32 $0x1000;
	s10 =	simm.s32 $0xD00;
	[dreg:$0x1c] =	wrdreg s8  }
0x1f: {  	s1 =	sshrl.u32 s1, $0x3;
	s12 =	simm.s32 $0xD80;
	[dreg:$0x1d] =	wrdreg s10  }
0x20: {  	s13 =	simm.s32 $0xE00;
	s14 =	simm.s32 $0xE80;
	[dreg:$0x1e] =	wrdreg s12  }
0x21: {  	s16 =	simm.s32 $0x32;
	s17 =	simm.s32 $0xF00;
	[dreg:$0x1f] =	wrdreg s13  }
0x22: {  	p1 =	sne.s32 s0, $0x1;
	s19 =	sadd.s32 $0x700, s25;
	[smem:$0x7FB] =	sst s14  }
0x23: {  	s21 =	sadd.s32 $0xE00, s25;
	s1 =	sadd.s32 s4, s1;
	[smem:$0x7FC] =	sst s17  }
0x24: {  	s14 =	simm.s32 $0x4800;
	s17 =	simm.s32 $0x6400;
	s13 =	simm.s32 $0x8000  }
0x25: {  	s12 =	simm.s32 $0x9C00;
	s10 =	simm.s32 $0x1;
	s8 =	simm.s32 $0x2  }
0x26: {  	[smem:$0x7F8] =	sst s21;
	s26 =	sadd.s32 $0x1500, s1;
	s9 =	sadd.s32 $0x1C00, s1  }
0x27: {  	s15 =	sadd.s32 $0x2300, s1;
	s18 =	sadd.s32 $0x2A00, s1;
	s5 =	sadd.s32 $0x3100, s1  }
0x28: {  	s20 =	sadd.s32 $0x3800, s1;
	s21 =	sadd.s32 $0x3F00, s1;
	s22 =	sadd.s32 $0x4600, s1  }
.Ltmp0:
0x29: {  	s23 =	sadd.s32 $0x4D00, s1;
	s28 =	rddreg [dreg:$0x3];
	(pc) =	sbr.rel @!p1 .LBB2_1-.Ltmp0, $4  }
0x2a: {  	s24 =	sadd.s32 $0x5400, s1;
	s7 =	sadd.s32 $0x5B00, s1;
	[smem:$0x7F9] =	sst s26  }
0x2b: {  	s31 =	sadd.s32 $0x6200, s1;
	s26 =	simm.s32 $0xC00;
	[smem:$0x7FA] =	sst s7  }
0x2c: {  	s29 =	sadd.s32 $0x6900, s1;
	[dreg:$0x1b] =	wrdreg s26;
	s26 =	simm.s32 $0xF80  }
0x2d: {  	s7 =	simm.s32 $0x2C00;
	[smem:$0x7FD] =	sst s26;
	s26 =	sadd.s32 $0xFFFFFFFF, s0  }
0x2e: {  	[tilespmem:s2], [sflag:$0x3] =	stream.linear.gather [hbm4b:s28+s2], $0x1000, $0x38;
	[tilespmem:$0xB800] =	vst v63  }
0x2f: {  	_ =	swait.ge [sflag:s30], $0x1000  }
0x30: {  	[sflag:s30] =	ssyncset.done $0x0  }
0x31: {  	[sflag:s30] =	ssyncadd.s32 $0xFFFFF000  }
0x32: {  	[tilespmem:s6], [sflag:$0x1] =	stream.indirect.gather [hbm4b:s3+s16], $0x80, s2, s16, $0xb8;
	[tilespmem:$0xB800] =	vst v63  }
0x33: {  	s0 =	rddreg [dreg:$0x4]  }
0x34: {  	[tilespmem:s7], [sflag:$0x1] =	stream.indirect.gather [hbm4b:s3+s16], $0x80, s0, s16, $0xb8;
	[tilespmem:$0xB800] =	vst v63  }
0x35: {  	s1 =	rddreg [dreg:$0x5]  }
0x36: {  	[tilespmem:s14], [sflag:$0x1] =	stream.indirect.gather [hbm4b:s3+s16], $0x80, s1, s16, $0xb8;
	[tilespmem:$0xB800] =	vst v63  }
0x37: {  	s11 =	rddreg [dreg:$0x6]  }
0x38: {  	[tilespmem:s17], [sflag:$0x1] =	stream.indirect.gather [hbm4b:s3+s16], $0x80, s11, s16, $0xb8;
	[tilespmem:$0xB800] =	vst v63  }
0x39: {  	s4 =	rddreg [dreg:$0x7]  }
0x3a: {  	[tilespmem:s13], [sflag:$0x1] =	stream.indirect.gather [hbm4b:s3+s16], $0x80, s4, s16, $0xb8;
	[tilespmem:$0xB800] =	vst v63  }
0x3b: {  	s11 =	rddreg [dreg:$0x8]  }
0x3c: {  	[tilespmem:s12], [sflag:$0x1] =	stream.indirect.gather [hbm4b:s3+s16], $0x80, s11, s16, $0xb8;
	[tilespmem:$0xB800] =	vst v63  }
0x3d: {  	_ =	swait.ge [sflag:s10], $0x1900  }
0x3e: {  	[sflag:s10] =	ssyncset.done $0x0  }
0x3f: {  	[sflag:s10] =	ssyncadd.s32 $0xFFFFE700  }
0x40: {  	_ =	swait.ge [sflag:s10], $0x1900  }
0x41: {  	[sflag:s10] =	ssyncset.done $0x0  }
0x42: {  	[sflag:s10] =	ssyncadd.s32 $0xFFFFE700  }
0x43: {  	[hbm4b:s25+s2] =	stream.linear.scatter [tilespmem:s6], [sflag:$0x2], $0x1900, $0x38;
	[tilespmem:$0xB800] =	vst v63  }
0x44: {  	s0 =	sadd.s32 $0x380, s25;
	s4 =	rddreg [dreg:$0x9]  }
0x45: {  	[hbm4b:s0+s2] =	stream.linear.scatter [tilespmem:s7], [sflag:$0x2], $0x1900, $0x38;
	[tilespmem:$0xB800] =	vst v63  }
0x46: {  	[smem:$0x7EA] =	sst s0  }
0x47: {  	[tilespmem:s6], [sflag:$0x1] =	stream.indirect.gather [hbm4b:s3+s16], $0x80, s4, s16, $0xb8;
	[tilespmem:$0xB800] =	vst v63  }
0x48: {  	s11 =	rddreg [dreg:$0xa]  }
0x49: {  	[tilespmem:s7], [sflag:$0x1] =	stream.indirect.gather [hbm4b:s3+s16], $0x80, s11, s16, $0xb8;
	[tilespmem:$0xB800] =	vst v63  }
0x4a: {  	_ =	swait.ge [sflag:s10], $0x1900  }
0x4b: {  	[sflag:s10] =	ssyncset.done $0x0  }
0x4c: {  	[sflag:s10] =	ssyncadd.s32 $0xFFFFE700  }
0x4d: {  	_ =	swait.ge [sflag:s10], $0x1900  }
0x4e: {  	[sflag:s10] =	ssyncset.done $0x0  }
0x4f: {  	[sflag:s10] =	ssyncadd.s32 $0xFFFFE700  }
0x50: {  	[hbm4b:s19+s2] =	stream.linear.scatter [tilespmem:s14], [sflag:$0x2], $0x1900, $0x38;
	[tilespmem:$0xB800] =	vst v63  }
0x51: {  	s4 =	sadd.s32 $0x380, s19;
	s11 =	rddreg [dreg:$0xb]  }
0x52: {  	[hbm4b:s4+s2] =	stream.linear.scatter [tilespmem:s17], [sflag:$0x2], $0x1900, $0x38;
	[tilespmem:$0xB800] =	vst v63  }
0x53: {  	[smem:$0x7EB] =	sst s4  }
0x54: {  	[tilespmem:s14], [sflag:$0x1] =	stream.indirect.gather [hbm4b:s3+s16], $0x80, s11, s16, $0xb8;
	[tilespmem:$0xB800] =	vst v63  }
0x55: {  	s4 =	rddreg [dreg:$0xc]  }
0x56: {  	[tilespmem:s17], [sflag:$0x1] =	stream.indirect.gather [hbm4b:s3+s16], $0x80, s4, s16, $0xb8;
	[tilespmem:$0xB800] =	vst v63  }
0x57: {  	_ =	swait.ge [sflag:s10], $0x1900  }
0x58: {  	[sflag:s10] =	ssyncset.done $0x0  }
0x59: {  	[sflag:s10] =	ssyncadd.s32 $0xFFFFE700  }
0x5a: {  	_ =	swait.ge [sflag:s10], $0x1900  }
0x5b: {  	s4 =	sld [smem:$0x7F8]  }
0x5c: {  	[sflag:s10] =	ssyncset.done $0x0  }
0x5d: {  	[sflag:s10] =	ssyncadd.s32 $0xFFFFE700  }
0x5e: {  	[hbm4b:s4+s2] =	stream.linear.scatter [tilespmem:s13], [sflag:$0x2], $0x1900, $0x38;
	[tilespmem:$0xB800] =	vst v63  }
0x5f: {  	s11 =	rddreg [dreg:$0xd];
	s0 =	sadd.s32 $0x380, s4  }
0x60: {  	[hbm4b:s0+s2] =	stream.linear.scatter [tilespmem:s12], [sflag:$0x2], $0x1900, $0x38;
	[tilespmem:$0xB800] =	vst v63  }
0x61: {  	[smem:$0x7EC] =	sst s0  }
0x62: {  	[tilespmem:s13], [sflag:$0x1] =	stream.indirect.gather [hbm4b:s3+s16], $0x80, s11, s16, $0xb8;
	[tilespmem:$0xB800] =	vst v63  }
0x63: {  	s0 =	rddreg [dreg:$0xe]  }
0x64: {  	[tilespmem:s12], [sflag:$0x1] =	stream.indirect.gather [hbm4b:s3+s16], $0x80, s0, s16, $0xb8;
	[tilespmem:$0xB800] =	vst v63  }
0x65: {  	_ =	swait.ge [sflag:s8], $0x3200  }
0x66: {  	[sflag:s8] =	ssyncset.done $0x0  }
0x67: {  	[sflag:s8] =	ssyncadd.s32 $0xFFFFCE00  }
0x68: {  	_ =	swait.ge [sflag:s10], $0x1900  }
0x69: {  	[sflag:s10] =	ssyncset.done $0x0  }
0x6a: {  	[sflag:s10] =	ssyncadd.s32 $0xFFFFE700  }
0x6b: {  	_ =	swait.ge [sflag:s10], $0x1900  }
0x6c: {  	s1 =	smov.u32 s5;
	s5 =	sld [smem:$0x7F9]  }
0x6d: {  	[sflag:s10] =	ssyncset.done $0x0  }
0x6e: {  	[sflag:s10] =	ssyncadd.s32 $0xFFFFE700  }
0x6f: {  	[hbm4b:s5+s2] =	stream.linear.scatter [tilespmem:s6], [sflag:$0x2], $0x1900, $0x38;
	[tilespmem:$0xB800] =	vst v63  }
0x70: {  	s4 =	rddreg [dreg:$0x10];
	s0 =	sadd.s32 $0x380, s5  }
0x71: {  	[hbm4b:s0+s2] =	stream.linear.scatter [tilespmem:s7], [sflag:$0x2], $0x1900, $0x38;
	[tilespmem:$0xB800] =	vst v63  }
0x72: {  	s5 =	rddreg [dreg:$0xf]  }
0x73: {  	[tilespmem:s6], [sflag:$0x1] =	stream.indirect.gather [hbm4b:s3+s16], $0x80, s5, s16, $0xb8;
	[tilespmem:$0xB800] =	vst v63  }
0x74: {  	[smem:$0x7ED] =	sst s0  }
0x75: {  	[tilespmem:s7], [sflag:$0x1] =	stream.indirect.gather [hbm4b:s3+s16], $0x80, s4, s16, $0xb8;
	[tilespmem:$0xB800] =	vst v63  }
0x76: {  	_ =	swait.ge [sflag:s8], $0x3200  }
0x77: {  	[sflag:s8] =	ssyncset.done $0x0  }
0x78: {  	[sflag:s8] =	ssyncadd.s32 $0xFFFFCE00  }
0x79: {  	_ =	swait.ge [sflag:s10], $0x1900  }
0x7a: {  	[sflag:s10] =	ssyncset.done $0x0  }
0x7b: {  	[sflag:s10] =	ssyncadd.s32 $0xFFFFE700  }
0x7c: {  	_ =	swait.ge [sflag:s10], $0x1900  }
0x7d: {  	s11 =	smov.u32 s9;
	[sflag:s10] =	ssyncset.done $0x0  }
0x7e: {  	[smem:$0x7EE] =	sst s11;
	[sflag:s10] =	ssyncadd.s32 $0xFFFFE700  }
0x7f: {  	[hbm4b:s11+s2] =	stream.linear.scatter [tilespmem:s14], [sflag:$0x2], $0x1900, $0x38;
	[tilespmem:$0xB800] =	vst v63  }
0x80: {  	s0 =	sadd.s32 $0x380, s11;
	s5 =	rddreg [dreg:$0x11]  }
0x81: {  	[hbm4b:s0+s2] =	stream.linear.scatter [tilespmem:s17], [sflag:$0x2], $0x1900, $0x38;
	[tilespmem:$0xB800] =	vst v63  }
0x82: {  	[smem:$0x7EF] =	sst s0  }
0x83: {  	[tilespmem:s14], [sflag:$0x1] =	stream.indirect.gather [hbm4b:s3+s16], $0x80, s5, s16, $0xb8;
	[tilespmem:$0xB800] =	vst v63  }
0x84: {  	s11 =	rddreg [dreg:$0x12]  }
0x85: {  	[tilespmem:s17], [sflag:$0x1] =	stream.indirect.gather [hbm4b:s3+s16], $0x80, s11, s16, $0xb8;
	[tilespmem:$0xB800] =	vst v63  }
0x86: {  	_ =	swait.ge [sflag:s8], $0x3200  }
0x87: {  	[sflag:s8] =	ssyncset.done $0x0  }
0x88: {  	[sflag:s8] =	ssyncadd.s32 $0xFFFFCE00  }
0x89: {  	_ =	swait.ge [sflag:s10], $0x1900  }
0x8a: {  	[sflag:s10] =	ssyncset.done $0x0  }
0x8b: {  	[sflag:s10] =	ssyncadd.s32 $0xFFFFE700  }
0x8c: {  	_ =	swait.ge [sflag:s10], $0x1900  }
0x8d: {  	[sflag:s10] =	ssyncset.done $0x0  }
0x8e: {  	s11 =	sadd.s32 $0x380, s15;
	s4 =	rddreg [dreg:$0x13];
	[sflag:s10] =	ssyncadd.s32 $0xFFFFE700  }
0x8f: {  	[hbm4b:s15+s2] =	stream.linear.scatter [tilespmem:s13], [sflag:$0x2], $0x1900, $0x38;
	[tilespmem:$0xB800] =	vst v63  }
0x90: {  	[smem:$0x7F0] =	sst s11  }
0x91: {  	[hbm4b:s11+s2] =	stream.linear.scatter [tilespmem:s12], [sflag:$0x2], $0x1900, $0x38;
	[tilespmem:$0xB800] =	vst v63  }
0x92: {  	[smem:$0x7F1] =	sst s15  }
0x93: {  	[tilespmem:s13], [sflag:$0x1] =	stream.indirect.gather [hbm4b:s3+s16], $0x80, s4, s16, $0xb8;
	[tilespmem:$0xB800] =	vst v63  }
0x94: {  	s5 =	rddreg [dreg:$0x14]  }
0x95: {  	[tilespmem:s12], [sflag:$0x1] =	stream.indirect.gather [hbm4b:s3+s16], $0x80, s5, s16, $0xb8;
	[tilespmem:$0xB800] =	vst v63  }
0x96: {  	_ =	swait.ge [sflag:s8], $0x3200  }
0x97: {  	[sflag:s8] =	ssyncset.done $0x0  }
0x98: {  	[sflag:s8] =	ssyncadd.s32 $0xFFFFCE00  }
0x99: {  	_ =	swait.ge [sflag:s10], $0x1900  }
0x9a: {  	[sflag:s10] =	ssyncset.done $0x0  }
0x9b: {  	[sflag:s10] =	ssyncadd.s32 $0xFFFFE700  }
0x9c: {  	_ =	swait.ge [sflag:s10], $0x1900  }
0x9d: {  	[sflag:s10] =	ssyncset.done $0x0  }
0x9e: {  	s9 =	sadd.s32 $0x380, s18;
	s11 =	rddreg [dreg:$0x15];
	[sflag:s10] =	ssyncadd.s32 $0xFFFFE700  }
0x9f: {  	[hbm4b:s18+s2] =	stream.linear.scatter [tilespmem:s6], [sflag:$0x2], $0x1900, $0x38;
	[tilespmem:$0xB800] =	vst v63  }
0xa0: {  	[smem:$0x7F2] =	sst s9  }
0xa1: {  	[hbm4b:s9+s2] =	stream.linear.scatter [tilespmem:s7], [sflag:$0x2], $0x1900, $0x38;
	[tilespmem:$0xB800] =	vst v63  }
0xa2: {  	[smem:$0x7F3] =	sst s18  }
0xa3: {  	[tilespmem:s6], [sflag:$0x1] =	stream.indirect.gather [hbm4b:s3+s16], $0x80, s11, s16, $0xb8;
	[tilespmem:$0xB800] =	vst v63  }
0xa4: {  	s0 =	rddreg [dreg:$0x16]  }
0xa5: {  	[tilespmem:s7], [sflag:$0x1] =	stream.indirect.gather [hbm4b:s3+s16], $0x80, s0, s16, $0xb8;
	[tilespmem:$0xB800] =	vst v63  }
0xa6: {  	_ =	swait.ge [sflag:s8], $0x3200  }
0xa7: {  	[sflag:s8] =	ssyncset.done $0x0  }
0xa8: {  	[sflag:s8] =	ssyncadd.s32 $0xFFFFCE00  }
0xa9: {  	_ =	swait.ge [sflag:s10], $0x1900  }
0xaa: {  	[sflag:s10] =	ssyncset.done $0x0  }
0xab: {  	[sflag:s10] =	ssyncadd.s32 $0xFFFFE700  }
0xac: {  	_ =	swait.ge [sflag:s10], $0x1900  }
0xad: {  	[sflag:s10] =	ssyncset.done $0x0;
	[smem:$0x7F4] =	sst s1  }
0xae: {  	s4 =	rddreg [dreg:$0x17];
	[sflag:s10] =	ssyncadd.s32 $0xFFFFE700  }
0xaf: {  	[hbm4b:s1+s2] =	stream.linear.scatter [tilespmem:s14], [sflag:$0x2], $0x1900, $0x38;
	[tilespmem:$0xB800] =	vst v63  }
0xb0: {  	[smem:$0x7F6] =	sst s19;
	s1 =	sadd.s32 $0x380, s1  }
0xb1: {  	[hbm4b:s1+s2] =	stream.linear.scatter [tilespmem:s17], [sflag:$0x2], $0x1900, $0x38;
	[tilespmem:$0xB800] =	vst v63  }
0xb2: {  	s5 =	rddreg [dreg:$0x18]  }
0xb3: {  	[tilespmem:s14], [sflag:$0x1] =	stream.indirect.gather [hbm4b:s3+s16], $0x80, s4, s16, $0xb8;
	[tilespmem:$0xB800] =	vst v63  }
0xb4: {  	[smem:$0x7F5] =	sst s1  }
0xb5: {  	[tilespmem:s17], [sflag:$0x1] =	stream.indirect.gather [hbm4b:s3+s16], $0x80, s5, s16, $0xb8;
	[tilespmem:$0xB800] =	vst v63  }
0xb6: {  	_ =	swait.ge [sflag:s8], $0x3200  }
0xb7: {  	[sflag:s8] =	ssyncset.done $0x0  }
0xb8: {  	[sflag:s8] =	ssyncadd.s32 $0xFFFFCE00  }
0xb9: {  	_ =	swait.ge [sflag:s10], $0x1900  }
0xba: {  	[sflag:s10] =	ssyncset.done $0x0  }
0xbb: {  	[sflag:s10] =	ssyncadd.s32 $0xFFFFE700  }
0xbc: {  	_ =	swait.ge [sflag:s10], $0x1900  }
0xbd: {  	[sflag:s10] =	ssyncset.done $0x0  }
0xbe: {  	[sflag:s10] =	ssyncadd.s32 $0xFFFFE700  }
0xbf: {  	[hbm4b:s20+s2] =	stream.linear.scatter [tilespmem:s13], [sflag:$0x2], $0x1900, $0x38;
	[tilespmem:$0xB800] =	vst v63  }
0xc0: {  	s9 =	sadd.s32 $0x380, s20;
	s11 =	rddreg [dreg:$0x19]  }
0xc1: {  	[hbm4b:s9+s2] =	stream.linear.scatter [tilespmem:s12], [sflag:$0x2], $0x1900, $0x38;
	[tilespmem:$0xB800] =	vst v63  }
0xc2: {  	[smem:$0x7F7] =	sst s20  }
0xc3: {  	[tilespmem:s13], [sflag:$0x1] =	stream.indirect.gather [hbm4b:s3+s16], $0x80, s11, s16, $0xb8;
	[tilespmem:$0xB800] =	vst v63  }
0xc4: {  	s15 =	rddreg [dreg:$0x1a]  }
0xc5: {  	[tilespmem:s12], [sflag:$0x1] =	stream.indirect.gather [hbm4b:s3+s16], $0x80, s15, s16, $0xb8;
	[tilespmem:$0xB800] =	vst v63  }
0xc6: {  	_ =	swait.ge [sflag:s8], $0x3200  }
0xc7: {  	[sflag:s8] =	ssyncset.done $0x0  }
0xc8: {  	[sflag:s8] =	ssyncadd.s32 $0xFFFFCE00  }
0xc9: {  	_ =	swait.ge [sflag:s10], $0x1900  }
0xca: {  	[sflag:s10] =	ssyncset.done $0x0  }
0xcb: {  	[sflag:s10] =	ssyncadd.s32 $0xFFFFE700  }
0xcc: {  	_ =	swait.ge [sflag:s10], $0x1900  }
0xcd: {  	[sflag:s10] =	ssyncset.done $0x0  }
0xce: {  	[sflag:s10] =	ssyncadd.s32 $0xFFFFE700  }
0xcf: {  	[hbm4b:s21+s2] =	stream.linear.scatter [tilespmem:s6], [sflag:$0x2], $0x1900, $0x38;
	[tilespmem:$0xB800] =	vst v63  }
0xd0: {  	s19 =	sadd.s32 $0x380, s21  }
0xd1: {  	[hbm4b:s19+s2] =	stream.linear.scatter [tilespmem:s7], [sflag:$0x2], $0x1900, $0x38;
	[tilespmem:$0xB800] =	vst v63  }
0xd2: {  	s0 =	rddreg [dreg:$0x1b]  }
0xd3: {  	[tilespmem:s6], [sflag:$0x1] =	stream.indirect.gather [hbm4b:s3+s16], $0x80, s0, s16, $0xb8;
	[tilespmem:$0xB800] =	vst v63  }
0xd4: {  	s1 =	rddreg [dreg:$0x1c]  }
0xd5: {  	[tilespmem:s7], [sflag:$0x1] =	stream.indirect.gather [hbm4b:s3+s16], $0x80, s1, s16, $0xb8;
	[tilespmem:$0xB800] =	vst v63  }
0xd6: {  	_ =	swait.ge [sflag:s8], $0x3200  }
0xd7: {  	[sflag:s8] =	ssyncset.done $0x0  }
0xd8: {  	[sflag:s8] =	ssyncadd.s32 $0xFFFFCE00  }
0xd9: {  	_ =	swait.ge [sflag:s10], $0x1900  }
0xda: {  	[sflag:s10] =	ssyncset.done $0x0  }
0xdb: {  	[sflag:s10] =	ssyncadd.s32 $0xFFFFE700  }
0xdc: {  	_ =	swait.ge [sflag:s10], $0x1900  }
0xdd: {  	[sflag:s10] =	ssyncset.done $0x0  }
0xde: {  	[sflag:s10] =	ssyncadd.s32 $0xFFFFE700  }
0xdf: {  	[hbm4b:s22+s2] =	stream.linear.scatter [tilespmem:s14], [sflag:$0x2], $0x1900, $0x38;
	[tilespmem:$0xB800] =	vst v63  }
0xe0: {  	s20 =	sadd.s32 $0x380, s22  }
0xe1: {  	[hbm4b:s20+s2] =	stream.linear.scatter [tilespmem:s17], [sflag:$0x2], $0x1900, $0x38;
	[tilespmem:$0xB800] =	vst v63  }
0xe2: {  	s4 =	rddreg [dreg:$0x1d]  }
0xe3: {  	[tilespmem:s14], [sflag:$0x1] =	stream.indirect.gather [hbm4b:s3+s16], $0x80, s4, s16, $0xb8;
	[tilespmem:$0xB800] =	vst v63  }
0xe4: {  	s5 =	rddreg [dreg:$0x1e]  }
0xe5: {  	[tilespmem:s17], [sflag:$0x1] =	stream.indirect.gather [hbm4b:s3+s16], $0x80, s5, s16, $0xb8;
	[tilespmem:$0xB800] =	vst v63  }
0xe6: {  	_ =	swait.ge [sflag:s8], $0x3200  }
0xe7: {  	[sflag:s8] =	ssyncset.done $0x0  }
0xe8: {  	[sflag:s8] =	ssyncadd.s32 $0xFFFFCE00  }
0xe9: {  	_ =	swait.ge [sflag:s10], $0x1900  }
0xea: {  	[sflag:s10] =	ssyncset.done $0x0  }
0xeb: {  	[sflag:s10] =	ssyncadd.s32 $0xFFFFE700  }
0xec: {  	_ =	swait.ge [sflag:s10], $0x1900  }
0xed: {  	[sflag:s10] =	ssyncset.done $0x0  }
0xee: {  	[sflag:s10] =	ssyncadd.s32 $0xFFFFE700  }
0xef: {  	[hbm4b:s23+s2] =	stream.linear.scatter [tilespmem:s13], [sflag:$0x2], $0x1900, $0x38;
	[tilespmem:$0xB800] =	vst v63  }
0xf0: {  	s15 =	smov.u32 s21;
	s21 =	sadd.s32 $0x380, s23;
	s11 =	rddreg [dreg:$0x1f]  }
0xf1: {  	[hbm4b:s21+s2] =	stream.linear.scatter [tilespmem:s12], [sflag:$0x2], $0x1900, $0x38;
	[tilespmem:$0xB800] =	vst v63  }
0xf2: {  	s0 =	sld [smem:$0x7FB]  }
0xf3: {  	[tilespmem:s13], [sflag:$0x1] =	stream.indirect.gather [hbm4b:s3+s16], $0x80, s11, s16, $0xb8;
	[tilespmem:$0xB800] =	vst v63  }
0xf4: {  	_ = 	snop  }
0xf5: {  	[tilespmem:s12], [sflag:$0x1] =	stream.indirect.gather [hbm4b:s3+s16], $0x80, s0, s16, $0xb8;
	[tilespmem:$0xB800] =	vst v63  }
0xf6: {  	_ =	swait.ge [sflag:s8], $0x3200  }
0xf7: {  	[sflag:s8] =	ssyncset.done $0x0  }
0xf8: {  	[sflag:s8] =	ssyncadd.s32 $0xFFFFCE00  }
0xf9: {  	_ =	swait.ge [sflag:s10], $0x1900  }
0xfa: {  	[sflag:s10] =	ssyncset.done $0x0  }
0xfb: {  	[sflag:s10] =	ssyncadd.s32 $0xFFFFE700  }
0xfc: {  	_ =	swait.ge [sflag:s10], $0x1900  }
0xfd: {  	[sflag:s10] =	ssyncset.done $0x0  }
0xfe: {  	s18 =	smov.u32 s9;
	[sflag:s10] =	ssyncadd.s32 $0xFFFFE700  }
0xff: {  	[hbm4b:s24+s2] =	stream.linear.scatter [tilespmem:s6], [sflag:$0x2], $0x1900, $0x38;
	[tilespmem:$0xB800] =	vst v63  }
0x100: {  	s9 =	smov.u32 s22;
	s22 =	sadd.s32 $0x380, s24;
	s1 =	sld [smem:$0x7FC]  }
0x101: {  	[hbm4b:s22+s2] =	stream.linear.scatter [tilespmem:s7], [sflag:$0x2], $0x1900, $0x38;
	[tilespmem:$0xB800] =	vst v63  }
0x102: {  	s11 =	sld [smem:$0x7FD]  }
0x103: {  	[tilespmem:s6], [sflag:$0x1] =	stream.indirect.gather [hbm4b:s3+s16], $0x80, s1, s16, $0xb8;
	[tilespmem:$0xB800] =	vst v63  }
0x104: {  	_ = 	snop  }
0x105: {  	[tilespmem:s7], [sflag:$0x1] =	stream.indirect.gather [hbm4b:s3+s16], $0x80, s11, s16, $0xb8;
	[tilespmem:$0xB800] =	vst v63  }
0x106: {  	_ =	swait.ge [sflag:s8], $0x3200  }
0x107: {  	[sflag:s8] =	ssyncset.done $0x0  }
0x108: {  	[sflag:s8] =	ssyncadd.s32 $0xFFFFCE00  }
0x109: {  	_ =	swait.ge [sflag:s10], $0x1900  }
0x10a: {  	[sflag:s10] =	ssyncset.done $0x0  }
0x10b: {  	[sflag:s10] =	ssyncadd.s32 $0xFFFFE700  }
0x10c: {  	_ =	swait.ge [sflag:s10], $0x1900  }
0x10d: {  	s0 =	sld [smem:$0x7FA]  }
0x10e: {  	[sflag:s10] =	ssyncset.done $0x0  }
0x10f: {  	[sflag:s10] =	ssyncadd.s32 $0xFFFFE700  }
0x110: {  	[hbm4b:s0+s2] =	stream.linear.scatter [tilespmem:s14], [sflag:$0x2], $0x1900, $0x38;
	[tilespmem:$0xB800] =	vst v63  }
0x111: {  	s5 =	smov.u32 s23;
	s23 =	sadd.s32 $0x380, s0  }
0x112: {  	[hbm4b:s23+s2] =	stream.linear.scatter [tilespmem:s17], [sflag:$0x2], $0x1900, $0x38;
	[tilespmem:$0xB800] =	vst v63  }
0x113: {  	_ =	swait.ge [sflag:s8], $0x3200  }
0x114: {  	[sflag:s8] =	ssyncset.done $0x0  }
0x115: {  	[sflag:s8] =	ssyncadd.s32 $0xFFFFCE00  }
0x116: {  	_ =	swait.ge [sflag:s10], $0x1900  }
0x117: {  	[sflag:s10] =	ssyncset.done $0x0  }
0x118: {  	[sflag:s10] =	ssyncadd.s32 $0xFFFFE700  }
0x119: {  	_ =	swait.ge [sflag:s10], $0x1900  }
0x11a: {  	[sflag:s10] =	ssyncset.done $0x0  }
0x11b: {  	[sflag:s10] =	ssyncadd.s32 $0xFFFFE700  }
0x11c: {  	[hbm4b:s31+s2] =	stream.linear.scatter [tilespmem:s13], [sflag:$0x2], $0x1900, $0x38;
	[tilespmem:$0xB800] =	vst v63  }
0x11d: {  	s4 =	smov.u32 s24;
	s24 =	sadd.s32 $0x380, s31  }
0x11e: {  	[hbm4b:s24+s2] =	stream.linear.scatter [tilespmem:s12], [sflag:$0x2], $0x1900, $0x38;
	[tilespmem:$0xB800] =	vst v63  }
0x11f: {  	_ =	swait.ge [sflag:s8], $0x3200  }
0x120: {  	[sflag:s8] =	ssyncset.done $0x0  }
0x121: {  	[sflag:s8] =	ssyncadd.s32 $0xFFFFCE00  }
0x122: {  	_ =	swait.ge [sflag:s10], $0x1900  }
0x123: {  	[sflag:s10] =	ssyncset.done $0x0  }
0x124: {  	[sflag:s10] =	ssyncadd.s32 $0xFFFFE700  }
0x125: {  	_ =	swait.ge [sflag:s10], $0x1900  }
0x126: {  	[sflag:s10] =	ssyncset.done $0x0  }
0x127: {  	[sflag:s10] =	ssyncadd.s32 $0xFFFFE700  }
0x128: {  	[hbm4b:s29+s2] =	stream.linear.scatter [tilespmem:s6], [sflag:$0x2], $0x1900, $0x38;
	[tilespmem:$0xB800] =	vst v63  }
0x129: {  	s11 =	smov.u32 s25;
	s25 =	sadd.s32 $0x380, s29  }
0x12a: {  	[hbm4b:s25+s2] =	stream.linear.scatter [tilespmem:s7], [sflag:$0x2], $0x1900, $0x38;
	[tilespmem:$0xB800] =	vst v63  }
0x12b: {  	_ =	swait.ge [sflag:s8], $0x3200  }
0x12c: {  	[sflag:s8] =	ssyncset.done $0x0  }
0x12d: {  	p1 =	sne.s32 s26, $0x1;
	[sflag:s8] =	ssyncadd.s32 $0xFFFFCE00  }
.Ltmp1:
0x12e: {  	_ =	swait.ge [sflag:s8], $0x3200;
	(pc) =	sbr.rel @!p1 .LBB2_3-.Ltmp1, $4  }
0x12f: {  	[sflag:s8] =	ssyncset.done $0x0  }
0x130: {  	[sflag:s8] =	ssyncadd.s32 $0xFFFFCE00  }
0x131: {  	s26 =	sadd.s32 $0xFFFFFFFF, s26;
	_ =	swait.ge [sflag:s8], $0x3200  }
0x132: {  	p0 =	por $0x1, $0x1;
	s28 =	rddreg [dreg:$0x3];
	[sflag:s8] =	ssyncset.done $0x0  }
.LBB2_4:
0x133: {  	[sflag:s8] =	ssyncadd.s32 $0xFFFFCE00  }
0x134: {  	[tilespmem:s2], [sflag:$0x3] =	stream.linear.gather [hbm4b:s28+s2], $0x1000, $0x38;
	[tilespmem:$0xB800] =	vst v63  }
0x135: {  	_ =	swait.ge [sflag:s30], $0x1000  }
0x136: {  	[sflag:s30] =	ssyncset.done $0x0  }
0x137: {  	[sflag:s30] =	ssyncadd.s32 $0xFFFFF000  }
0x138: {  	[tilespmem:s6], [sflag:$0x1] =	stream.indirect.gather [hbm4b:s3+s16], $0x80, s2, s16, $0xb8;
	[tilespmem:$0xB800] =	vst v63  }
0x139: {  	s28 =	rddreg [dreg:$0x4]  }
0x13a: {  	[tilespmem:s7], [sflag:$0x1] =	stream.indirect.gather [hbm4b:s3+s16], $0x80, s28, s16, $0xb8;
	[tilespmem:$0xB800] =	vst v63  }
0x13b: {  	s1 =	smov.u32 s31;
	s31 =	smov.u32 s29;
	s29 =	rddreg [dreg:$0x5]  }
0x13c: {  	[tilespmem:s14], [sflag:$0x1] =	stream.indirect.gather [hbm4b:s3+s16], $0x80, s29, s16, $0xb8;
	[tilespmem:$0xB800] =	vst v63  }
0x13d: {  	s28 =	rddreg [dreg:$0x6]  }
0x13e: {  	[tilespmem:s17], [sflag:$0x1] =	stream.indirect.gather [hbm4b:s3+s16], $0x80, s28, s16, $0xb8;
	[tilespmem:$0xB800] =	vst v63  }
0x13f: {  	s29 =	rddreg [dreg:$0x7]  }
0x140: {  	[tilespmem:s13], [sflag:$0x1] =	stream.indirect.gather [hbm4b:s3+s16], $0x80, s29, s16, $0xb8;
	[tilespmem:$0xB800] =	vst v63  }
0x141: {  	s28 =	rddreg [dreg:$0x8]  }
0x142: {  	[tilespmem:s12], [sflag:$0x1] =	stream.indirect.gather [hbm4b:s3+s16], $0x80, s28, s16, $0xb8;
	[tilespmem:$0xB800] =	vst v63  }
0x143: {  	_ =	swait.ge [sflag:s10], $0x1900  }
0x144: {  	[sflag:s10] =	ssyncset.done $0x0  }
0x145: {  	[sflag:s10] =	ssyncadd.s32 $0xFFFFE700  }
0x146: {  	_ =	swait.ge [sflag:s10], $0x1900  }
0x147: {  	[sflag:s10] =	ssyncset.done $0x0  }
0x148: {  	s29 =	sld [smem:$0x7EA];
	[sflag:s10] =	ssyncadd.s32 $0xFFFFE700  }
0x149: {  	[hbm4b:s11+s2] =	stream.linear.scatter [tilespmem:s6], [sflag:$0x2], $0x1900, $0x38;
	[tilespmem:$0xB800] =	vst v63  }
0x14a: {  	_ = 	snop  }
0x14b: {  	[hbm4b:s29+s2] =	stream.linear.scatter [tilespmem:s7], [sflag:$0x2], $0x1900, $0x38;
	[tilespmem:$0xB800] =	vst v63  }
0x14c: {  	s28 =	rddreg [dreg:$0x9]  }
0x14d: {  	[tilespmem:s6], [sflag:$0x1] =	stream.indirect.gather [hbm4b:s3+s16], $0x80, s28, s16, $0xb8;
	[tilespmem:$0xB800] =	vst v63  }
0x14e: {  	s29 =	rddreg [dreg:$0xa]  }
0x14f: {  	[tilespmem:s7], [sflag:$0x1] =	stream.indirect.gather [hbm4b:s3+s16], $0x80, s29, s16, $0xb8;
	[tilespmem:$0xB800] =	vst v63  }
0x150: {  	_ =	swait.ge [sflag:s10], $0x1900  }
0x151: {  	[sflag:s10] =	ssyncset.done $0x0  }
0x152: {  	[sflag:s10] =	ssyncadd.s32 $0xFFFFE700  }
0x153: {  	_ =	swait.ge [sflag:s10], $0x1900  }
0x154: {  	s28 =	sld [smem:$0x7F6]  }
0x155: {  	[sflag:s10] =	ssyncset.done $0x0  }
0x156: {  	s29 =	sld [smem:$0x7EB];
	[sflag:s10] =	ssyncadd.s32 $0xFFFFE700  }
0x157: {  	[hbm4b:s28+s2] =	stream.linear.scatter [tilespmem:s14], [sflag:$0x2], $0x1900, $0x38;
	[tilespmem:$0xB800] =	vst v63  }
0x158: {  	_ = 	snop  }
0x159: {  	[hbm4b:s29+s2] =	stream.linear.scatter [tilespmem:s17], [sflag:$0x2], $0x1900, $0x38;
	[tilespmem:$0xB800] =	vst v63  }
0x15a: {  	s28 =	rddreg [dreg:$0xb]  }
0x15b: {  	[tilespmem:s14], [sflag:$0x1] =	stream.indirect.gather [hbm4b:s3+s16], $0x80, s28, s16, $0xb8;
	[tilespmem:$0xB800] =	vst v63  }
0x15c: {  	s29 =	rddreg [dreg:$0xc]  }
0x15d: {  	[tilespmem:s17], [sflag:$0x1] =	stream.indirect.gather [hbm4b:s3+s16], $0x80, s29, s16, $0xb8;
	[tilespmem:$0xB800] =	vst v63  }
0x15e: {  	_ =	swait.ge [sflag:s10], $0x1900  }
0x15f: {  	[sflag:s10] =	ssyncset.done $0x0  }
0x160: {  	[sflag:s10] =	ssyncadd.s32 $0xFFFFE700  }
0x161: {  	_ =	swait.ge [sflag:s10], $0x1900  }
0x162: {  	s28 =	sld [smem:$0x7F8]  }
0x163: {  	[sflag:s10] =	ssyncset.done $0x0  }
0x164: {  	s29 =	sld [smem:$0x7EC];
	[sflag:s10] =	ssyncadd.s32 $0xFFFFE700  }
0x165: {  	[hbm4b:s28+s2] =	stream.linear.scatter [tilespmem:s13], [sflag:$0x2], $0x1900, $0x38;
	[tilespmem:$0xB800] =	vst v63  }
0x166: {  	_ = 	snop  }
0x167: {  	[hbm4b:s29+s2] =	stream.linear.scatter [tilespmem:s12], [sflag:$0x2], $0x1900, $0x38;
	[tilespmem:$0xB800] =	vst v63  }
0x168: {  	s28 =	rddreg [dreg:$0xd]  }
0x169: {  	[tilespmem:s13], [sflag:$0x1] =	stream.indirect.gather [hbm4b:s3+s16], $0x80, s28, s16, $0xb8;
	[tilespmem:$0xB800] =	vst v63  }
0x16a: {  	s29 =	rddreg [dreg:$0xe]  }
0x16b: {  	[tilespmem:s12], [sflag:$0x1] =	stream.indirect.gather [hbm4b:s3+s16], $0x80, s29, s16, $0xb8;
	[tilespmem:$0xB800] =	vst v63  }
0x16c: {  	_ =	swait.ge [sflag:s8], $0x3200  }
0x16d: {  	[sflag:s8] =	ssyncset.done $0x0  }
0x16e: {  	[sflag:s8] =	ssyncadd.s32 $0xFFFFCE00  }
0x16f: {  	_ =	swait.ge [sflag:s10], $0x1900  }
0x170: {  	[sflag:s10] =	ssyncset.done $0x0  }
0x171: {  	[sflag:s10] =	ssyncadd.s32 $0xFFFFE700  }
0x172: {  	_ =	swait.ge [sflag:s10], $0x1900  }
0x173: {  	s28 =	sld [smem:$0x7F9]  }
0x174: {  	[sflag:s10] =	ssyncset.done $0x0  }
0x175: {  	s29 =	sld [smem:$0x7ED];
	[sflag:s10] =	ssyncadd.s32 $0xFFFFE700  }
0x176: {  	[hbm4b:s28+s2] =	stream.linear.scatter [tilespmem:s6], [sflag:$0x2], $0x1900, $0x38;
	[tilespmem:$0xB800] =	vst v63  }
0x177: {  	_ = 	snop  }
0x178: {  	[hbm4b:s29+s2] =	stream.linear.scatter [tilespmem:s7], [sflag:$0x2], $0x1900, $0x38;
	[tilespmem:$0xB800] =	vst v63  }
0x179: {  	s28 =	rddreg [dreg:$0xf]  }
0x17a: {  	[tilespmem:s6], [sflag:$0x1] =	stream.indirect.gather [hbm4b:s3+s16], $0x80, s28, s16, $0xb8;
	[tilespmem:$0xB800] =	vst v63  }
0x17b: {  	s29 =	rddreg [dreg:$0x10]  }
0x17c: {  	[tilespmem:s7], [sflag:$0x1] =	stream.indirect.gather [hbm4b:s3+s16], $0x80, s29, s16, $0xb8;
	[tilespmem:$0xB800] =	vst v63  }
0x17d: {  	_ =	swait.ge [sflag:s8], $0x3200  }
0x17e: {  	[sflag:s8] =	ssyncset.done $0x0  }
0x17f: {  	[sflag:s8] =	ssyncadd.s32 $0xFFFFCE00  }
0x180: {  	_ =	swait.ge [sflag:s10], $0x1900  }
0x181: {  	[sflag:s10] =	ssyncset.done $0x0  }
0x182: {  	[sflag:s10] =	ssyncadd.s32 $0xFFFFE700  }
0x183: {  	_ =	swait.ge [sflag:s10], $0x1900  }
0x184: {  	s28 =	sld [smem:$0x7EE]  }
0x185: {  	[sflag:s10] =	ssyncset.done $0x0  }
0x186: {  	s29 =	sld [smem:$0x7EF];
	[sflag:s10] =	ssyncadd.s32 $0xFFFFE700  }
0x187: {  	[hbm4b:s28+s2] =	stream.linear.scatter [tilespmem:s14], [sflag:$0x2], $0x1900, $0x38;
	[tilespmem:$0xB800] =	vst v63  }
0x188: {  	_ = 	snop  }
0x189: {  	[hbm4b:s29+s2] =	stream.linear.scatter [tilespmem:s17], [sflag:$0x2], $0x1900, $0x38;
	[tilespmem:$0xB800] =	vst v63  }
0x18a: {  	s28 =	rddreg [dreg:$0x11]  }
0x18b: {  	[tilespmem:s14], [sflag:$0x1] =	stream.indirect.gather [hbm4b:s3+s16], $0x80, s28, s16, $0xb8;
	[tilespmem:$0xB800] =	vst v63  }
0x18c: {  	s29 =	rddreg [dreg:$0x12]  }
0x18d: {  	[tilespmem:s17], [sflag:$0x1] =	stream.indirect.gather [hbm4b:s3+s16], $0x80, s29, s16, $0xb8;
	[tilespmem:$0xB800] =	vst v63  }
0x18e: {  	_ =	swait.ge [sflag:s8], $0x3200  }
0x18f: {  	[sflag:s8] =	ssyncset.done $0x0  }
0x190: {  	[sflag:s8] =	ssyncadd.s32 $0xFFFFCE00  }
0x191: {  	_ =	swait.ge [sflag:s10], $0x1900  }
0x192: {  	[sflag:s10] =	ssyncset.done $0x0  }
0x193: {  	[sflag:s10] =	ssyncadd.s32 $0xFFFFE700  }
0x194: {  	_ =	swait.ge [sflag:s10], $0x1900  }
0x195: {  	s28 =	sld [smem:$0x7F1]  }
0x196: {  	[sflag:s10] =	ssyncset.done $0x0  }
0x197: {  	s29 =	sld [smem:$0x7F0];
	[sflag:s10] =	ssyncadd.s32 $0xFFFFE700  }
0x198: {  	[hbm4b:s28+s2] =	stream.linear.scatter [tilespmem:s13], [sflag:$0x2], $0x1900, $0x38;
	[tilespmem:$0xB800] =	vst v63  }
0x199: {  	_ = 	snop  }
0x19a: {  	[hbm4b:s29+s2] =	stream.linear.scatter [tilespmem:s12], [sflag:$0x2], $0x1900, $0x38;
	[tilespmem:$0xB800] =	vst v63  }
0x19b: {  	s28 =	rddreg [dreg:$0x13]  }
0x19c: {  	[tilespmem:s13], [sflag:$0x1] =	stream.indirect.gather [hbm4b:s3+s16], $0x80, s28, s16, $0xb8;
	[tilespmem:$0xB800] =	vst v63  }
0x19d: {  	s29 =	rddreg [dreg:$0x14]  }
0x19e: {  	[tilespmem:s12], [sflag:$0x1] =	stream.indirect.gather [hbm4b:s3+s16], $0x80, s29, s16, $0xb8;
	[tilespmem:$0xB800] =	vst v63  }
0x19f: {  	_ =	swait.ge [sflag:s8], $0x3200  }
0x1a0: {  	[sflag:s8] =	ssyncset.done $0x0  }
0x1a1: {  	[sflag:s8] =	ssyncadd.s32 $0xFFFFCE00  }
0x1a2: {  	_ =	swait.ge [sflag:s10], $0x1900  }
0x1a3: {  	[sflag:s10] =	ssyncset.done $0x0  }
0x1a4: {  	[sflag:s10] =	ssyncadd.s32 $0xFFFFE700  }
0x1a5: {  	_ =	swait.ge [sflag:s10], $0x1900  }
0x1a6: {  	s28 =	sld [smem:$0x7F3]  }
0x1a7: {  	[sflag:s10] =	ssyncset.done $0x0  }
0x1a8: {  	s29 =	sld [smem:$0x7F2];
	[sflag:s10] =	ssyncadd.s32 $0xFFFFE700  }
0x1a9: {  	[hbm4b:s28+s2] =	stream.linear.scatter [tilespmem:s6], [sflag:$0x2], $0x1900, $0x38;
	[tilespmem:$0xB800] =	vst v63  }
0x1aa: {  	_ = 	snop  }
0x1ab: {  	[hbm4b:s29+s2] =	stream.linear.scatter [tilespmem:s7], [sflag:$0x2], $0x1900, $0x38;
	[tilespmem:$0xB800] =	vst v63  }
0x1ac: {  	s28 =	rddreg [dreg:$0x15]  }
0x1ad: {  	[tilespmem:s6], [sflag:$0x1] =	stream.indirect.gather [hbm4b:s3+s16], $0x80, s28, s16, $0xb8;
	[tilespmem:$0xB800] =	vst v63  }
0x1ae: {  	s29 =	rddreg [dreg:$0x16]  }
0x1af: {  	[tilespmem:s7], [sflag:$0x1] =	stream.indirect.gather [hbm4b:s3+s16], $0x80, s29, s16, $0xb8;
	[tilespmem:$0xB800] =	vst v63  }
0x1b0: {  	_ =	swait.ge [sflag:s8], $0x3200  }
0x1b1: {  	[sflag:s8] =	ssyncset.done $0x0  }
0x1b2: {  	[sflag:s8] =	ssyncadd.s32 $0xFFFFCE00  }
0x1b3: {  	_ =	swait.ge [sflag:s10], $0x1900  }
0x1b4: {  	[sflag:s10] =	ssyncset.done $0x0  }
0x1b5: {  	[sflag:s10] =	ssyncadd.s32 $0xFFFFE700  }
0x1b6: {  	_ =	swait.ge [sflag:s10], $0x1900  }
0x1b7: {  	s28 =	sld [smem:$0x7F4]  }
0x1b8: {  	[sflag:s10] =	ssyncset.done $0x0  }
0x1b9: {  	s29 =	sld [smem:$0x7F5];
	[sflag:s10] =	ssyncadd.s32 $0xFFFFE700  }
0x1ba: {  	[hbm4b:s28+s2] =	stream.linear.scatter [tilespmem:s14], [sflag:$0x2], $0x1900, $0x38;
	[tilespmem:$0xB800] =	vst v63  }
0x1bb: {  	_ = 	snop  }
0x1bc: {  	[hbm4b:s29+s2] =	stream.linear.scatter [tilespmem:s17], [sflag:$0x2], $0x1900, $0x38;
	[tilespmem:$0xB800] =	vst v63  }
0x1bd: {  	s28 =	rddreg [dreg:$0x17]  }
0x1be: {  	[tilespmem:s14], [sflag:$0x1] =	stream.indirect.gather [hbm4b:s3+s16], $0x80, s28, s16, $0xb8;
	[tilespmem:$0xB800] =	vst v63  }
0x1bf: {  	s29 =	rddreg [dreg:$0x18]  }
0x1c0: {  	[tilespmem:s17], [sflag:$0x1] =	stream.indirect.gather [hbm4b:s3+s16], $0x80, s29, s16, $0xb8;
	[tilespmem:$0xB800] =	vst v63  }
0x1c1: {  	_ =	swait.ge [sflag:s8], $0x3200  }
0x1c2: {  	[sflag:s8] =	ssyncset.done $0x0  }
0x1c3: {  	[sflag:s8] =	ssyncadd.s32 $0xFFFFCE00  }
0x1c4: {  	_ =	swait.ge [sflag:s10], $0x1900  }
0x1c5: {  	[sflag:s10] =	ssyncset.done $0x0  }
0x1c6: {  	[sflag:s10] =	ssyncadd.s32 $0xFFFFE700  }
0x1c7: {  	_ =	swait.ge [sflag:s10], $0x1900  }
0x1c8: {  	s28 =	sld [smem:$0x7F7]  }
0x1c9: {  	[sflag:s10] =	ssyncset.done $0x0  }
0x1ca: {  	[sflag:s10] =	ssyncadd.s32 $0xFFFFE700  }
0x1cb: {  	[hbm4b:s28+s2] =	stream.linear.scatter [tilespmem:s13], [sflag:$0x2], $0x1900, $0x38;
	[tilespmem:$0xB800] =	vst v63  }
0x1cc: {  	_ = 	snop  }
0x1cd: {  	[hbm4b:s18+s2] =	stream.linear.scatter [tilespmem:s12], [sflag:$0x2], $0x1900, $0x38;
	[tilespmem:$0xB800] =	vst v63  }
0x1ce: {  	s28 =	rddreg [dreg:$0x19]  }
0x1cf: {  	[tilespmem:s13], [sflag:$0x1] =	stream.indirect.gather [hbm4b:s3+s16], $0x80, s28, s16, $0xb8;
	[tilespmem:$0xB800] =	vst v63  }
0x1d0: {  	s29 =	rddreg [dreg:$0x1a]  }
0x1d1: {  	[tilespmem:s12], [sflag:$0x1] =	stream.indirect.gather [hbm4b:s3+s16], $0x80, s29, s16, $0xb8;
	[tilespmem:$0xB800] =	vst v63  }
0x1d2: {  	_ =	swait.ge [sflag:s8], $0x3200  }
0x1d3: {  	[sflag:s8] =	ssyncset.done $0x0  }
0x1d4: {  	[sflag:s8] =	ssyncadd.s32 $0xFFFFCE00  }
0x1d5: {  	_ =	swait.ge [sflag:s10], $0x1900  }
0x1d6: {  	[sflag:s10] =	ssyncset.done $0x0  }
0x1d7: {  	[sflag:s10] =	ssyncadd.s32 $0xFFFFE700  }
0x1d8: {  	_ =	swait.ge [sflag:s10], $0x1900  }
0x1d9: {  	[sflag:s10] =	ssyncset.done $0x0  }
0x1da: {  	[sflag:s10] =	ssyncadd.s32 $0xFFFFE700  }
0x1db: {  	[hbm4b:s15+s2] =	stream.linear.scatter [tilespmem:s6], [sflag:$0x2], $0x1900, $0x38;
	[tilespmem:$0xB800] =	vst v63  }
0x1dc: {  	_ = 	snop  }
0x1dd: {  	[hbm4b:s19+s2] =	stream.linear.scatter [tilespmem:s7], [sflag:$0x2], $0x1900, $0x38;
	[tilespmem:$0xB800] =	vst v63  }
0x1de: {  	s28 =	rddreg [dreg:$0x1b]  }
0x1df: {  	[tilespmem:s6], [sflag:$0x1] =	stream.indirect.gather [hbm4b:s3+s16], $0x80, s28, s16, $0xb8;
	[tilespmem:$0xB800] =	vst v63  }
0x1e0: {  	s29 =	rddreg [dreg:$0x1c]  }
0x1e1: {  	[tilespmem:s7], [sflag:$0x1] =	stream.indirect.gather [hbm4b:s3+s16], $0x80, s29, s16, $0xb8;
	[tilespmem:$0xB800] =	vst v63  }
0x1e2: {  	_ =	swait.ge [sflag:s8], $0x3200  }
0x1e3: {  	[sflag:s8] =	ssyncset.done $0x0  }
0x1e4: {  	[sflag:s8] =	ssyncadd.s32 $0xFFFFCE00  }
0x1e5: {  	_ =	swait.ge [sflag:s10], $0x1900  }
0x1e6: {  	[sflag:s10] =	ssyncset.done $0x0  }
0x1e7: {  	[sflag:s10] =	ssyncadd.s32 $0xFFFFE700  }
0x1e8: {  	_ =	swait.ge [sflag:s10], $0x1900  }
0x1e9: {  	[sflag:s10] =	ssyncset.done $0x0  }
0x1ea: {  	[sflag:s10] =	ssyncadd.s32 $0xFFFFE700  }
0x1eb: {  	[hbm4b:s9+s2] =	stream.linear.scatter [tilespmem:s14], [sflag:$0x2], $0x1900, $0x38;
	[tilespmem:$0xB800] =	vst v63  }
0x1ec: {  	_ = 	snop  }
0x1ed: {  	[hbm4b:s20+s2] =	stream.linear.scatter [tilespmem:s17], [sflag:$0x2], $0x1900, $0x38;
	[tilespmem:$0xB800] =	vst v63  }
0x1ee: {  	s28 =	rddreg [dreg:$0x1d]  }
0x1ef: {  	[tilespmem:s14], [sflag:$0x1] =	stream.indirect.gather [hbm4b:s3+s16], $0x80, s28, s16, $0xb8;
	[tilespmem:$0xB800] =	vst v63  }
0x1f0: {  	s29 =	rddreg [dreg:$0x1e]  }
0x1f1: {  	[tilespmem:s17], [sflag:$0x1] =	stream.indirect.gather [hbm4b:s3+s16], $0x80, s29, s16, $0xb8;
	[tilespmem:$0xB800] =	vst v63  }
0x1f2: {  	_ =	swait.ge [sflag:s8], $0x3200  }
0x1f3: {  	[sflag:s8] =	ssyncset.done $0x0  }
0x1f4: {  	[sflag:s8] =	ssyncadd.s32 $0xFFFFCE00  }
0x1f5: {  	_ =	swait.ge [sflag:s10], $0x1900  }
0x1f6: {  	[sflag:s10] =	ssyncset.done $0x0  }
0x1f7: {  	[sflag:s10] =	ssyncadd.s32 $0xFFFFE700  }
0x1f8: {  	_ =	swait.ge [sflag:s10], $0x1900  }
0x1f9: {  	[sflag:s10] =	ssyncset.done $0x0  }
0x1fa: {  	[sflag:s10] =	ssyncadd.s32 $0xFFFFE700  }
0x1fb: {  	[hbm4b:s5+s2] =	stream.linear.scatter [tilespmem:s13], [sflag:$0x2], $0x1900, $0x38;
	[tilespmem:$0xB800] =	vst v63  }
0x1fc: {  	s28 =	rddreg [dreg:$0x1f]  }
0x1fd: {  	[hbm4b:s21+s2] =	stream.linear.scatter [tilespmem:s12], [sflag:$0x2], $0x1900, $0x38;
	[tilespmem:$0xB800] =	vst v63  }
0x1fe: {  	s29 =	sld [smem:$0x7FB]  }
0x1ff: {  	[tilespmem:s13], [sflag:$0x1] =	stream.indirect.gather [hbm4b:s3+s16], $0x80, s28, s16, $0xb8;
	[tilespmem:$0xB800] =	vst v63  }
0x200: {  	_ = 	snop  }
0x201: {  	[tilespmem:s12], [sflag:$0x1] =	stream.indirect.gather [hbm4b:s3+s16], $0x80, s29, s16, $0xb8;
	[tilespmem:$0xB800] =	vst v63  }
0x202: {  	_ =	swait.ge [sflag:s8], $0x3200  }
0x203: {  	[sflag:s8] =	ssyncset.done $0x0  }
0x204: {  	[sflag:s8] =	ssyncadd.s32 $0xFFFFCE00  }
0x205: {  	_ =	swait.ge [sflag:s10], $0x1900  }
0x206: {  	[sflag:s10] =	ssyncset.done $0x0  }
0x207: {  	[sflag:s10] =	ssyncadd.s32 $0xFFFFE700  }
0x208: {  	_ =	swait.ge [sflag:s10], $0x1900  }
0x209: {  	[sflag:s10] =	ssyncset.done $0x0  }
0x20a: {  	[sflag:s10] =	ssyncadd.s32 $0xFFFFE700  }
0x20b: {  	[hbm4b:s4+s2] =	stream.linear.scatter [tilespmem:s6], [sflag:$0x2], $0x1900, $0x38;
	[tilespmem:$0xB800] =	vst v63  }
0x20c: {  	s28 =	sld [smem:$0x7FC]  }
0x20d: {  	[hbm4b:s22+s2] =	stream.linear.scatter [tilespmem:s7], [sflag:$0x2], $0x1900, $0x38;
	[tilespmem:$0xB800] =	vst v63  }
0x20e: {  	s29 =	sld [smem:$0x7FD]  }
0x20f: {  	[tilespmem:s6], [sflag:$0x1] =	stream.indirect.gather [hbm4b:s3+s16], $0x80, s28, s16, $0xb8;
	[tilespmem:$0xB800] =	vst v63  }
0x210: {  	_ = 	snop  }
0x211: {  	[tilespmem:s7], [sflag:$0x1] =	stream.indirect.gather [hbm4b:s3+s16], $0x80, s29, s16, $0xb8;
	[tilespmem:$0xB800] =	vst v63  }
0x212: {  	_ =	swait.ge [sflag:s8], $0x3200  }
0x213: {  	[sflag:s8] =	ssyncset.done $0x0  }
0x214: {  	[sflag:s8] =	ssyncadd.s32 $0xFFFFCE00  }
0x215: {  	_ =	swait.ge [sflag:s10], $0x1900  }
0x216: {  	[sflag:s10] =	ssyncset.done $0x0  }
0x217: {  	[sflag:s10] =	ssyncadd.s32 $0xFFFFE700  }
0x218: {  	_ =	swait.ge [sflag:s10], $0x1900  }
0x219: {  	[sflag:s10] =	ssyncset.done $0x0  }
0x21a: {  	[sflag:s10] =	ssyncadd.s32 $0xFFFFE700  }
0x21b: {  	[hbm4b:s0+s2] =	stream.linear.scatter [tilespmem:s14], [sflag:$0x2], $0x1900, $0x38;
	[tilespmem:$0xB800] =	vst v63  }
0x21c: {  	_ = 	snop  }
0x21d: {  	[hbm4b:s23+s2] =	stream.linear.scatter [tilespmem:s17], [sflag:$0x2], $0x1900, $0x38;
	[tilespmem:$0xB800] =	vst v63  }
0x21e: {  	_ =	swait.ge [sflag:s8], $0x3200  }
0x21f: {  	[sflag:s8] =	ssyncset.done $0x0  }
0x220: {  	[sflag:s8] =	ssyncadd.s32 $0xFFFFCE00  }
0x221: {  	_ =	swait.ge [sflag:s10], $0x1900  }
0x222: {  	[sflag:s10] =	ssyncset.done $0x0  }
0x223: {  	[sflag:s10] =	ssyncadd.s32 $0xFFFFE700  }
0x224: {  	_ =	swait.ge [sflag:s10], $0x1900  }
0x225: {  	[sflag:s10] =	ssyncset.done $0x0  }
0x226: {  	[sflag:s10] =	ssyncadd.s32 $0xFFFFE700  }
0x227: {  	[hbm4b:s1+s2] =	stream.linear.scatter [tilespmem:s13], [sflag:$0x2], $0x1900, $0x38;
	[tilespmem:$0xB800] =	vst v63  }
0x228: {  	_ = 	snop  }
0x229: {  	[hbm4b:s24+s2] =	stream.linear.scatter [tilespmem:s12], [sflag:$0x2], $0x1900, $0x38;
	[tilespmem:$0xB800] =	vst v63  }
0x22a: {  	_ =	swait.ge [sflag:s8], $0x3200  }
0x22b: {  	[sflag:s8] =	ssyncset.done $0x0  }
0x22c: {  	[sflag:s8] =	ssyncadd.s32 $0xFFFFCE00  }
0x22d: {  	_ =	swait.ge [sflag:s10], $0x1900  }
0x22e: {  	[sflag:s10] =	ssyncset.done $0x0  }
0x22f: {  	[sflag:s10] =	ssyncadd.s32 $0xFFFFE700  }
0x230: {  	_ =	swait.ge [sflag:s10], $0x1900  }
0x231: {  	[sflag:s10] =	ssyncset.done $0x0  }
0x232: {  	s29 =	smov.u32 s31;
	[sflag:s10] =	ssyncadd.s32 $0xFFFFE700  }
0x233: {  	[hbm4b:s29+s2] =	stream.linear.scatter [tilespmem:s6], [sflag:$0x2], $0x1900, $0x38;
	[tilespmem:$0xB800] =	vst v63  }
0x234: {  	_ = 	snop  }
0x235: {  	[hbm4b:s25+s2] =	stream.linear.scatter [tilespmem:s7], [sflag:$0x2], $0x1900, $0x38;
	[tilespmem:$0xB800] =	vst v63  }
0x236: {  	_ =	swait.ge [sflag:s8], $0x3200  }
0x237: {  	[sflag:s8] =	ssyncset.done $0x0  }
0x238: {  	p1 =	sne.s32 s26, $0x1;
	[sflag:s8] =	ssyncadd.s32 $0xFFFFCE00  }
.Ltmp2:
0x239: {  	_ =	swait.ge [sflag:s8], $0x3200;
	(pc) =	sbr.rel @p1 .LBB2_4-.Ltmp2, $4  }
0x23a: {  	[sflag:s8] =	ssyncset.done $0x0  }
0x23b: {  	[sflag:s8] =	ssyncadd.s32 $0xFFFFCE00  }
0x23c: {  	s26 =	sadd.s32 $0xFFFFFFFF, s26;
	_ =	swait.ge [sflag:s8], $0x3200  }
0x23d: {  	s31 =	smov.u32 s1;
	s28 =	rddreg [dreg:$0x3];
	[sflag:s8] =	ssyncset.done $0x0  }
0x23e: {  	s19 =	sld [smem:$0x7F6]  }
0x23f: {  	s24 =	sld [smem:$0x7F8]  }
0x240: {  	s26 =	sld [smem:$0x7F9]  }
0x241: {  	s25 =	smov.u32 s11;
	s11 =	rddreg [dreg:$0x2]  }
0x242: {  	s20 =	sld [smem:$0x7F7]  }
0x243: {  	s23 =	smov.u32 s5;
	s5 =	sld [smem:$0x7F4]  }
0x244: {  	s18 =	sld [smem:$0x7F3]  }
0x245: {  	s21 =	smov.u32 s15;
	s15 =	sld [smem:$0x7F1]  }
0x246: {  	s22 =	smov.u32 s9;
	s9 =	sld [smem:$0x7EE]  }
.LBB2_6:
0x247: {  	[sflag:s8] =	ssyncadd.s32 @p0 $0xFFFFCE00  }
0x248: {  	[tilespmem:s2], [sflag:$0x3] =	stream.linear.gather [hbm4b:s28+s2], $0x1000, $0x38;
	[tilespmem:$0xB800] =	vst v63  }
0x249: {  	_ =	swait.ge [sflag:s30], $0x1000  }
0x24a: {  	[sflag:s30] =	ssyncset.done $0x0  }
0x24b: {  	[sflag:s30] =	ssyncadd.s32 $0xFFFFF000  }
0x24c: {  	[tilespmem:s6], [sflag:$0x1] =	stream.indirect.gather [hbm4b:s3+s16], $0x80, s2, s16, $0xb8;
	[tilespmem:$0xB800] =	vst v63  }
0x24d: {  	s0 =	rddreg [dreg:$0x4]  }
0x24e: {  	[tilespmem:s7], [sflag:$0x1] =	stream.indirect.gather [hbm4b:s3+s16], $0x80, s0, s16, $0xb8;
	[tilespmem:$0xB800] =	vst v63  }
0x24f: {  	s1 =	rddreg [dreg:$0x5]  }
0x250: {  	[tilespmem:s14], [sflag:$0x1] =	stream.indirect.gather [hbm4b:s3+s16], $0x80, s1, s16, $0xb8;
	[tilespmem:$0xB800] =	vst v63  }
0x251: {  	s30 =	rddreg [dreg:$0x6]  }
0x252: {  	[tilespmem:s17], [sflag:$0x1] =	stream.indirect.gather [hbm4b:s3+s16], $0x80, s30, s16, $0xb8;
	[tilespmem:$0xB800] =	vst v63  }
0x253: {  	s28 =	rddreg [dreg:$0x7]  }
0x254: {  	[tilespmem:s13], [sflag:$0x1] =	stream.indirect.gather [hbm4b:s3+s16], $0x80, s28, s16, $0xb8;
	[tilespmem:$0xB800] =	vst v63  }
0x255: {  	s30 =	rddreg [dreg:$0x8]  }
0x256: {  	[tilespmem:s12], [sflag:$0x1] =	stream.indirect.gather [hbm4b:s3+s16], $0x80, s30, s16, $0xb8;
	[tilespmem:$0xB800] =	vst v63  }
0x257: {  	_ =	swait.ge [sflag:s10], $0x1900  }
0x258: {  	[sflag:s10] =	ssyncset.done $0x0  }
0x259: {  	[sflag:s10] =	ssyncadd.s32 $0xFFFFE700  }
0x25a: {  	_ =	swait.ge [sflag:s10], $0x1900  }
0x25b: {  	[sflag:s10] =	ssyncset.done $0x0  }
0x25c: {  	[sflag:s10] =	ssyncadd.s32 $0xFFFFE700  }
0x25d: {  	[hbm4b:s25+s2] =	stream.linear.scatter [tilespmem:s6], [sflag:$0x2], $0x1900, $0x38;
	[tilespmem:$0xB800] =	vst v63  }
0x25e: {  	s25 =	sadd.s32 $0x380, s25  }
0x25f: {  	[hbm4b:s25+s2] =	stream.linear.scatter [tilespmem:s7], [sflag:$0x2], $0x1900, $0x38;
	[tilespmem:$0xB800] =	vst v63  }
0x260: {  	s28 =	rddreg [dreg:$0x9]  }
0x261: {  	[tilespmem:s6], [sflag:$0x1] =	stream.indirect.gather [hbm4b:s3+s16], $0x80, s28, s16, $0xb8;
	[tilespmem:$0xB800] =	vst v63  }
0x262: {  	s30 =	rddreg [dreg:$0xa]  }
0x263: {  	[tilespmem:s7], [sflag:$0x1] =	stream.indirect.gather [hbm4b:s3+s16], $0x80, s30, s16, $0xb8;
	[tilespmem:$0xB800] =	vst v63  }
0x264: {  	_ =	swait.ge [sflag:s10], $0x1900  }
0x265: {  	[sflag:s10] =	ssyncset.done $0x0  }
0x266: {  	[sflag:s10] =	ssyncadd.s32 $0xFFFFE700  }
0x267: {  	_ =	swait.ge [sflag:s10], $0x1900  }
0x268: {  	[sflag:s10] =	ssyncset.done $0x0  }
0x269: {  	[sflag:s10] =	ssyncadd.s32 $0xFFFFE700  }
0x26a: {  	[hbm4b:s19+s2] =	stream.linear.scatter [tilespmem:s14], [sflag:$0x2], $0x1900, $0x38;
	[tilespmem:$0xB800] =	vst v63  }
0x26b: {  	s25 =	sadd.s32 $0x380, s19  }
0x26c: {  	[hbm4b:s25+s2] =	stream.linear.scatter [tilespmem:s17], [sflag:$0x2], $0x1900, $0x38;
	[tilespmem:$0xB800] =	vst v63  }
0x26d: {  	s28 =	rddreg [dreg:$0xb]  }
0x26e: {  	[tilespmem:s14], [sflag:$0x1] =	stream.indirect.gather [hbm4b:s3+s16], $0x80, s28, s16, $0xb8;
	[tilespmem:$0xB800] =	vst v63  }
0x26f: {  	s30 =	rddreg [dreg:$0xc]  }
0x270: {  	[tilespmem:s17], [sflag:$0x1] =	stream.indirect.gather [hbm4b:s3+s16], $0x80, s30, s16, $0xb8;
	[tilespmem:$0xB800] =	vst v63  }
0x271: {  	_ =	swait.ge [sflag:s10], $0x1900  }
0x272: {  	[sflag:s10] =	ssyncset.done $0x0  }
0x273: {  	[sflag:s10] =	ssyncadd.s32 $0xFFFFE700  }
0x274: {  	_ =	swait.ge [sflag:s10], $0x1900  }
0x275: {  	[sflag:s10] =	ssyncset.done $0x0  }
0x276: {  	[sflag:s10] =	ssyncadd.s32 $0xFFFFE700  }
0x277: {  	[hbm4b:s24+s2] =	stream.linear.scatter [tilespmem:s13], [sflag:$0x2], $0x1900, $0x38;
	[tilespmem:$0xB800] =	vst v63  }
0x278: {  	s19 =	sadd.s32 $0x380, s24  }
0x279: {  	[hbm4b:s19+s2] =	stream.linear.scatter [tilespmem:s12], [sflag:$0x2], $0x1900, $0x38;
	[tilespmem:$0xB800] =	vst v63  }
0x27a: {  	s24 =	rddreg [dreg:$0xd]  }
0x27b: {  	[tilespmem:s13], [sflag:$0x1] =	stream.indirect.gather [hbm4b:s3+s16], $0x80, s24, s16, $0xb8;
	[tilespmem:$0xB800] =	vst v63  }
0x27c: {  	s25 =	rddreg [dreg:$0xe]  }
0x27d: {  	[tilespmem:s12], [sflag:$0x1] =	stream.indirect.gather [hbm4b:s3+s16], $0x80, s25, s16, $0xb8;
	[tilespmem:$0xB800] =	vst v63  }
0x27e: {  	_ =	swait.ge [sflag:s8], $0x3200  }
0x27f: {  	[sflag:s8] =	ssyncset.done $0x0  }
0x280: {  	[sflag:s8] =	ssyncadd.s32 $0xFFFFCE00  }
0x281: {  	_ =	swait.ge [sflag:s10], $0x1900  }
0x282: {  	[sflag:s10] =	ssyncset.done $0x0  }
0x283: {  	[sflag:s10] =	ssyncadd.s32 $0xFFFFE700  }
0x284: {  	_ =	swait.ge [sflag:s10], $0x1900  }
0x285: {  	[sflag:s10] =	ssyncset.done $0x0  }
0x286: {  	[sflag:s10] =	ssyncadd.s32 $0xFFFFE700  }
0x287: {  	[hbm4b:s26+s2] =	stream.linear.scatter [tilespmem:s6], [sflag:$0x2], $0x1900, $0x38;
	[tilespmem:$0xB800] =	vst v63  }
0x288: {  	s26 =	sadd.s32 $0x380, s26  }
0x289: {  	[hbm4b:s26+s2] =	stream.linear.scatter [tilespmem:s7], [sflag:$0x2], $0x1900, $0x38;
	[tilespmem:$0xB800] =	vst v63  }
0x28a: {  	s28 =	rddreg [dreg:$0xf]  }
0x28b: {  	[tilespmem:s6], [sflag:$0x1] =	stream.indirect.gather [hbm4b:s3+s16], $0x80, s28, s16, $0xb8;
	[tilespmem:$0xB800] =	vst v63  }
0x28c: {  	s30 =	rddreg [dreg:$0x10]  }
0x28d: {  	[tilespmem:s7], [sflag:$0x1] =	stream.indirect.gather [hbm4b:s3+s16], $0x80, s30, s16, $0xb8;
	[tilespmem:$0xB800] =	vst v63  }
0x28e: {  	_ =	swait.ge [sflag:s8], $0x3200  }
0x28f: {  	[sflag:s8] =	ssyncset.done $0x0  }
0x290: {  	[sflag:s8] =	ssyncadd.s32 $0xFFFFCE00  }
0x291: {  	_ =	swait.ge [sflag:s10], $0x1900  }
0x292: {  	[sflag:s10] =	ssyncset.done $0x0  }
0x293: {  	[sflag:s10] =	ssyncadd.s32 $0xFFFFE700  }
0x294: {  	_ =	swait.ge [sflag:s10], $0x1900  }
0x295: {  	[sflag:s10] =	ssyncset.done $0x0  }
0x296: {  	[sflag:s10] =	ssyncadd.s32 $0xFFFFE700  }
0x297: {  	[hbm4b:s9+s2] =	stream.linear.scatter [tilespmem:s14], [sflag:$0x2], $0x1900, $0x38;
	[tilespmem:$0xB800] =	vst v63  }
0x298: {  	s19 =	sadd.s32 $0x380, s9  }
0x299: {  	[hbm4b:s19+s2] =	stream.linear.scatter [tilespmem:s17], [sflag:$0x2], $0x1900, $0x38;
	[tilespmem:$0xB800] =	vst v63  }
0x29a: {  	s24 =	rddreg [dreg:$0x11]  }
0x29b: {  	[tilespmem:s14], [sflag:$0x1] =	stream.indirect.gather [hbm4b:s3+s16], $0x80, s24, s16, $0xb8;
	[tilespmem:$0xB800] =	vst v63  }
0x29c: {  	s25 =	rddreg [dreg:$0x12]  }
0x29d: {  	[tilespmem:s17], [sflag:$0x1] =	stream.indirect.gather [hbm4b:s3+s16], $0x80, s25, s16, $0xb8;
	[tilespmem:$0xB800] =	vst v63  }
0x29e: {  	_ =	swait.ge [sflag:s8], $0x3200  }
0x29f: {  	[sflag:s8] =	ssyncset.done $0x0  }
0x2a0: {  	[sflag:s8] =	ssyncadd.s32 $0xFFFFCE00  }
0x2a1: {  	_ =	swait.ge [sflag:s10], $0x1900  }
0x2a2: {  	[sflag:s10] =	ssyncset.done $0x0  }
0x2a3: {  	[sflag:s10] =	ssyncadd.s32 $0xFFFFE700  }
0x2a4: {  	_ =	swait.ge [sflag:s10], $0x1900  }
0x2a5: {  	[sflag:s10] =	ssyncset.done $0x0  }
0x2a6: {  	[sflag:s10] =	ssyncadd.s32 $0xFFFFE700  }
0x2a7: {  	[hbm4b:s15+s2] =	stream.linear.scatter [tilespmem:s13], [sflag:$0x2], $0x1900, $0x38;
	[tilespmem:$0xB800] =	vst v63  }
0x2a8: {  	s26 =	sadd.s32 $0x380, s15  }
0x2a9: {  	[hbm4b:s26+s2] =	stream.linear.scatter [tilespmem:s12], [sflag:$0x2], $0x1900, $0x38;
	[tilespmem:$0xB800] =	vst v63  }
0x2aa: {  	s28 =	rddreg [dreg:$0x13]  }
0x2ab: {  	[tilespmem:s13], [sflag:$0x1] =	stream.indirect.gather [hbm4b:s3+s16], $0x80, s28, s16, $0xb8;
	[tilespmem:$0xB800] =	vst v63  }
0x2ac: {  	s30 =	rddreg [dreg:$0x14]  }
0x2ad: {  	[tilespmem:s12], [sflag:$0x1] =	stream.indirect.gather [hbm4b:s3+s16], $0x80, s30, s16, $0xb8;
	[tilespmem:$0xB800] =	vst v63  }
0x2ae: {  	_ =	swait.ge [sflag:s8], $0x3200  }
0x2af: {  	[sflag:s8] =	ssyncset.done $0x0  }
0x2b0: {  	[sflag:s8] =	ssyncadd.s32 $0xFFFFCE00  }
0x2b1: {  	_ =	swait.ge [sflag:s10], $0x1900  }
0x2b2: {  	[sflag:s10] =	ssyncset.done $0x0  }
0x2b3: {  	[sflag:s10] =	ssyncadd.s32 $0xFFFFE700  }
0x2b4: {  	_ =	swait.ge [sflag:s10], $0x1900  }
0x2b5: {  	[sflag:s10] =	ssyncset.done $0x0  }
0x2b6: {  	[sflag:s10] =	ssyncadd.s32 $0xFFFFE700  }
0x2b7: {  	[hbm4b:s18+s2] =	stream.linear.scatter [tilespmem:s6], [sflag:$0x2], $0x1900, $0x38;
	[tilespmem:$0xB800] =	vst v63  }
0x2b8: {  	s9 =	sadd.s32 $0x380, s18  }
0x2b9: {  	[hbm4b:s9+s2] =	stream.linear.scatter [tilespmem:s7], [sflag:$0x2], $0x1900, $0x38;
	[tilespmem:$0xB800] =	vst v63  }
0x2ba: {  	s15 =	rddreg [dreg:$0x15]  }
0x2bb: {  	[tilespmem:s6], [sflag:$0x1] =	stream.indirect.gather [hbm4b:s3+s16], $0x80, s15, s16, $0xb8;
	[tilespmem:$0xB800] =	vst v63  }
0x2bc: {  	s18 =	rddreg [dreg:$0x16]  }
0x2bd: {  	[tilespmem:s7], [sflag:$0x1] =	stream.indirect.gather [hbm4b:s3+s16], $0x80, s18, s16, $0xb8;
	[tilespmem:$0xB800] =	vst v63  }
0x2be: {  	_ =	swait.ge [sflag:s8], $0x3200  }
0x2bf: {  	[sflag:s8] =	ssyncset.done $0x0  }
0x2c0: {  	[sflag:s8] =	ssyncadd.s32 $0xFFFFCE00  }
0x2c1: {  	_ =	swait.ge [sflag:s10], $0x1900  }
0x2c2: {  	[sflag:s10] =	ssyncset.done $0x0  }
0x2c3: {  	[sflag:s10] =	ssyncadd.s32 $0xFFFFE700  }
0x2c4: {  	_ =	swait.ge [sflag:s10], $0x1900  }
0x2c5: {  	[sflag:s10] =	ssyncset.done $0x0  }
0x2c6: {  	[sflag:s10] =	ssyncadd.s32 $0xFFFFE700  }
0x2c7: {  	[hbm4b:s5+s2] =	stream.linear.scatter [tilespmem:s14], [sflag:$0x2], $0x1900, $0x38;
	[tilespmem:$0xB800] =	vst v63  }
0x2c8: {  	s19 =	sadd.s32 $0x380, s5  }
0x2c9: {  	[hbm4b:s19+s2] =	stream.linear.scatter [tilespmem:s17], [sflag:$0x2], $0x1900, $0x38;
	[tilespmem:$0xB800] =	vst v63  }
0x2ca: {  	s24 =	rddreg [dreg:$0x17]  }
0x2cb: {  	[tilespmem:s14], [sflag:$0x1] =	stream.indirect.gather [hbm4b:s3+s16], $0x80, s24, s16, $0xb8;
	[tilespmem:$0xB800] =	vst v63  }
0x2cc: {  	s25 =	rddreg [dreg:$0x18]  }
0x2cd: {  	[tilespmem:s17], [sflag:$0x1] =	stream.indirect.gather [hbm4b:s3+s16], $0x80, s25, s16, $0xb8;
	[tilespmem:$0xB800] =	vst v63  }
0x2ce: {  	_ =	swait.ge [sflag:s8], $0x3200  }
0x2cf: {  	[sflag:s8] =	ssyncset.done $0x0  }
0x2d0: {  	[sflag:s8] =	ssyncadd.s32 $0xFFFFCE00  }
0x2d1: {  	_ =	swait.ge [sflag:s10], $0x1900  }
0x2d2: {  	[sflag:s10] =	ssyncset.done $0x0  }
0x2d3: {  	[sflag:s10] =	ssyncadd.s32 $0xFFFFE700  }
0x2d4: {  	_ =	swait.ge [sflag:s10], $0x1900  }
0x2d5: {  	[sflag:s10] =	ssyncset.done $0x0  }
0x2d6: {  	[sflag:s10] =	ssyncadd.s32 $0xFFFFE700  }
0x2d7: {  	[hbm4b:s20+s2] =	stream.linear.scatter [tilespmem:s13], [sflag:$0x2], $0x1900, $0x38;
	[tilespmem:$0xB800] =	vst v63  }
0x2d8: {  	s26 =	sadd.s32 $0x380, s20  }
0x2d9: {  	[hbm4b:s26+s2] =	stream.linear.scatter [tilespmem:s12], [sflag:$0x2], $0x1900, $0x38;
	[tilespmem:$0xB800] =	vst v63  }
0x2da: {  	s28 =	rddreg [dreg:$0x19]  }
0x2db: {  	[tilespmem:s13], [sflag:$0x1] =	stream.indirect.gather [hbm4b:s3+s16], $0x80, s28, s16, $0xb8;
	[tilespmem:$0xB800] =	vst v63  }
0x2dc: {  	s30 =	rddreg [dreg:$0x1a]  }
0x2dd: {  	[tilespmem:s12], [sflag:$0x1] =	stream.indirect.gather [hbm4b:s3+s16], $0x80, s30, s16, $0xb8;
	[tilespmem:$0xB800] =	vst v63  }
0x2de: {  	_ =	swait.ge [sflag:s8], $0x3200  }
0x2df: {  	[sflag:s8] =	ssyncset.done $0x0  }
0x2e0: {  	[sflag:s8] =	ssyncadd.s32 $0xFFFFCE00  }
0x2e1: {  	_ =	swait.ge [sflag:s10], $0x1900  }
0x2e2: {  	[sflag:s10] =	ssyncset.done $0x0  }
0x2e3: {  	[sflag:s10] =	ssyncadd.s32 $0xFFFFE700  }
0x2e4: {  	_ =	swait.ge [sflag:s10], $0x1900  }
0x2e5: {  	[sflag:s10] =	ssyncset.done $0x0  }
0x2e6: {  	[sflag:s10] =	ssyncadd.s32 $0xFFFFE700  }
0x2e7: {  	[hbm4b:s21+s2] =	stream.linear.scatter [tilespmem:s6], [sflag:$0x2], $0x1900, $0x38;
	[tilespmem:$0xB800] =	vst v63  }
0x2e8: {  	s1 =	sadd.s32 $0x380, s21  }
0x2e9: {  	[hbm4b:s1+s2] =	stream.linear.scatter [tilespmem:s7], [sflag:$0x2], $0x1900, $0x38;
	[tilespmem:$0xB800] =	vst v63  }
0x2ea: {  	s5 =	rddreg [dreg:$0x1b]  }
0x2eb: {  	[tilespmem:s6], [sflag:$0x1] =	stream.indirect.gather [hbm4b:s3+s16], $0x80, s5, s16, $0xb8;
	[tilespmem:$0xB800] =	vst v63  }
0x2ec: {  	s9 =	rddreg [dreg:$0x1c]  }
0x2ed: {  	[tilespmem:s7], [sflag:$0x1] =	stream.indirect.gather [hbm4b:s3+s16], $0x80, s9, s16, $0xb8;
	[tilespmem:$0xB800] =	vst v63  }
0x2ee: {  	_ =	swait.ge [sflag:s8], $0x3200  }
0x2ef: {  	[sflag:s8] =	ssyncset.done $0x0  }
0x2f0: {  	[sflag:s8] =	ssyncadd.s32 $0xFFFFCE00  }
0x2f1: {  	_ =	swait.ge [sflag:s10], $0x1900  }
0x2f2: {  	[sflag:s10] =	ssyncset.done $0x0  }
0x2f3: {  	[sflag:s10] =	ssyncadd.s32 $0xFFFFE700  }
0x2f4: {  	_ =	swait.ge [sflag:s10], $0x1900  }
0x2f5: {  	[sflag:s10] =	ssyncset.done $0x0  }
0x2f6: {  	[sflag:s10] =	ssyncadd.s32 $0xFFFFE700  }
0x2f7: {  	[hbm4b:s22+s2] =	stream.linear.scatter [tilespmem:s14], [sflag:$0x2], $0x1900, $0x38;
	[tilespmem:$0xB800] =	vst v63  }
0x2f8: {  	s15 =	sadd.s32 $0x380, s22  }
0x2f9: {  	[hbm4b:s15+s2] =	stream.linear.scatter [tilespmem:s17], [sflag:$0x2], $0x1900, $0x38;
	[tilespmem:$0xB800] =	vst v63  }
0x2fa: {  	s18 =	rddreg [dreg:$0x1d]  }
0x2fb: {  	[tilespmem:s14], [sflag:$0x1] =	stream.indirect.gather [hbm4b:s3+s16], $0x80, s18, s16, $0xb8;
	[tilespmem:$0xB800] =	vst v63  }
0x2fc: {  	s19 =	rddreg [dreg:$0x1e]  }
0x2fd: {  	[tilespmem:s17], [sflag:$0x1] =	stream.indirect.gather [hbm4b:s3+s16], $0x80, s19, s16, $0xb8;
	[tilespmem:$0xB800] =	vst v63  }
0x2fe: {  	_ =	swait.ge [sflag:s8], $0x3200  }
0x2ff: {  	[sflag:s8] =	ssyncset.done $0x0  }
0x300: {  	[sflag:s8] =	ssyncadd.s32 $0xFFFFCE00  }
0x301: {  	_ =	swait.ge [sflag:s10], $0x1900  }
0x302: {  	[sflag:s10] =	ssyncset.done $0x0  }
0x303: {  	[sflag:s10] =	ssyncadd.s32 $0xFFFFE700  }
0x304: {  	_ =	swait.ge [sflag:s10], $0x1900  }
0x305: {  	[sflag:s10] =	ssyncset.done $0x0  }
0x306: {  	[sflag:s10] =	ssyncadd.s32 $0xFFFFE700  }
0x307: {  	[hbm4b:s23+s2] =	stream.linear.scatter [tilespmem:s13], [sflag:$0x2], $0x1900, $0x38;
	[tilespmem:$0xB800] =	vst v63  }
0x308: {  	s20 =	sadd.s32 $0x380, s23;
	s21 =	rddreg [dreg:$0x1f]  }
0x309: {  	[hbm4b:s20+s2] =	stream.linear.scatter [tilespmem:s12], [sflag:$0x2], $0x1900, $0x38;
	[tilespmem:$0xB800] =	vst v63  }
0x30a: {  	s22 =	sld [smem:$0x7FB]  }
0x30b: {  	[tilespmem:s13], [sflag:$0x1] =	stream.indirect.gather [hbm4b:s3+s16], $0x80, s21, s16, $0xb8;
	[tilespmem:$0xB800] =	vst v63  }
0x30c: {  	_ = 	snop  }
0x30d: {  	[tilespmem:s12], [sflag:$0x1] =	stream.indirect.gather [hbm4b:s3+s16], $0x80, s22, s16, $0xb8;
	[tilespmem:$0xB800] =	vst v63  }
0x30e: {  	_ =	swait.ge [sflag:s8], $0x3200  }
0x30f: {  	[sflag:s8] =	ssyncset.done $0x0  }
0x310: {  	[sflag:s8] =	ssyncadd.s32 $0xFFFFCE00  }
0x311: {  	_ =	swait.ge [sflag:s10], $0x1900  }
0x312: {  	[sflag:s10] =	ssyncset.done $0x0  }
0x313: {  	[sflag:s10] =	ssyncadd.s32 $0xFFFFE700  }
0x314: {  	_ =	swait.ge [sflag:s10], $0x1900  }
0x315: {  	[sflag:s10] =	ssyncset.done $0x0  }
0x316: {  	[sflag:s10] =	ssyncadd.s32 $0xFFFFE700  }
0x317: {  	[hbm4b:s4+s2] =	stream.linear.scatter [tilespmem:s6], [sflag:$0x2], $0x1900, $0x38;
	[tilespmem:$0xB800] =	vst v63  }
0x318: {  	s23 =	sadd.s32 $0x380, s4;
	s24 =	sld [smem:$0x7FC]  }
0x319: {  	[hbm4b:s23+s2] =	stream.linear.scatter [tilespmem:s7], [sflag:$0x2], $0x1900, $0x38;
	[tilespmem:$0xB800] =	vst v63  }
0x31a: {  	s25 =	sld [smem:$0x7FD]  }
0x31b: {  	[tilespmem:s6], [sflag:$0x1] =	stream.indirect.gather [hbm4b:s3+s16], $0x80, s24, s16, $0xb8;
	[tilespmem:$0xB800] =	vst v63  }
0x31c: {  	_ = 	snop  }
0x31d: {  	[tilespmem:s7], [sflag:$0x1] =	stream.indirect.gather [hbm4b:s3+s16], $0x80, s25, s16, $0xb8;
	[tilespmem:$0xB800] =	vst v63  }
0x31e: {  	_ =	swait.ge [sflag:s8], $0x3200  }
0x31f: {  	[sflag:s8] =	ssyncset.done $0x0  }
0x320: {  	[sflag:s8] =	ssyncadd.s32 $0xFFFFCE00  }
0x321: {  	_ =	swait.ge [sflag:s10], $0x1900  }
0x322: {  	[sflag:s10] =	ssyncset.done $0x0  }
0x323: {  	[sflag:s10] =	ssyncadd.s32 $0xFFFFE700  }
0x324: {  	_ =	swait.ge [sflag:s10], $0x1900  }
0x325: {  	s26 =	sld [smem:$0x7FA]  }
0x326: {  	[sflag:s10] =	ssyncset.done $0x0  }
0x327: {  	[sflag:s10] =	ssyncadd.s32 $0xFFFFE700  }
0x328: {  	[hbm4b:s26+s2] =	stream.linear.scatter [tilespmem:s14], [sflag:$0x2], $0x1900, $0x38;
	[tilespmem:$0xB800] =	vst v63  }
0x329: {  	s0 =	sadd.s32 $0x380, s26  }
0x32a: {  	[hbm4b:s0+s2] =	stream.linear.scatter [tilespmem:s17], [sflag:$0x2], $0x1900, $0x38;
	[tilespmem:$0xB800] =	vst v63  }
0x32b: {  	_ =	swait.ge [sflag:s8], $0x3200  }
0x32c: {  	[sflag:s8] =	ssyncset.done $0x0  }
0x32d: {  	[sflag:s8] =	ssyncadd.s32 $0xFFFFCE00  }
0x32e: {  	_ =	swait.ge [sflag:s10], $0x1900  }
0x32f: {  	[sflag:s10] =	ssyncset.done $0x0  }
0x330: {  	[sflag:s10] =	ssyncadd.s32 $0xFFFFE700  }
0x331: {  	_ =	swait.ge [sflag:s10], $0x1900  }
0x332: {  	[sflag:s10] =	ssyncset.done $0x0  }
0x333: {  	[sflag:s10] =	ssyncadd.s32 $0xFFFFE700  }
0x334: {  	[hbm4b:s31+s2] =	stream.linear.scatter [tilespmem:s13], [sflag:$0x2], $0x1900, $0x38;
	[tilespmem:$0xB800] =	vst v63  }
0x335: {  	s28 =	sadd.s32 $0x380, s31  }
0x336: {  	[hbm4b:s28+s2] =	stream.linear.scatter [tilespmem:s12], [sflag:$0x2], $0x1900, $0x38;
	[tilespmem:$0xB800] =	vst v63  }
0x337: {  	_ =	swait.ge [sflag:s8], $0x3200  }
0x338: {  	[sflag:s8] =	ssyncset.done $0x0  }
0x339: {  	[sflag:s8] =	ssyncadd.s32 $0xFFFFCE00  }
0x33a: {  	_ =	swait.ge [sflag:s10], $0x1900  }
0x33b: {  	[sflag:s10] =	ssyncset.done $0x0  }
0x33c: {  	[sflag:s10] =	ssyncadd.s32 $0xFFFFE700  }
0x33d: {  	_ =	swait.ge [sflag:s10], $0x1900  }
0x33e: {  	[sflag:s10] =	ssyncset.done $0x0  }
0x33f: {  	[sflag:s10] =	ssyncadd.s32 $0xFFFFE700  }
0x340: {  	[hbm4b:s29+s2] =	stream.linear.scatter [tilespmem:s6], [sflag:$0x2], $0x1900, $0x38;
	[tilespmem:$0xB800] =	vst v63  }
0x341: {  	s30 =	sadd.s32 $0x380, s29  }
0x342: {  	[hbm4b:s30+s2] =	stream.linear.scatter [tilespmem:s7], [sflag:$0x2], $0x1900, $0x38;
	[tilespmem:$0xB800] =	vst v63  }
0x343: {  	_ =	swait.ge [sflag:s8], $0x3200  }
0x344: {  	[sflag:s8] =	ssyncset.done $0x0  }
0x345: {  	[sflag:s8] =	ssyncadd.s32 $0xFFFFCE00  }
0x346: {  	_ =	swait.ge [sflag:s8], $0x3200  }
0x347: {  	[sflag:s8] =	ssyncset.done $0x0  }
0x348: {  	[sflag:s8] =	ssyncadd.s32 $0xFFFFCE00  }
0x349: {  	_ =	swait.ge [sflag:s8], $0x3200  }
0x34a: {  	[sflag:s8] =	ssyncset.done $0x0  }
0x34b: {  	[sflag:s8] =	ssyncadd.s32 $0xFFFFCE00  }
0x34c: {  	_ =	sfence.sel $0x180000  }
0x34d: {  	s31 =	stileid.u32;
	[bflag:$0x0] =	sbarrier.arrive $0xFFFF  }
0x34e: {  	p0 =	sne.s32 s31, $0x0;
	_ =	strace $0x90000047  }
0x34f: {  	s0 =	sadd.s32 @!p0 $0x100000, s11;
	[bflag:$0x2] =	sbarrier.arrive $0xFFFF  }
0x350: {  	[sflag:s0] =	ssyncadd.tile.s32 @!p0 $0x1;
	_ =	shalt  }
.LBB2_1:
.Ltmp3:
0x351: {  	(pc) =	sbr.rel .LBB2_6-.Ltmp3, $3  }
0x352: {  	_ =	sdelay $0x1  }
0x353: {  	s4 =	smov.u32 s24;
	s24 =	sld [smem:$0x7F8]  }
0x354: {  	s26 =	sld [smem:$0x7F9]  }
.LBB2_3:
0x355: {  	s19 =	sld [smem:$0x7F6]  }
0x356: {  	s24 =	sld [smem:$0x7F8]  }
0x357: {  	s26 =	sld [smem:$0x7F9]  }
0x358: {  	s25 =	smov.u32 s11;
	s11 =	rddreg [dreg:$0x2]  }
.Ltmp4:
0x359: {  	s20 =	sld [smem:$0x7F7];
	(pc) =	sbr.rel .LBB2_6-.Ltmp4, $4  }
0x35a: {  	s23 =	smov.u32 s5;
	s5 =	sld [smem:$0x7F4]  }
0x35b: {  	s18 =	sld [smem:$0x7F3]  }
0x35c: {  	s21 =	smov.u32 s15;
	s15 =	sld [smem:$0x7F1]  }
0x35d: {  	s22 =	smov.u32 s9;
	s9 =	sld [smem:$0x7EE]  }
.Lfunc_end2:
_tile_overlayer_lowered:
.L_overlay_start_2:
0x35e: {  	(tag) =	ssettag $0x2  }
0x35f: {  	s0 =	rddreg [dreg:$0x0];
	s2 =	stileid.u32  }
0x360: {  	s1 =	rddreg [dreg:$0x1];
	p0 =	sne.s32 s2, $0x0  }
0x361: {  	s3 =	rddreg [dreg:$0x2];
	[bflag:$0x3] =	sbarrier.arrive $0xFFFF;
	s2 =	simm.s32 @!p0 $0x1C03  }
0x362: {  	[timem:s3], [sflag:s2] =	dma.local @!p0 [hbm:s0], s1  }
0x363: {  	s0 =	simm.s32 @!p0 $0x3  }
0x364: {  	_ =	swait.ge @!p0 [sflag:s0], s1  }
0x365: {  	s1 =	ssub.s32 @!p0 $0x0, s1;
	[sflag:s0] =	ssyncset.done @!p0 $0x0  }
0x366: {  	[sflag:s0] =	ssyncadd.s32 @!p0 s1  }
0x367: {  	[bflag:$0x3] =	sbarrier.arrive $0xFFFF  }
0x368: {  	_ =	shalt  }

</sc_bundles>
